<compile_context>
chip_gen: v7x
topology: tpu7x:2x2x1
jax: 0.10.2.dev20260603
libtpu: 0.0.44.dev20260713+nightly
codegen_flags: <defaults>
</compile_context>

<pallas_src>
import jax
import jax.numpy as jnp
from jax import lax
from jax.experimental import pallas as pl
from jax.experimental.pallas import tpu as pltpu
from jax.experimental.pallas import tpu_sc as plsc

N = 10000
E = 320000
EPS = 1e-8

NW = 32
EPW = E // NW
CH = 80
NIT = EPW // CH
TW = 256
VW = 128

NBLK = 1000
EBLK = 2000


def _nn(sumsq):
    return jnp.sqrt(jnp.clip(sumsq, EPS, None))


def _bd(w, reps):
    k, n = w.shape
    m = jnp.zeros((reps * k, reps * n), w.dtype)
    for c in range(reps):
        m = m.at[c * k:(c + 1) * k, c * n:(c + 1) * n].set(w)
    return m


def _bd_perm(w):
    m = jnp.zeros((6, 6), w.dtype)
    for c in range(3):
        for i in range(2):
            for j in range(2):
                m = m.at[2 * c + i, 3 * j + c].set(w[i, j])
    return m


def _full(shape):
    return pl.BlockSpec(shape, lambda i: tuple(0 for _ in shape))


def _node_pre_body(x_ref, xv_ref, lsw_ref, lsb_ref, wa_ref, wc_ref, b1_ref,
                   wh1_ref, s_ref, tsrc_ref, tdst_ref):
    s = jnp.dot(x_ref[...], lsw_ref[...], preferred_element_type=jnp.float32)
    s = s + lsb_ref[...]
    s_ref[...] = s
    sa = jnp.dot(s, wa_ref[...], preferred_element_type=jnp.float32) + b1_ref[...]
    sc = jnp.dot(s, wc_ref[...], preferred_element_type=jnp.float32)
    xv = xv_ref[...]
    wh1 = wh1_ref[...]
    zpad = jnp.zeros((xv.shape[0], TW - 143), jnp.float32)
    pcols, qcols = [], []
    for c in range(3):
        vc = jnp.concatenate([xv[:, c:c + 1], xv[:, 3 + c:4 + c]], axis=1)
        pcols.append(jnp.dot(vc, wh1[0:2, :], preferred_element_type=jnp.float32))
        qcols.append(jnp.dot(vc, wh1[3:5, :], preferred_element_type=jnp.float32))
    tsrc_ref[...] = jnp.concatenate([sa] + pcols + [zpad], axis=1)
    tdst_ref[...] = jnp.concatenate([sc] + qcols + [zpad], axis=1)


def _node_pre(x, xv6, lsw, lsb, wa, wc, b1, wh1, interpret=False):
    grid = N // NBLK
    return pl.pallas_call(
        _node_pre_body,
        grid=(grid,),
        in_specs=[
            pl.BlockSpec((NBLK, 1433), lambda i: (i, 0)),
            pl.BlockSpec((NBLK, 6), lambda i: (i, 0)),
            _full((1433, 128)),
            _full((1, 128)),
            _full((128, 128)),
            _full((128, 128)),
            _full((1, 128)),
            _full((5, 5)),
        ],
        out_specs=[
            pl.BlockSpec((NBLK, 128), lambda i: (i, 0)),
            pl.BlockSpec((NBLK, TW), lambda i: (i, 0)),
            pl.BlockSpec((NBLK, TW), lambda i: (i, 0)),
        ],
        out_shape=[
            jax.ShapeDtypeStruct((N, 128), jnp.float32),
            jax.ShapeDtypeStruct((N, TW), jnp.float32),
            jax.ShapeDtypeStruct((N, TW), jnp.float32),
        ],
        interpret=interpret,
    )(x, xv6, lsw, lsb, wa, wc, b1, wh1)


def _sc_gather_body(tsrc_hbm, tdst_hbm, srci_hbm, dsti_hbm, gs_hbm, gd_hbm,
                    idx_v, rows0, rows1, sem0, sem1):
    c = lax.axis_index("c")
    s = lax.axis_index("s")
    wid = s * 2 + c
    base = wid * EPW

    def one_table(tab_hbm, ih_hbm, out_hbm):
        pltpu.sync_copy(ih_hbm.at[wid], idx_v)
        pltpu.async_copy(tab_hbm.at[idx_v.at[0]], rows0, sem0)

        def body(k, carry):
            j = 2 * k
            pltpu.make_async_copy(tab_hbm.at[idx_v.at[j]], rows0, sem0).wait()
            pltpu.async_copy(tab_hbm.at[idx_v.at[j + 1]], rows1, sem1)
            pltpu.sync_copy(rows0, out_hbm.at[pl.ds(base + j * CH, CH)])
            pltpu.make_async_copy(tab_hbm.at[idx_v.at[j + 1]], rows1,
                                  sem1).wait()
            pltpu.async_copy(tab_hbm.at[idx_v.at[j + 2]], rows0, sem0)
            pltpu.sync_copy(rows1, out_hbm.at[pl.ds(base + (j + 1) * CH, CH)])
            return carry

        lax.fori_loop(0, (NIT - 1) // 2, body, 0)
        pltpu.make_async_copy(tab_hbm.at[idx_v.at[NIT - 1]], rows0,
                              sem0).wait()
        pltpu.sync_copy(rows0, out_hbm.at[pl.ds(base + (NIT - 1) * CH, CH)])

    one_table(tsrc_hbm, srci_hbm, gs_hbm)
    one_table(tdst_hbm, dsti_hbm, gd_hbm)


def _sc_gather(tsrc, tdst, srci, dsti):
    mesh = plsc.VectorSubcoreMesh(core_axis_name="c", subcore_axis_name="s")
    fn = pl.kernel(
        _sc_gather_body,
        out_type=[
            jax.ShapeDtypeStruct((E, TW), jnp.float32),
            jax.ShapeDtypeStruct((E, TW), jnp.float32),
        ],
        mesh=mesh,
        scratch_types=[
            pltpu.VMEM((NIT, CH), jnp.int32),
            pltpu.VMEM((CH, TW), jnp.float32),
            pltpu.VMEM((CH, TW), jnp.float32),
            pltpu.SemaphoreType.DMA,
            pltpu.SemaphoreType.DMA,
        ],
    )
    return fn(tsrc, tdst, srci, dsti)


def _edge_body(gs_ref, gsv_ref, gd_ref, gdv_ref, ep_ref, wh1r2_ref, wb_ref,
               wd_ref, wv1_ref, wh2_ref, w2a_ref, w2b_ref, b2_ref, wv2_ref,
               wh3_ref, w3a_ref, w3b_ref, b3_ref, wv3_ref, outs_ref, outv_ref):
    gsv = gsv_ref[...]
    gdv = gdv_ref[...]
    ep = ep_ref[...]
    es = ep[:, 0:8]
    nb = es.shape[0]
    bf = jnp.bfloat16
    evt = jnp.concatenate([ep[:, 8 + c:9 + c] * wh1r2_ref[...]
                           for c in range(3)], axis=1)
    vh1 = (gsv[:, 0:15] + gdv[:, 0:15] + evt).astype(bf)
    vn1 = _nn(vh1[:, 0:5] ** 2 + vh1[:, 5:10] ** 2 + vh1[:, 10:15] ** 2)
    s1 = gs_ref[...] + gd_ref[...]
    s1 = s1 + jnp.dot(es.astype(bf), wb_ref[...],
                      preferred_element_type=jnp.float32)
    s1 = s1 + jnp.dot(vn1, wd_ref[...], preferred_element_type=jnp.float32)
    s1 = jnp.maximum(s1, 0.0)
    vo1 = jnp.dot(vh1, wv1_ref[...],
                  preferred_element_type=jnp.float32).astype(bf)
    g1 = jax.nn.sigmoid(_nn(vo1[:, 0:2] ** 2 + vo1[:, 2:4] ** 2
                            + vo1[:, 4:6] ** 2))
    vo1 = vo1 * jnp.concatenate([g1, g1, g1], axis=1)
    vh2 = jnp.dot(vo1, wh2_ref[...],
                  preferred_element_type=jnp.float32).astype(bf)
    vn2 = _nn(vh2[:, 0:2] ** 2 + vh2[:, 2:4] ** 2 + vh2[:, 4:6] ** 2)
    s2 = jnp.dot(s1.astype(bf), w2a_ref[...],
                 preferred_element_type=jnp.float32)
    s2 = s2 + jnp.dot(vn2, w2b_ref[...], preferred_element_type=jnp.float32)
    s2 = jnp.maximum(s2 + b2_ref[...], 0.0)
    vo2 = jnp.dot(vh2, wv2_ref[...],
                  preferred_element_type=jnp.float32).astype(bf)
    g2 = jax.nn.sigmoid(_nn(vo2[:, 0:2] ** 2 + vo2[:, 2:4] ** 2
                            + vo2[:, 4:6] ** 2))
    vo2 = vo2 * jnp.concatenate([g2, g2, g2], axis=1)
    vh3 = jnp.dot(vo2, wh3_ref[...],
                  preferred_element_type=jnp.float32).astype(bf)
    vn3 = _nn(vh3[:, 0:2] ** 2 + vh3[:, 2:4] ** 2 + vh3[:, 4:6] ** 2)
    s3 = jnp.dot(s2.astype(bf), w3a_ref[...],
                 preferred_element_type=jnp.float32)
    s3 = s3 + jnp.dot(vn3, w3b_ref[...], preferred_element_type=jnp.float32)
    outs_ref[...] = s3 + b3_ref[...]
    vo3 = jnp.dot(vh3, wv3_ref[...], preferred_element_type=jnp.float32)
    ones = jnp.ones((nb, 1), jnp.float32)
    zpad = jnp.zeros((nb, VW - 7), jnp.float32)
    outv_ref[...] = jnp.concatenate([vo3, ones, zpad], axis=1)


def _edge(gs, gd, epack, w, interpret=False):
    grid = E // EBLK
    return pl.pallas_call(
        _edge_body,
        grid=(grid,),
        in_specs=[
            pl.BlockSpec((EBLK, 128), lambda i: (i, 0)),
            pl.BlockSpec((EBLK, 128), lambda i: (i, 1)),
            pl.BlockSpec((EBLK, 128), lambda i: (i, 0)),
            pl.BlockSpec((EBLK, 128), lambda i: (i, 1)),
            pl.BlockSpec((EBLK, 16), lambda i: (i, 0)),
            _full((1, 5)),
            _full((8, 128)),
            _full((5, 128)),
            _full((15, 6)),
            _full((6, 6)),
            _full((128, 128)),
            _full((2, 128)),
            _full((1, 128)),
            _full((6, 6)),
            _full((6, 6)),
            _full((128, 128)),
            _full((2, 128)),
            _full((1, 128)),
            _full((6, 6)),
        ],
        out_specs=[
            pl.BlockSpec((EBLK, 128), lambda i: (i, 0)),
            pl.BlockSpec((EBLK, VW), lambda i: (i, 0)),
        ],
        out_shape=[
            jax.ShapeDtypeStruct((E, 128), jnp.float32),
            jax.ShapeDtypeStruct((E, VW), jnp.float32),
        ],
        interpret=interpret,
    )(gs, gs, gd, gd, epack, *w)


def _scatter_stripes(s):
    return s * 624


def _make_scatter_body(width):
    def body(me_hbm, dsti_hbm, zer_hbm, out_hbm, idx_v, rows_v, accum, sem):
        c = lax.axis_index("c")
        s = lax.axis_index("s")
        wid = s * 2 + c
        base = wid * EPW
        r0 = _scatter_stripes(s)
        pltpu.sync_copy(zer_hbm.at[pl.ds(0, 624)], accum.at[pl.ds(r0, 624)])

        @pl.when(s == 15)
        def _():
            pltpu.sync_copy(zer_hbm.at[pl.ds(624, 16)],
                            accum.at[pl.ds(9984, 16)])

        plsc.subcore_barrier()
        pltpu.sync_copy(dsti_hbm.at[wid], idx_v)

        def loop(j, carry):
            pltpu.sync_copy(me_hbm.at[pl.ds(base + j * CH, CH)], rows_v)
            pltpu.sync_copy(rows_v, accum.at[idx_v.at[j]], add=True)
            return carry

        lax.fori_loop(0, NIT, loop, 0)
        plsc.subcore_barrier()
        pltpu.sync_copy(accum.at[pl.ds(r0, 624)],
                        out_hbm.at[c, pl.ds(r0, 624)])

        @pl.when(s == 15)
        def _():
            pltpu.sync_copy(accum.at[pl.ds(9984, 16)],
                            out_hbm.at[c, pl.ds(9984, 16)])

    return body


def _sc_scatter(medge, dsti, zer, width, tc_tiling):
    mesh = plsc.VectorSubcoreMesh(core_axis_name="c", subcore_axis_name="s")
    fn = pl.kernel(
        _make_scatter_body(width),
        out_type=jax.ShapeDtypeStruct((2, N, width), jnp.float32),
        mesh=mesh,
        scratch_types=[
            pltpu.VMEM((NIT, CH), jnp.int32),
            pltpu.VMEM((CH, width), jnp.float32),
            pltpu.VMEM_SHARED((N, width), jnp.float32),
            pltpu.SemaphoreType.DMA,
        ],
        compiler_params=pltpu.CompilerParams(use_tc_tiling_on_sc=tc_tiling),
    )
    return fn(medge, dsti, zer)


def _ln(x, g, b):
    mu = jnp.mean(x, axis=-1, keepdims=True)
    xc = x - mu
    var = jnp.mean(xc * xc, axis=-1, keepdims=True)
    return xc * lax.rsqrt(var + 1e-5) * g + b


def _node_post_body(ps_ref, pv_ref, s_ref, xv_ref, g0_ref, b0_ref, whf1_ref,
                    wsf1_ref, bf1_ref, wvf1_ref, whf2_ref, wsf2_ref, bf2_ref,
                    g1_ref, b1_ref, rot_ref, rob_ref, out_ref):
    accs = ps_ref[0] + ps_ref[1]
    accv = pv_ref[0] + pv_ref[1]
    cnt = jnp.maximum(accv[:, 6:7], 1.0)
    s = s_ref[...]
    sp = _ln(s + accs / cnt, g0_ref[...], b0_ref[...])
    xv = xv_ref[...]
    vp = []
    for c in range(3):
        dv = jnp.concatenate([accv[:, c:c + 1], accv[:, 3 + c:4 + c]],
                             axis=1) / cnt
        vc = jnp.concatenate([xv[:, c:c + 1], xv[:, 3 + c:4 + c]], axis=1)
        vp.append(vc + dv)
    vnch = jnp.clip(vp[0] ** 2 + vp[1] ** 2 + vp[2] ** 2, EPS, None)
    vnn = jnp.sqrt(jnp.mean(vnch, axis=-1, keepdims=True))
    vp = [v / vnn for v in vp]
    fvh = [jnp.dot(v, whf1_ref[...], preferred_element_type=jnp.float32)
           for v in vp]
    fvn = _nn(fvh[0] ** 2 + fvh[1] ** 2 + fvh[2] ** 2)
    fs = jnp.dot(jnp.concatenate([sp, fvn], axis=1), wsf1_ref[...],
                 preferred_element_type=jnp.float32) + bf1_ref[...]
    fs = jnp.maximum(fs, 0.0)
    fvo = [jnp.dot(v, wvf1_ref[...], preferred_element_type=jnp.float32)
           for v in fvh]
    gf = jax.nn.sigmoid(_nn(fvo[0] ** 2 + fvo[1] ** 2 + fvo[2] ** 2))
    fvo = [v * gf for v in fvo]
    v2 = [jnp.dot(v, whf2_ref[...], preferred_element_type=jnp.float32)
          for v in fvo]
    vn2 = _nn(v2[0] ** 2 + v2[1] ** 2 + v2[2] ** 2)
    fs2 = jnp.dot(jnp.concatenate([fs, vn2], axis=1), wsf2_ref[...],
                  preferred_element_type=jnp.float32) + bf2_ref[...]
    sf = _ln(sp + fs2, g1_ref[...], b1_ref[...])
    logit = jnp.sum(sf * rot_ref[...], axis=1, keepdims=True) + rob_ref[0, 0]
    out_ref[...] = jax.nn.sigmoid(logit)


def _node_post(ps, pv, s, xv6, w, interpret=False):
    grid = N // NBLK
    return pl.pallas_call(
        _node_post_body,
        grid=(grid,),
        in_specs=[
            pl.BlockSpec((2, NBLK, 128), lambda i: (0, i, 0)),
            pl.BlockSpec((2, NBLK, VW), lambda i: (0, i, 0)),
            pl.BlockSpec((NBLK, 128), lambda i: (i, 0)),
            pl.BlockSpec((NBLK, 6), lambda i: (i, 0)),
            _full((1, 128)),
            _full((1, 128)),
            _full((2, 4)),
            _full((132, 512)),
            _full((1, 512)),
            _full((4, 4)),
            _full((4, 4)),
            _full((516, 128)),
            _full((1, 128)),
            _full((1, 128)),
            _full((1, 128)),
            _full((1, 128)),
            _full((1, 1)),
        ],
        out_specs=pl.BlockSpec((NBLK, 1), lambda i: (i, 0)),
        out_shape=jax.ShapeDtypeStruct((N, 1), jnp.float32),
        interpret=interpret,
    )(ps, pv, s, xv6, *w)


def _edge_weights(p):
    ws1 = p["m1"]["ws_W"]
    return [
        p["m1"]["wh"][2:3, :],
        ws1[128:136, :].astype(jnp.bfloat16),
        ws1[264:269, :].astype(jnp.bfloat16),
        _bd(p["m1"]["wv"], 3).astype(jnp.bfloat16),
        _bd(p["m2"]["wh"], 3).astype(jnp.bfloat16),
        p["m2"]["ws_W"][0:128, :].astype(jnp.bfloat16),
        p["m2"]["ws_W"][128:130, :].astype(jnp.bfloat16),
        p["m2"]["ws_b"].reshape(1, 128),
        _bd(p["m2"]["wv"], 3).astype(jnp.bfloat16),
        _bd(p["m3"]["wh"], 3).astype(jnp.bfloat16),
        p["m3"]["ws_W"][0:128, :].astype(jnp.bfloat16),
        p["m3"]["ws_W"][128:130, :].astype(jnp.bfloat16),
        p["m3"]["ws_b"].reshape(1, 128),
        _bd_perm(p["m3"]["wv"]).astype(jnp.bfloat16),
    ]


def _post_weights(p):
    return [
        p["ln0_g"].reshape(1, 128),
        p["ln0_b"].reshape(1, 128),
        p["ff1"]["wh"],
        p["ff1"]["ws_W"],
        p["ff1"]["ws_b"].reshape(1, 512),
        p["ff1"]["wv"],
        p["ff2"]["wh"],
        p["ff2"]["ws_W"],
        p["ff2"]["ws_b"].reshape(1, 128),
        p["ln1_g"].reshape(1, 128),
        p["ln1_b"].reshape(1, 128),
        p["ro_W"].reshape(1, 128),
        p["ro_b"].reshape(1, 1),
    ]


def kernel(x_scalar, x_vector, edge_index, edge_scalar, edge_vector, labels,
           params):
    p = params
    ws1 = p["m1"]["ws_W"]
    xv6 = x_vector.reshape(N, 6)
    epack = jnp.concatenate(
        [edge_scalar, edge_vector.reshape(E, 3),
         jnp.zeros((E, 5), jnp.float32)], axis=1)
    srci = edge_index[0].reshape(NW, NIT, CH)
    dsti = edge_index[1].reshape(NW, NIT, CH)

    s, tsrc, tdst = _node_pre(
        x_scalar, xv6, p["ls_W"], p["ls_b"].reshape(1, 128),
        ws1[0:128, :], ws1[136:264, :], p["m1"]["ws_b"].reshape(1, 128),
        p["m1"]["wh"])
    gs, gd = _sc_gather(tsrc, tdst, srci, dsti)
    meds, medv = _edge(gs, gd, epack, _edge_weights(p))
    parts = _sc_scatter(meds, dsti, jnp.zeros((640, 128), jnp.float32),
                        128, True)
    partv = _sc_scatter(medv, dsti, jnp.zeros((640, VW), jnp.float32),
                        VW, True)
    out = _node_post(parts, partv, s, xv6, _post_weights(p))
    return (out.reshape(N), labels)

# --- scband reference (transcript-rebuilt; emitter-appended) ---
"""Pipeline reference for scband-scoring-model-33543694582408 (READ-ONLY COPY).

The authoritative reference and input builder live on the scoring server;
editing this copy changes nothing except your own understanding.
"""

import jax, jax.numpy as jnp
import numpy as np

N_NODES = 10000
N_EDGES = 320000
EPS = 1e-8


def _norm_no_nan(x, axis=-1, keepdims=False, sqrt=True):
    out = jnp.clip(jnp.sum(jnp.square(x), axis=axis, keepdims=keepdims), EPS, None)
    return jnp.sqrt(out) if sqrt else out


def _gvp_params(key, si, vi, so, vo):
    h = max(vi, vo)
    ks = jax.random.split(key, 3)
    return {
        "wh": jax.random.normal(ks[0], (vi, h), jnp.float32) / np.sqrt(vi),
        "ws_W": jax.random.normal(ks[1], (si + h, so), jnp.float32) / np.sqrt(si + h),
        "ws_b": jnp.zeros((so,), jnp.float32),
        "wv": jax.random.normal(ks[2], (h, vo), jnp.float32) / np.sqrt(h),
    }


def _gvp_apply(p, s, v, scalar_act, vector_act):
    # v: [n, vi, 3]; faithful to gvp-pytorch GVP with activations=(relu, sigmoid)
    vt = jnp.swapaxes(v, -1, -2)                 # [n, 3, vi]
    vh = vt @ p["wh"]                             # [n, 3, h]
    vn = _norm_no_nan(vh, axis=-2)                # [n, h]
    s = jnp.concatenate([s, vn], axis=-1) @ p["ws_W"] + p["ws_b"]
    vout = jnp.swapaxes(vh @ p["wv"], -1, -2)     # [n, vo, 3]
    if vector_act:
        vout = vout * jax.nn.sigmoid(_norm_no_nan(vout, axis=-1, keepdims=True))
    if scalar_act:
        s = jax.nn.relu(s)
    return s, vout


def _scalar_ln(x, g, b):
    mu = jnp.mean(x, axis=-1, keepdims=True)
    var = jnp.mean(jnp.square(x - mu), axis=-1, keepdims=True)
    return (x - mu) / jnp.sqrt(var + 1e-5) * g + b


def _vector_ln(v):
    vn = _norm_no_nan(v, axis=-1, keepdims=True, sqrt=False)   # [n, nv, 1]
    vn = jnp.sqrt(jnp.mean(vn, axis=-2, keepdims=True))        # [n, 1, 1]
    return v / vn


def model_forward(params, x_scalar, x_vector, edge_index, edge_scalar, edge_vector):
    n = x_scalar.shape[0]
    # linear_scalar
    s = x_scalar @ params["ls_W"] + params["ls_b"]   # [N, 128]
    v = x_vector                                        # [N, 2, 3]
    # GVPConv message passing (node dims (128,2), edge dims (8,1), 3 message GVPs, mean aggr)
    src = edge_index[0]
    dst = edge_index[1]
    ms = jnp.concatenate([s[src], edge_scalar, s[dst]], axis=-1)   # [E, 264]
    mv = jnp.concatenate([v[src], edge_vector, v[dst]], axis=-2)   # [E, 5, 3]
    ms, mv = _gvp_apply(params["m1"], ms, mv, True, True)
    ms, mv = _gvp_apply(params["m2"], ms, mv, True, True)
    ms, mv = _gvp_apply(params["m3"], ms, mv, False, False)
    ones = jnp.ones((dst.shape[0],), jnp.float32)
    cnt = jnp.maximum(jax.ops.segment_sum(ones, dst, num_segments=n), 1.0)
    ds = jax.ops.segment_sum(ms, dst, num_segments=n) / cnt[:, None]
    dv = jax.ops.segment_sum(mv, dst, num_segments=n) / cnt[:, None, None]
    # residual + LayerNorm (dropout is identity in eval)
    s = _scalar_ln(s + ds, params["ln0_g"], params["ln0_b"])
    v = _vector_ln(v + dv)
    # feedforward: GVP (128,2)->(512,4)->(128,2)
    fs, fv = _gvp_apply(params["ff1"], s, v, True, True)
    fs, fv = _gvp_apply(params["ff2"], fs, fv, False, False)
    s = _scalar_ln(s + fs, params["ln1_g"], params["ln1_b"])
    v = _vector_ln(v + fv)
    # read_out + sigmoid (scalar channel only, as in the original model)
    out = jax.nn.sigmoid(jnp.squeeze(s @ params["ro_W"] + params["ro_b"], axis=-1))
    return out


def setup_inputs(seed: int = 0):
    key = jax.random.key(seed)
    ks = [jax.random.fold_in(key, i) for i in range(16)]
    params = {
        "ls_W": jax.random.normal(ks[0], (1433, 128), jnp.float32) / np.sqrt(1433),
        "ls_b": jnp.zeros((128,), jnp.float32),
        "m1": _gvp_params(ks[1], 264, 5, 128, 2),
        "m2": _gvp_params(ks[2], 128, 2, 128, 2),
        "m3": _gvp_params(ks[3], 128, 2, 128, 2),
        "ln0_g": jnp.ones((128,), jnp.float32),
        "ln0_b": jnp.zeros((128,), jnp.float32),
        "ff1": _gvp_params(ks[4], 128, 2, 512, 4),
        "ff2": _gvp_params(ks[5], 512, 4, 128, 2),
        "ln1_g": jnp.ones((128,), jnp.float32),
        "ln1_b": jnp.zeros((128,), jnp.float32),
        "ro_W": jax.random.normal(ks[6], (128, 1), jnp.float32) / np.sqrt(128),
        "ro_b": jnp.zeros((1,), jnp.float32),
    }
    x_scalar = jax.random.normal(ks[7], (N_NODES, 1433), jnp.float32)
    x_vector = jax.random.normal(ks[8], (N_NODES, 2, 3), jnp.float32)
    edge_index = jax.random.randint(ks[9], (2, N_EDGES), 0, N_NODES, dtype=jnp.int32)
    edge_scalar = jax.random.normal(ks[10], (N_EDGES, 8), jnp.float32)
    edge_vector = jax.random.normal(ks[11], (N_EDGES, 1, 3), jnp.float32)
    labels = jax.random.uniform(ks[12], (N_NODES,), jnp.float32)
    return {
        "x_scalar": x_scalar,
        "x_vector": x_vector,
        "edge_index": edge_index,
        "edge_scalar": edge_scalar,
        "edge_vector": edge_vector,
        "labels": labels,
        "params": params,
    }


def reference(x_scalar, x_vector, edge_index, edge_scalar, edge_vector, labels, params):
    output = model_forward(params, x_scalar, x_vector, edge_index, edge_scalar, edge_vector)
    return (output, labels)

if __name__ == "__main__":
    import jax
    _d = setup_inputs()
    print(jax.jit(kernel)(*tuple(_d.values())))

</pallas_src>

<mosaic_0001>
#map = affine_map<(d0, d1) -> (0, 0)>
#map1 = affine_map<(d0, d1) -> (0, 0, 0)>
module attributes {stable_mosaic.version = 14 : i64} {
  func.func @body(%arg0: i32, %arg1: i32, %arg2: memref<320000x128xf32, #tpu.memory_space<hbm>>, %arg3: memref<32x125x80xi32, #tpu.memory_space<hbm>>, %arg4: memref<640x128xf32, #tpu.memory_space<hbm>>, %arg5: memref<2x10000x128xf32, #tpu.memory_space<hbm>>, %arg6: memref<125x80xi32, #tpu.memory_space<vmem>>, %arg7: memref<80x128xf32, #tpu.memory_space<vmem>>, %arg8: memref<10000x128xf32, #tpu.memory_space<vmem_shared>>, %arg9: memref<!tpu.dma_semaphore, #tpu.memory_space<semaphore_mem>>) attributes {dimension_semantics = [#tpu.dimension_semantics<core_parallel>, #tpu.dimension_semantics<subcore_parallel>], iteration_bounds = array<i64: 2, 16>, scalar_prefetch = 0 : i64, scratch_operands = 4 : i64, tpu.core_type = #tpu.core_type<sc_vector_subcore>, window_params = [{transform_indices = #map}, {transform_indices = #map1}, {transform_indices = #map}, {transform_indices = #map1}]} {
    %mul3A = arith.constant 2 : i32
    %mul3A_0 = arith.muli %arg1, %mul3A : i32
    %add3A = arith.addi %mul3A_0, %arg0 : i32
    %mul3A_1 = arith.constant 10000 : i32
    %mul3A_2 = arith.muli %add3A, %mul3A_1 : i32
    %mul3A_3 = arith.constant 624 : i32
    %mul3A_4 = arith.muli %arg1, %mul3A_3 : i32
    "tpu.region"() ({
      %run_scoped3A = tpu.sem_alloc : memref<!tpu.dma_semaphore, #tpu.memory_space<semaphore_mem>>
      %dma_start3A = arith.constant 0 : i32
      %dma_start3A_18 = tpu.memref_slice %arg8[%mul3A_4, %dma_start3A] : memref<10000x128xf32, #tpu.memory_space<vmem_shared>> -> memref<624x128xf32, #tpu.memory_space<vmem_shared>>
      %dma_start3A_19 = arith.constant 0 : i32
      %dma_start3A_20 = arith.constant 0 : i32
      %dma_start3A_21 = tpu.memref_slice %arg4[%dma_start3A_19, %dma_start3A_20] : memref<640x128xf32, #tpu.memory_space<hbm>> -> memref<624x128xf32, #tpu.memory_space<hbm>>
      tpu.enqueue_dma source(%dma_start3A_21 : memref<624x128xf32, #tpu.memory_space<hbm>>) target(%dma_start3A_18 : memref<624x128xf32, #tpu.memory_space<vmem_shared>>) target_semaphore(%run_scoped3A : memref<!tpu.dma_semaphore, #tpu.memory_space<semaphore_mem>>)
      %dma_wait3A = arith.constant 0 : i32
      %dma_wait3A_22 = tpu.memref_slice %arg8[%mul3A_4, %dma_wait3A] : memref<10000x128xf32, #tpu.memory_space<vmem_shared>> -> memref<624x128xf32, #tpu.memory_space<vmem_shared>>
      %dma_wait3A_23 = arith.constant 0 : i32
      %dma_wait3A_24 = arith.constant 0 : i32
      %dma_wait3A_25 = tpu.memref_slice %arg4[%dma_wait3A_23, %dma_wait3A_24] : memref<640x128xf32, #tpu.memory_space<hbm>> -> memref<624x128xf32, #tpu.memory_space<hbm>>
      tpu.wait_dma2 semaphore(%run_scoped3A : memref<!tpu.dma_semaphore, #tpu.memory_space<semaphore_mem>>) src(%dma_wait3A_25 : memref<624x128xf32, #tpu.memory_space<hbm>>) dst(%dma_wait3A_22 : memref<624x128xf32, #tpu.memory_space<vmem_shared>>)
      tpu.yield
    }) : () -> ()
    %eq3A = arith.constant 15 : i32
    %eq3A_5 = arith.cmpi eq, %arg1, %eq3A : i32
    %convert_element_type3A = arith.extui %eq3A_5 : i1 to i32
    %cond3A = arith.constant 0 : i32
    %cond3A_6 = arith.cmpi ne, %convert_element_type3A, %cond3A : i32
    scf.if %cond3A_6 {
      "tpu.region"() ({
        %run_scoped3A = tpu.sem_alloc : memref<!tpu.dma_semaphore, #tpu.memory_space<semaphore_mem>>
        %dma_start3A = arith.constant 9984 : i32
        %dma_start3A_18 = arith.constant 0 : i32
        %dma_start3A_19 = tpu.memref_slice %arg8[%dma_start3A, %dma_start3A_18] : memref<10000x128xf32, #tpu.memory_space<vmem_shared>> -> memref<16x128xf32, #tpu.memory_space<vmem_shared>>
        %dma_start3A_20 = arith.constant 624 : i32
        %dma_start3A_21 = arith.constant 0 : i32
        %dma_start3A_22 = tpu.memref_slice %arg4[%dma_start3A_20, %dma_start3A_21] : memref<640x128xf32, #tpu.memory_space<hbm>> -> memref<16x128xf32, #tpu.memory_space<hbm>>
        tpu.enqueue_dma source(%dma_start3A_22 : memref<16x128xf32, #tpu.memory_space<hbm>>) target(%dma_start3A_19 : memref<16x128xf32, #tpu.memory_space<vmem_shared>>) target_semaphore(%run_scoped3A : memref<!tpu.dma_semaphore, #tpu.memory_space<semaphore_mem>>)
        %dma_wait3A = arith.constant 9984 : i32
        %dma_wait3A_23 = arith.constant 0 : i32
        %dma_wait3A_24 = tpu.memref_slice %arg8[%dma_wait3A, %dma_wait3A_23] : memref<10000x128xf32, #tpu.memory_space<vmem_shared>> -> memref<16x128xf32, #tpu.memory_space<vmem_shared>>
        %dma_wait3A_25 = arith.constant 624 : i32
        %dma_wait3A_26 = arith.constant 0 : i32
        %dma_wait3A_27 = tpu.memref_slice %arg4[%dma_wait3A_25, %dma_wait3A_26] : memref<640x128xf32, #tpu.memory_space<hbm>> -> memref<16x128xf32, #tpu.memory_space<hbm>>
        tpu.wait_dma2 semaphore(%run_scoped3A : memref<!tpu.dma_semaphore, #tpu.memory_space<semaphore_mem>>) src(%dma_wait3A_27 : memref<16x128xf32, #tpu.memory_space<hbm>>) dst(%dma_wait3A_24 : memref<16x128xf32, #tpu.memory_space<vmem_shared>>)
        tpu.yield
      }) : () -> ()
    } else {
    }
    %barrier3A = arith.constant 0 : index
    tpu.barrier barrier_id(%barrier3A)
    "tpu.region"() ({
      %run_scoped3A = tpu.sem_alloc : memref<!tpu.dma_semaphore, #tpu.memory_space<semaphore_mem>>
      %dma_start3A = arith.constant 0 : i32
      %dma_start3A_18 = arith.constant 0 : i32
      %dma_start3A_19 = tpu.memref_slice %arg3[%add3A, %dma_start3A, %dma_start3A_18] : memref<32x125x80xi32, #tpu.memory_space<hbm>> -> memref<1x125x80xi32, #tpu.memory_space<hbm>>
      %dma_start3A_20 = tpu.memref_squeeze %dma_start3A_19 : memref<1x125x80xi32, #tpu.memory_space<hbm>> -> memref<125x80xi32, #tpu.memory_space<hbm>>
      %dma_start3A_21 = arith.constant 0 : i32
      %dma_start3A_22 = arith.constant 0 : i32
      %dma_start3A_23 = tpu.memref_slice %arg3[%add3A, %dma_start3A_21, %dma_start3A_22] : memref<32x125x80xi32, #tpu.memory_space<hbm>> -> memref<1x125x80xi32, #tpu.memory_space<hbm>>
      %dma_start3A_24 = tpu.memref_squeeze %dma_start3A_23 : memref<1x125x80xi32, #tpu.memory_space<hbm>> -> memref<125x80xi32, #tpu.memory_space<hbm>>
      tpu.enqueue_dma source(%dma_start3A_24 : memref<125x80xi32, #tpu.memory_space<hbm>>) target(%arg6 : memref<125x80xi32, #tpu.memory_space<vmem>>) target_semaphore(%run_scoped3A : memref<!tpu.dma_semaphore, #tpu.memory_space<semaphore_mem>>)
      %dma_wait3A = arith.constant 0 : i32
      %dma_wait3A_25 = arith.constant 0 : i32
      %dma_wait3A_26 = tpu.memref_slice %arg3[%add3A, %dma_wait3A, %dma_wait3A_25] : memref<32x125x80xi32, #tpu.memory_space<hbm>> -> memref<1x125x80xi32, #tpu.memory_space<hbm>>
      %dma_wait3A_27 = tpu.memref_squeeze %dma_wait3A_26 : memref<1x125x80xi32, #tpu.memory_space<hbm>> -> memref<125x80xi32, #tpu.memory_space<hbm>>
      %dma_wait3A_28 = arith.constant 0 : i32
      %dma_wait3A_29 = arith.constant 0 : i32
      %dma_wait3A_30 = tpu.memref_slice %arg3[%add3A, %dma_wait3A_28, %dma_wait3A_29] : memref<32x125x80xi32, #tpu.memory_space<hbm>> -> memref<1x125x80xi32, #tpu.memory_space<hbm>>
      %dma_wait3A_31 = tpu.memref_squeeze %dma_wait3A_30 : memref<1x125x80xi32, #tpu.memory_space<hbm>> -> memref<125x80xi32, #tpu.memory_space<hbm>>
      tpu.wait_dma2 semaphore(%run_scoped3A : memref<!tpu.dma_semaphore, #tpu.memory_space<semaphore_mem>>) src(%dma_wait3A_31 : memref<125x80xi32, #tpu.memory_space<hbm>>) dst(%arg6 : memref<125x80xi32, #tpu.memory_space<vmem>>)
      tpu.yield
    }) : () -> ()
    %scan3A = arith.constant 0 : i32
    %scan3A_7 = arith.constant 0 : i32
    %scan3A_8 = arith.constant 125 : i32
    %scan3A_9 = arith.addi %scan3A_7, %scan3A_8 : i32
    %scan3A_10 = arith.constant 1 : i32
    scf.for %scan3A_18 = %scan3A_7 to %scan3A_9 step %scan3A_10  : i32 {
      %mul3A_19 = arith.constant 80 : i32
      %mul3A_20 = arith.muli %scan3A_18, %mul3A_19 : i32
      %add3A_21 = arith.addi %mul3A_2, %mul3A_20 : i32
      "tpu.region"() ({
        %run_scoped3A = tpu.sem_alloc : memref<!tpu.dma_semaphore, #tpu.memory_space<semaphore_mem>>
        %dma_start3A = arith.constant 0 : i32
        %dma_start3A_22 = tpu.memref_slice %arg2[%add3A_21, %dma_start3A] : memref<320000x128xf32, #tpu.memory_space<hbm>> -> memref<80x128xf32, #tpu.memory_space<hbm>>
        %dma_start3A_23 = arith.constant 0 : i32
        %dma_start3A_24 = tpu.memref_slice %arg2[%add3A_21, %dma_start3A_23] : memref<320000x128xf32, #tpu.memory_space<hbm>> -> memref<80x128xf32, #tpu.memory_space<hbm>>
        tpu.enqueue_dma source(%dma_start3A_24 : memref<80x128xf32, #tpu.memory_space<hbm>>) target(%arg7 : memref<80x128xf32, #tpu.memory_space<vmem>>) target_semaphore(%run_scoped3A : memref<!tpu.dma_semaphore, #tpu.memory_space<semaphore_mem>>)
        %dma_wait3A = arith.constant 0 : i32
        %dma_wait3A_25 = tpu.memref_slice %arg2[%add3A_21, %dma_wait3A] : memref<320000x128xf32, #tpu.memory_space<hbm>> -> memref<80x128xf32, #tpu.memory_space<hbm>>
        %dma_wait3A_26 = arith.constant 0 : i32
        %dma_wait3A_27 = tpu.memref_slice %arg2[%add3A_21, %dma_wait3A_26] : memref<320000x128xf32, #tpu.memory_space<hbm>> -> memref<80x128xf32, #tpu.memory_space<hbm>>
        tpu.wait_dma2 semaphore(%run_scoped3A : memref<!tpu.dma_semaphore, #tpu.memory_space<semaphore_mem>>) src(%dma_wait3A_27 : memref<80x128xf32, #tpu.memory_space<hbm>>) dst(%arg7 : memref<80x128xf32, #tpu.memory_space<vmem>>)
        tpu.yield
      }) : () -> ()
      "tpu.region"() ({
        %run_scoped3A = tpu.sem_alloc : memref<!tpu.dma_semaphore, #tpu.memory_space<semaphore_mem>>
        %dma_start3A = arith.constant 0 : i32
        %dma_start3A_22 = tpu.memref_slice %arg6[%scan3A_18, %dma_start3A] : memref<125x80xi32, #tpu.memory_space<vmem>> -> memref<1x80xi32, #tpu.memory_space<vmem>>
        %dma_start3A_23 = tpu.memref_squeeze %dma_start3A_22 : memref<1x80xi32, #tpu.memory_space<vmem>> -> memref<80xi32, #tpu.memory_space<vmem>>
        %dma_start3A_24 = arith.constant 0 : i32
        %dma_start3A_25 = arith.constant 0 : i32
        %dma_start3A_26 = tpu.memref_slice %arg8[%dma_start3A_24, %dma_start3A_25] : memref<10000x128xf32, #tpu.memory_space<vmem_shared>> -> memref<10000x128xf32, #tpu.memory_space<vmem_shared>>
        tpu.enqueue_indirect_dma source(%arg7 : memref<80x128xf32, #tpu.memory_space<vmem>>) target(%dma_start3A_26 : memref<10000x128xf32, #tpu.memory_space<vmem_shared>>) offsets(%dma_start3A_23 : memref<80xi32, #tpu.memory_space<vmem>>) semaphore(%run_scoped3A : memref<!tpu.dma_semaphore, #tpu.memory_space<semaphore_mem>>) {add = true}
        %dma_wait3A = arith.constant 0 : i32
        %dma_wait3A_27 = tpu.memref_slice %arg6[%scan3A_18, %dma_wait3A] : memref<125x80xi32, #tpu.memory_space<vmem>> -> memref<1x80xi32, #tpu.memory_space<vmem>>
        %dma_wait3A_28 = tpu.memref_squeeze %dma_wait3A_27 : memref<1x80xi32, #tpu.memory_space<vmem>> -> memref<80xi32, #tpu.memory_space<vmem>>
        %dma_wait3A_29 = arith.constant 0 : i32
        %dma_wait3A_30 = arith.constant 0 : i32
        %dma_wait3A_31 = tpu.memref_slice %arg8[%dma_wait3A_29, %dma_wait3A_30] : memref<10000x128xf32, #tpu.memory_space<vmem_shared>> -> memref<10000x128xf32, #tpu.memory_space<vmem_shared>>
        tpu.wait_indirect_dma semaphore(%run_scoped3A : memref<!tpu.dma_semaphore, #tpu.memory_space<semaphore_mem>>) src(%arg7 : memref<80x128xf32, #tpu.memory_space<vmem>>) dst(%dma_wait3A_31 : memref<10000x128xf32, #tpu.memory_space<vmem_shared>>)
        tpu.yield
      }) : () -> ()
    }
    %scan3A_11 = arith.constant 125 : i32
    %barrier3A_12 = arith.constant 0 : index
    tpu.barrier barrier_id(%barrier3A_12)
    "tpu.region"() ({
      %run_scoped3A = tpu.sem_alloc : memref<!tpu.dma_semaphore, #tpu.memory_space<semaphore_mem>>
      %dma_start3A = arith.constant 0 : i32
      %dma_start3A_18 = tpu.memref_slice %arg5[%arg0, %mul3A_4, %dma_start3A] : memref<2x10000x128xf32, #tpu.memory_space<hbm>> -> memref<1x624x128xf32, #tpu.memory_space<hbm>>
      %dma_start3A_19 = tpu.memref_squeeze %dma_start3A_18 : memref<1x624x128xf32, #tpu.memory_space<hbm>> -> memref<624x128xf32, #tpu.memory_space<hbm>>
      %dma_start3A_20 = arith.constant 0 : i32
      %dma_start3A_21 = tpu.memref_slice %arg8[%mul3A_4, %dma_start3A_20] : memref<10000x128xf32, #tpu.memory_space<vmem_shared>> -> memref<624x128xf32, #tpu.memory_space<vmem_shared>>
      tpu.enqueue_dma source(%dma_start3A_21 : memref<624x128xf32, #tpu.memory_space<vmem_shared>>) target(%dma_start3A_19 : memref<624x128xf32, #tpu.memory_space<hbm>>) target_semaphore(%run_scoped3A : memref<!tpu.dma_semaphore, #tpu.memory_space<semaphore_mem>>)
      %dma_wait3A = arith.constant 0 : i32
      %dma_wait3A_22 = tpu.memref_slice %arg5[%arg0, %mul3A_4, %dma_wait3A] : memref<2x10000x128xf32, #tpu.memory_space<hbm>> -> memref<1x624x128xf32, #tpu.memory_space<hbm>>
      %dma_wait3A_23 = tpu.memref_squeeze %dma_wait3A_22 : memref<1x624x128xf32, #tpu.memory_space<hbm>> -> memref<624x128xf32, #tpu.memory_space<hbm>>
      %dma_wait3A_24 = arith.constant 0 : i32
      %dma_wait3A_25 = tpu.memref_slice %arg8[%mul3A_4, %dma_wait3A_24] : memref<10000x128xf32, #tpu.memory_space<vmem_shared>> -> memref<624x128xf32, #tpu.memory_space<vmem_shared>>
      tpu.wait_dma2 semaphore(%run_scoped3A : memref<!tpu.dma_semaphore, #tpu.memory_space<semaphore_mem>>) src(%dma_wait3A_25 : memref<624x128xf32, #tpu.memory_space<vmem_shared>>) dst(%dma_wait3A_23 : memref<624x128xf32, #tpu.memory_space<hbm>>)
      tpu.yield
    }) : () -> ()
    %eq3A_13 = arith.constant 15 : i32
    %eq3A_14 = arith.cmpi eq, %arg1, %eq3A_13 : i32
    %convert_element_type3A_15 = arith.extui %eq3A_14 : i1 to i32
    %cond3A_16 = arith.constant 0 : i32
    %cond3A_17 = arith.cmpi ne, %convert_element_type3A_15, %cond3A_16 : i32
    scf.if %cond3A_17 {
      "tpu.region"() ({
        %run_scoped3A = tpu.sem_alloc : memref<!tpu.dma_semaphore, #tpu.memory_space<semaphore_mem>>
        %dma_start3A = arith.constant 9984 : i32
        %dma_start3A_18 = arith.constant 0 : i32
        %dma_start3A_19 = tpu.memref_slice %arg5[%arg0, %dma_start3A, %dma_start3A_18] : memref<2x10000x128xf32, #tpu.memory_space<hbm>> -> memref<1x16x128xf32, #tpu.memory_space<hbm>>
        %dma_start3A_20 = tpu.memref_squeeze %dma_start3A_19 : memref<1x16x128xf32, #tpu.memory_space<hbm>> -> memref<16x128xf32, #tpu.memory_space<hbm>>
        %dma_start3A_21 = arith.constant 9984 : i32
        %dma_start3A_22 = arith.constant 0 : i32
        %dma_start3A_23 = tpu.memref_slice %arg8[%dma_start3A_21, %dma_start3A_22] : memref<10000x128xf32, #tpu.memory_space<vmem_shared>> -> memref<16x128xf32, #tpu.memory_space<vmem_shared>>
        tpu.enqueue_dma source(%dma_start3A_23 : memref<16x128xf32, #tpu.memory_space<vmem_shared>>) target(%dma_start3A_20 : memref<16x128xf32, #tpu.memory_space<hbm>>) target_semaphore(%run_scoped3A : memref<!tpu.dma_semaphore, #tpu.memory_space<semaphore_mem>>)
        %dma_wait3A = arith.constant 9984 : i32
        %dma_wait3A_24 = arith.constant 0 : i32
        %dma_wait3A_25 = tpu.memref_slice %arg5[%arg0, %dma_wait3A, %dma_wait3A_24] : memref<2x10000x128xf32, #tpu.memory_space<hbm>> -> memref<1x16x128xf32, #tpu.memory_space<hbm>>
        %dma_wait3A_26 = tpu.memref_squeeze %dma_wait3A_25 : memref<1x16x128xf32, #tpu.memory_space<hbm>> -> memref<16x128xf32, #tpu.memory_space<hbm>>
        %dma_wait3A_27 = arith.constant 9984 : i32
        %dma_wait3A_28 = arith.constant 0 : i32
        %dma_wait3A_29 = tpu.memref_slice %arg8[%dma_wait3A_27, %dma_wait3A_28] : memref<10000x128xf32, #tpu.memory_space<vmem_shared>> -> memref<16x128xf32, #tpu.memory_space<vmem_shared>>
        tpu.wait_dma2 semaphore(%run_scoped3A : memref<!tpu.dma_semaphore, #tpu.memory_space<semaphore_mem>>) src(%dma_wait3A_29 : memref<16x128xf32, #tpu.memory_space<vmem_shared>>) dst(%dma_wait3A_26 : memref<16x128xf32, #tpu.memory_space<hbm>>)
        tpu.yield
      }) : () -> ()
    } else {
    }
    return
  }
}

#map = affine_map<(d0, d1) -> (0, 0)>
#map1 = affine_map<(d0, d1) -> (0, 0, 0)>
module attributes {stable_mosaic.version = 14 : i64} {
  func.func @body(%arg0: i32, %arg1: i32, %arg2: memref<320000x128xf32, #tpu.memory_space<hbm>>, %arg3: memref<32x125x80xi32, #tpu.memory_space<hbm>>, %arg4: memref<640x128xf32, #tpu.memory_space<hbm>>, %arg5: memref<2x10000x128xf32, #tpu.memory_space<hbm>>, %arg6: memref<125x80xi32, #tpu.memory_space<vmem>>, %arg7: memref<80x128xf32, #tpu.memory_space<vmem>>, %arg8: memref<10000x128xf32, #tpu.memory_space<vmem_shared>>, %arg9: memref<!tpu.dma_semaphore, #tpu.memory_space<semaphore_mem>>) attributes {dimension_semantics = [#tpu.dimension_semantics<core_parallel>, #tpu.dimension_semantics<subcore_parallel>], iteration_bounds = array<i64: 2, 16>, scalar_prefetch = 0 : i64, scratch_operands = 4 : i64, tpu.core_type = #tpu.core_type<sc_vector_subcore>, window_params = [{transform_indices = #map}, {transform_indices = #map1}, {transform_indices = #map}, {transform_indices = #map1}]} {
    %mul3A = arith.constant 2 : i32
    %mul3A_0 = arith.muli %arg1, %mul3A : i32
    %add3A = arith.addi %mul3A_0, %arg0 : i32
    %mul3A_1 = arith.constant 10000 : i32
    %mul3A_2 = arith.muli %add3A, %mul3A_1 : i32
    %mul3A_3 = arith.constant 624 : i32
    %mul3A_4 = arith.muli %arg1, %mul3A_3 : i32
    "tpu.region"() ({
      %run_scoped3A = tpu.sem_alloc : memref<!tpu.dma_semaphore, #tpu.memory_space<semaphore_mem>>
      %dma_start3A = arith.constant 0 : i32
      %dma_start3A_18 = tpu.memref_slice %arg8[%mul3A_4, %dma_start3A] : memref<10000x128xf32, #tpu.memory_space<vmem_shared>> -> memref<624x128xf32, #tpu.memory_space<vmem_shared>>
      %dma_start3A_19 = arith.constant 0 : i32
      %dma_start3A_20 = arith.constant 0 : i32
      %dma_start3A_21 = tpu.memref_slice %arg4[%dma_start3A_19, %dma_start3A_20] : memref<640x128xf32, #tpu.memory_space<hbm>> -> memref<624x128xf32, #tpu.memory_space<hbm>>
      tpu.enqueue_dma source(%dma_start3A_21 : memref<624x128xf32, #tpu.memory_space<hbm>>) target(%dma_start3A_18 : memref<624x128xf32, #tpu.memory_space<vmem_shared>>) target_semaphore(%run_scoped3A : memref<!tpu.dma_semaphore, #tpu.memory_space<semaphore_mem>>)
      %dma_wait3A = arith.constant 0 : i32
      %dma_wait3A_22 = tpu.memref_slice %arg8[%mul3A_4, %dma_wait3A] : memref<10000x128xf32, #tpu.memory_space<vmem_shared>> -> memref<624x128xf32, #tpu.memory_space<vmem_shared>>
      %dma_wait3A_23 = arith.constant 0 : i32
      %dma_wait3A_24 = arith.constant 0 : i32
      %dma_wait3A_25 = tpu.memref_slice %arg4[%dma_wait3A_23, %dma_wait3A_24] : memref<640x128xf32, #tpu.memory_space<hbm>> -> memref<624x128xf32, #tpu.memory_space<hbm>>
      tpu.wait_dma2 semaphore(%run_scoped3A : memref<!tpu.dma_semaphore, #tpu.memory_space<semaphore_mem>>) src(%dma_wait3A_25 : memref<624x128xf32, #tpu.memory_space<hbm>>) dst(%dma_wait3A_22 : memref<624x128xf32, #tpu.memory_space<vmem_shared>>)
      tpu.yield
    }) : () -> ()
    %eq3A = arith.constant 15 : i32
    %eq3A_5 = arith.cmpi eq, %arg1, %eq3A : i32
    %convert_element_type3A = arith.extui %eq3A_5 : i1 to i32
    %cond3A = arith.constant 0 : i32
    %cond3A_6 = arith.cmpi ne, %convert_element_type3A, %cond3A : i32
    scf.if %cond3A_6 {
      "tpu.region"() ({
        %run_scoped3A = tpu.sem_alloc : memref<!tpu.dma_semaphore, #tpu.memory_space<semaphore_mem>>
        %dma_start3A = arith.constant 9984 : i32
        %dma_start3A_18 = arith.constant 0 : i32
        %dma_start3A_19 = tpu.memref_slice %arg8[%dma_start3A, %dma_start3A_18] : memref<10000x128xf32, #tpu.memory_space<vmem_shared>> -> memref<16x128xf32, #tpu.memory_space<vmem_shared>>
        %dma_start3A_20 = arith.constant 624 : i32
        %dma_start3A_21 = arith.constant 0 : i32
        %dma_start3A_22 = tpu.memref_slice %arg4[%dma_start3A_20, %dma_start3A_21] : memref<640x128xf32, #tpu.memory_space<hbm>> -> memref<16x128xf32, #tpu.memory_space<hbm>>
        tpu.enqueue_dma source(%dma_start3A_22 : memref<16x128xf32, #tpu.memory_space<hbm>>) target(%dma_start3A_19 : memref<16x128xf32, #tpu.memory_space<vmem_shared>>) target_semaphore(%run_scoped3A : memref<!tpu.dma_semaphore, #tpu.memory_space<semaphore_mem>>)
        %dma_wait3A = arith.constant 9984 : i32
        %dma_wait3A_23 = arith.constant 0 : i32
        %dma_wait3A_24 = tpu.memref_slice %arg8[%dma_wait3A, %dma_wait3A_23] : memref<10000x128xf32, #tpu.memory_space<vmem_shared>> -> memref<16x128xf32, #tpu.memory_space<vmem_shared>>
        %dma_wait3A_25 = arith.constant 624 : i32
        %dma_wait3A_26 = arith.constant 0 : i32
        %dma_wait3A_27 = tpu.memref_slice %arg4[%dma_wait3A_25, %dma_wait3A_26] : memref<640x128xf32, #tpu.memory_space<hbm>> -> memref<16x128xf32, #tpu.memory_space<hbm>>
        tpu.wait_dma2 semaphore(%run_scoped3A : memref<!tpu.dma_semaphore, #tpu.memory_space<semaphore_mem>>) src(%dma_wait3A_27 : memref<16x128xf32, #tpu.memory_space<hbm>>) dst(%dma_wait3A_24 : memref<16x128xf32, #tpu.memory_space<vmem_shared>>)
        tpu.yield
      }) : () -> ()
    } else {
    }
    %barrier3A = arith.constant 0 : index
    tpu.barrier barrier_id(%barrier3A)
    "tpu.region"() ({
      %run_scoped3A = tpu.sem_alloc : memref<!tpu.dma_semaphore, #tpu.memory_space<semaphore_mem>>
      %dma_start3A = arith.constant 0 : i32
      %dma_start3A_18 = arith.constant 0 : i32
      %dma_start3A_19 = tpu.memref_slice %arg3[%add3A, %dma_start3A, %dma_start3A_18] : memref<32x125x80xi32, #tpu.memory_space<hbm>> -> memref<1x125x80xi32, #tpu.memory_space<hbm>>
      %dma_start3A_20 = tpu.memref_squeeze %dma_start3A_19 : memref<1x125x80xi32, #tpu.memory_space<hbm>> -> memref<125x80xi32, #tpu.memory_space<hbm>>
      %dma_start3A_21 = arith.constant 0 : i32
      %dma_start3A_22 = arith.constant 0 : i32
      %dma_start3A_23 = tpu.memref_slice %arg3[%add3A, %dma_start3A_21, %dma_start3A_22] : memref<32x125x80xi32, #tpu.memory_space<hbm>> -> memref<1x125x80xi32, #tpu.memory_space<hbm>>
      %dma_start3A_24 = tpu.memref_squeeze %dma_start3A_23 : memref<1x125x80xi32, #tpu.memory_space<hbm>> -> memref<125x80xi32, #tpu.memory_space<hbm>>
      tpu.enqueue_dma source(%dma_start3A_24 : memref<125x80xi32, #tpu.memory_space<hbm>>) target(%arg6 : memref<125x80xi32, #tpu.memory_space<vmem>>) target_semaphore(%run_scoped3A : memref<!tpu.dma_semaphore, #tpu.memory_space<semaphore_mem>>)
      %dma_wait3A = arith.constant 0 : i32
      %dma_wait3A_25 = arith.constant 0 : i32
      %dma_wait3A_26 = tpu.memref_slice %arg3[%add3A, %dma_wait3A, %dma_wait3A_25] : memref<32x125x80xi32, #tpu.memory_space<hbm>> -> memref<1x125x80xi32, #tpu.memory_space<hbm>>
      %dma_wait3A_27 = tpu.memref_squeeze %dma_wait3A_26 : memref<1x125x80xi32, #tpu.memory_space<hbm>> -> memref<125x80xi32, #tpu.memory_space<hbm>>
      %dma_wait3A_28 = arith.constant 0 : i32
      %dma_wait3A_29 = arith.constant 0 : i32
      %dma_wait3A_30 = tpu.memref_slice %arg3[%add3A, %dma_wait3A_28, %dma_wait3A_29] : memref<32x125x80xi32, #tpu.memory_space<hbm>> -> memref<1x125x80xi32, #tpu.memory_space<hbm>>
      %dma_wait3A_31 = tpu.memref_squeeze %dma_wait3A_30 : memref<1x125x80xi32, #tpu.memory_space<hbm>> -> memref<125x80xi32, #tpu.memory_space<hbm>>
      tpu.wait_dma2 semaphore(%run_scoped3A : memref<!tpu.dma_semaphore, #tpu.memory_space<semaphore_mem>>) src(%dma_wait3A_31 : memref<125x80xi32, #tpu.memory_space<hbm>>) dst(%arg6 : memref<125x80xi32, #tpu.memory_space<vmem>>)
      tpu.yield
    }) : () -> ()
    %scan3A = arith.constant 0 : i32
    %scan3A_7 = arith.constant 0 : i32
    %scan3A_8 = arith.constant 125 : i32
    %scan3A_9 = arith.addi %scan3A_7, %scan3A_8 : i32
    %scan3A_10 = arith.constant 1 : i32
    scf.for %scan3A_18 = %scan3A_7 to %scan3A_9 step %scan3A_10  : i32 {
      %mul3A_19 = arith.constant 80 : i32
      %mul3A_20 = arith.muli %scan3A_18, %mul3A_19 : i32
      %add3A_21 = arith.addi %mul3A_2, %mul3A_20 : i32
      "tpu.region"() ({
        %run_scoped3A = tpu.sem_alloc : memref<!tpu.dma_semaphore, #tpu.memory_space<semaphore_mem>>
        %dma_start3A = arith.constant 0 : i32
        %dma_start3A_22 = tpu.memref_slice %arg2[%add3A_21, %dma_start3A] : memref<320000x128xf32, #tpu.memory_space<hbm>> -> memref<80x128xf32, #tpu.memory_space<hbm>>
        %dma_start3A_23 = arith.constant 0 : i32
        %dma_start3A_24 = tpu.memref_slice %arg2[%add3A_21, %dma_start3A_23] : memref<320000x128xf32, #tpu.memory_space<hbm>> -> memref<80x128xf32, #tpu.memory_space<hbm>>
        tpu.enqueue_dma source(%dma_start3A_24 : memref<80x128xf32, #tpu.memory_space<hbm>>) target(%arg7 : memref<80x128xf32, #tpu.memory_space<vmem>>) target_semaphore(%run_scoped3A : memref<!tpu.dma_semaphore, #tpu.memory_space<semaphore_mem>>)
        %dma_wait3A = arith.constant 0 : i32
        %dma_wait3A_25 = tpu.memref_slice %arg2[%add3A_21, %dma_wait3A] : memref<320000x128xf32, #tpu.memory_space<hbm>> -> memref<80x128xf32, #tpu.memory_space<hbm>>
        %dma_wait3A_26 = arith.constant 0 : i32
        %dma_wait3A_27 = tpu.memref_slice %arg2[%add3A_21, %dma_wait3A_26] : memref<320000x128xf32, #tpu.memory_space<hbm>> -> memref<80x128xf32, #tpu.memory_space<hbm>>
        tpu.wait_dma2 semaphore(%run_scoped3A : memref<!tpu.dma_semaphore, #tpu.memory_space<semaphore_mem>>) src(%dma_wait3A_27 : memref<80x128xf32, #tpu.memory_space<hbm>>) dst(%arg7 : memref<80x128xf32, #tpu.memory_space<vmem>>)
        tpu.yield
      }) : () -> ()
      "tpu.region"() ({
        %run_scoped3A = tpu.sem_alloc : memref<!tpu.dma_semaphore, #tpu.memory_space<semaphore_mem>>
        %dma_start3A = arith.constant 0 : i32
        %dma_start3A_22 = tpu.memref_slice %arg6[%scan3A_18, %dma_start3A] : memref<125x80xi32, #tpu.memory_space<vmem>> -> memref<1x80xi32, #tpu.memory_space<vmem>>
        %dma_start3A_23 = tpu.memref_squeeze %dma_start3A_22 : memref<1x80xi32, #tpu.memory_space<vmem>> -> memref<80xi32, #tpu.memory_space<vmem>>
        %dma_start3A_24 = arith.constant 0 : i32
        %dma_start3A_25 = arith.constant 0 : i32
        %dma_start3A_26 = tpu.memref_slice %arg8[%dma_start3A_24, %dma_start3A_25] : memref<10000x128xf32, #tpu.memory_space<vmem_shared>> -> memref<10000x128xf32, #tpu.memory_space<vmem_shared>>
        tpu.enqueue_indirect_dma source(%arg7 : memref<80x128xf32, #tpu.memory_space<vmem>>) target(%dma_start3A_26 : memref<10000x128xf32, #tpu.memory_space<vmem_shared>>) offsets(%dma_start3A_23 : memref<80xi32, #tpu.memory_space<vmem>>) semaphore(%run_scoped3A : memref<!tpu.dma_semaphore, #tpu.memory_space<semaphore_mem>>) {add = true}
        %dma_wait3A = arith.constant 0 : i32
        %dma_wait3A_27 = tpu.memref_slice %arg6[%scan3A_18, %dma_wait3A] : memref<125x80xi32, #tpu.memory_space<vmem>> -> memref<1x80xi32, #tpu.memory_space<vmem>>
        %dma_wait3A_28 = tpu.memref_squeeze %dma_wait3A_27 : memref<1x80xi32, #tpu.memory_space<vmem>> -> memref<80xi32, #tpu.memory_space<vmem>>
        %dma_wait3A_29 = arith.constant 0 : i32
        %dma_wait3A_30 = arith.constant 0 : i32
        %dma_wait3A_31 = tpu.memref_slice %arg8[%dma_wait3A_29, %dma_wait3A_30] : memref<10000x128xf32, #tpu.memory_space<vmem_shared>> -> memref<10000x128xf32, #tpu.memory_space<vmem_shared>>
        tpu.wait_indirect_dma semaphore(%run_scoped3A : memref<!tpu.dma_semaphore, #tpu.memory_space<semaphore_mem>>) src(%arg7 : memref<80x128xf32, #tpu.memory_space<vmem>>) dst(%dma_wait3A_31 : memref<10000x128xf32, #tpu.memory_space<vmem_shared>>)
        tpu.yield
      }) : () -> ()
    }
    %scan3A_11 = arith.constant 125 : i32
    %barrier3A_12 = arith.constant 0 : index
    tpu.barrier barrier_id(%barrier3A_12)
    "tpu.region"() ({
      %run_scoped3A = tpu.sem_alloc : memref<!tpu.dma_semaphore, #tpu.memory_space<semaphore_mem>>
      %dma_start3A = arith.constant 0 : i32
      %dma_start3A_18 = tpu.memref_slice %arg5[%arg0, %mul3A_4, %dma_start3A] : memref<2x10000x128xf32, #tpu.memory_space<hbm>> -> memref<1x624x128xf32, #tpu.memory_space<hbm>>
      %dma_start3A_19 = tpu.memref_squeeze %dma_start3A_18 : memref<1x624x128xf32, #tpu.memory_space<hbm>> -> memref<624x128xf32, #tpu.memory_space<hbm>>
      %dma_start3A_20 = arith.constant 0 : i32
      %dma_start3A_21 = tpu.memref_slice %arg8[%mul3A_4, %dma_start3A_20] : memref<10000x128xf32, #tpu.memory_space<vmem_shared>> -> memref<624x128xf32, #tpu.memory_space<vmem_shared>>
      tpu.enqueue_dma source(%dma_start3A_21 : memref<624x128xf32, #tpu.memory_space<vmem_shared>>) target(%dma_start3A_19 : memref<624x128xf32, #tpu.memory_space<hbm>>) target_semaphore(%run_scoped3A : memref<!tpu.dma_semaphore, #tpu.memory_space<semaphore_mem>>)
      %dma_wait3A = arith.constant 0 : i32
      %dma_wait3A_22 = tpu.memref_slice %arg5[%arg0, %mul3A_4, %dma_wait3A] : memref<2x10000x128xf32, #tpu.memory_space<hbm>> -> memref<1x624x128xf32, #tpu.memory_space<hbm>>
      %dma_wait3A_23 = tpu.memref_squeeze %dma_wait3A_22 : memref<1x624x128xf32, #tpu.memory_space<hbm>> -> memref<624x128xf32, #tpu.memory_space<hbm>>
      %dma_wait3A_24 = arith.constant 0 : i32
      %dma_wait3A_25 = tpu.memref_slice %arg8[%mul3A_4, %dma_wait3A_24] : memref<10000x128xf32, #tpu.memory_space<vmem_shared>> -> memref<624x128xf32, #tpu.memory_space<vmem_shared>>
      tpu.wait_dma2 semaphore(%run_scoped3A : memref<!tpu.dma_semaphore, #tpu.memory_space<semaphore_mem>>) src(%dma_wait3A_25 : memref<624x128xf32, #tpu.memory_space<vmem_shared>>) dst(%dma_wait3A_23 : memref<624x128xf32, #tpu.memory_space<hbm>>)
      tpu.yield
    }) : () -> ()
    %eq3A_13 = arith.constant 15 : i32
    %eq3A_14 = arith.cmpi eq, %arg1, %eq3A_13 : i32
    %convert_element_type3A_15 = arith.extui %eq3A_14 : i1 to i32
    %cond3A_16 = arith.constant 0 : i32
    %cond3A_17 = arith.cmpi ne, %convert_element_type3A_15, %cond3A_16 : i32
    scf.if %cond3A_17 {
      "tpu.region"() ({
        %run_scoped3A = tpu.sem_alloc : memref<!tpu.dma_semaphore, #tpu.memory_space<semaphore_mem>>
        %dma_start3A = arith.constant 9984 : i32
        %dma_start3A_18 = arith.constant 0 : i32
        %dma_start3A_19 = tpu.memref_slice %arg5[%arg0, %dma_start3A, %dma_start3A_18] : memref<2x10000x128xf32, #tpu.memory_space<hbm>> -> memref<1x16x128xf32, #tpu.memory_space<hbm>>
        %dma_start3A_20 = tpu.memref_squeeze %dma_start3A_19 : memref<1x16x128xf32, #tpu.memory_space<hbm>> -> memref<16x128xf32, #tpu.memory_space<hbm>>
        %dma_start3A_21 = arith.constant 9984 : i32
        %dma_start3A_22 = arith.constant 0 : i32
        %dma_start3A_23 = tpu.memref_slice %arg8[%dma_start3A_21, %dma_start3A_22] : memref<10000x128xf32, #tpu.memory_space<vmem_shared>> -> memref<16x128xf32, #tpu.memory_space<vmem_shared>>
        tpu.enqueue_dma source(%dma_start3A_23 : memref<16x128xf32, #tpu.memory_space<vmem_shared>>) target(%dma_start3A_20 : memref<16x128xf32, #tpu.memory_space<hbm>>) target_semaphore(%run_scoped3A : memref<!tpu.dma_semaphore, #tpu.memory_space<semaphore_mem>>)
        %dma_wait3A = arith.constant 9984 : i32
        %dma_wait3A_24 = arith.constant 0 : i32
        %dma_wait3A_25 = tpu.memref_slice %arg5[%arg0, %dma_wait3A, %dma_wait3A_24] : memref<2x10000x128xf32, #tpu.memory_space<hbm>> -> memref<1x16x128xf32, #tpu.memory_space<hbm>>
        %dma_wait3A_26 = tpu.memref_squeeze %dma_wait3A_25 : memref<1x16x128xf32, #tpu.memory_space<hbm>> -> memref<16x128xf32, #tpu.memory_space<hbm>>
        %dma_wait3A_27 = arith.constant 9984 : i32
        %dma_wait3A_28 = arith.constant 0 : i32
        %dma_wait3A_29 = tpu.memref_slice %arg8[%dma_wait3A_27, %dma_wait3A_28] : memref<10000x128xf32, #tpu.memory_space<vmem_shared>> -> memref<16x128xf32, #tpu.memory_space<vmem_shared>>
        tpu.wait_dma2 semaphore(%run_scoped3A : memref<!tpu.dma_semaphore, #tpu.memory_space<semaphore_mem>>) src(%dma_wait3A_29 : memref<16x128xf32, #tpu.memory_space<vmem_shared>>) dst(%dma_wait3A_26 : memref<16x128xf32, #tpu.memory_space<hbm>>)
        tpu.yield
      }) : () -> ()
    } else {
    }
    return
  }
}

#map = affine_map<(d0, d1) -> (0, 0)>
#map1 = affine_map<(d0, d1) -> (0, 0, 0)>
module attributes {stable_mosaic.version = 14 : i64} {
  func.func @_sc_gather_body(%arg0: i32, %arg1: i32, %arg2: memref<10000x256xf32, #tpu.memory_space<hbm>>, %arg3: memref<10000x256xf32, #tpu.memory_space<hbm>>, %arg4: memref<32x125x80xi32, #tpu.memory_space<hbm>>, %arg5: memref<32x125x80xi32, #tpu.memory_space<hbm>>, %arg6: memref<320000x256xf32, #tpu.memory_space<hbm>>, %arg7: memref<320000x256xf32, #tpu.memory_space<hbm>>, %arg8: memref<125x80xi32, #tpu.memory_space<vmem>>, %arg9: memref<80x256xf32, #tpu.memory_space<vmem>>, %arg10: memref<80x256xf32, #tpu.memory_space<vmem>>, %arg11: memref<!tpu.dma_semaphore, #tpu.memory_space<semaphore_mem>>, %arg12: memref<!tpu.dma_semaphore, #tpu.memory_space<semaphore_mem>>) attributes {dimension_semantics = [#tpu.dimension_semantics<core_parallel>, #tpu.dimension_semantics<subcore_parallel>], iteration_bounds = array<i64: 2, 16>, scalar_prefetch = 0 : i64, scratch_operands = 5 : i64, tpu.core_type = #tpu.core_type<sc_vector_subcore>, window_params = [{transform_indices = #map}, {transform_indices = #map}, {transform_indices = #map1}, {transform_indices = #map1}, {transform_indices = #map}, {transform_indices = #map}]} {
    %mul3A = arith.constant 2 : i32
    %mul3A_0 = arith.muli %arg1, %mul3A : i32
    %add3A = arith.addi %mul3A_0, %arg0 : i32
    %mul3A_1 = arith.constant 10000 : i32
    %mul3A_2 = arith.muli %add3A, %mul3A_1 : i32
    "tpu.region"() ({
      %run_scoped3A = tpu.sem_alloc : memref<!tpu.dma_semaphore, #tpu.memory_space<semaphore_mem>>
      %dma_start3A_44 = arith.constant 0 : i32
      %dma_start3A_45 = arith.constant 0 : i32
      %dma_start3A_46 = tpu.memref_slice %arg4[%add3A, %dma_start3A_44, %dma_start3A_45] : memref<32x125x80xi32, #tpu.memory_space<hbm>> -> memref<1x125x80xi32, #tpu.memory_space<hbm>>
      %dma_start3A_47 = tpu.memref_squeeze %dma_start3A_46 : memref<1x125x80xi32, #tpu.memory_space<hbm>> -> memref<125x80xi32, #tpu.memory_space<hbm>>
      %dma_start3A_48 = arith.constant 0 : i32
      %dma_start3A_49 = arith.constant 0 : i32
      %dma_start3A_50 = tpu.memref_slice %arg4[%add3A, %dma_start3A_48, %dma_start3A_49] : memref<32x125x80xi32, #tpu.memory_space<hbm>> -> memref<1x125x80xi32, #tpu.memory_space<hbm>>
      %dma_start3A_51 = tpu.memref_squeeze %dma_start3A_50 : memref<1x125x80xi32, #tpu.memory_space<hbm>> -> memref<125x80xi32, #tpu.memory_space<hbm>>
      tpu.enqueue_dma source(%dma_start3A_51 : memref<125x80xi32, #tpu.memory_space<hbm>>) target(%arg8 : memref<125x80xi32, #tpu.memory_space<vmem>>) target_semaphore(%run_scoped3A : memref<!tpu.dma_semaphore, #tpu.memory_space<semaphore_mem>>)
      %dma_wait3A_52 = arith.constant 0 : i32
      %dma_wait3A_53 = arith.constant 0 : i32
      %dma_wait3A_54 = tpu.memref_slice %arg4[%add3A, %dma_wait3A_52, %dma_wait3A_53] : memref<32x125x80xi32, #tpu.memory_space<hbm>> -> memref<1x125x80xi32, #tpu.memory_space<hbm>>
      %dma_wait3A_55 = tpu.memref_squeeze %dma_wait3A_54 : memref<1x125x80xi32, #tpu.memory_space<hbm>> -> memref<125x80xi32, #tpu.memory_space<hbm>>
      %dma_wait3A_56 = arith.constant 0 : i32
      %dma_wait3A_57 = arith.constant 0 : i32
      %dma_wait3A_58 = tpu.memref_slice %arg4[%add3A, %dma_wait3A_56, %dma_wait3A_57] : memref<32x125x80xi32, #tpu.memory_space<hbm>> -> memref<1x125x80xi32, #tpu.memory_space<hbm>>
      %dma_wait3A_59 = tpu.memref_squeeze %dma_wait3A_58 : memref<1x125x80xi32, #tpu.memory_space<hbm>> -> memref<125x80xi32, #tpu.memory_space<hbm>>
      tpu.wait_dma2 semaphore(%run_scoped3A : memref<!tpu.dma_semaphore, #tpu.memory_space<semaphore_mem>>) src(%dma_wait3A_59 : memref<125x80xi32, #tpu.memory_space<hbm>>) dst(%arg8 : memref<125x80xi32, #tpu.memory_space<vmem>>)
      tpu.yield
    }) : () -> ()
    %dma_start3A = arith.constant 0 : i32
    %dma_start3A_3 = arith.constant 0 : i32
    %dma_start3A_4 = tpu.memref_slice %arg8[%dma_start3A, %dma_start3A_3] : memref<125x80xi32, #tpu.memory_space<vmem>> -> memref<1x80xi32, #tpu.memory_space<vmem>>
    %dma_start3A_5 = tpu.memref_squeeze %dma_start3A_4 : memref<1x80xi32, #tpu.memory_space<vmem>> -> memref<80xi32, #tpu.memory_space<vmem>>
    %dma_start3A_6 = arith.constant 0 : i32
    %dma_start3A_7 = arith.constant 0 : i32
    %dma_start3A_8 = tpu.memref_slice %arg2[%dma_start3A_6, %dma_start3A_7] : memref<10000x256xf32, #tpu.memory_space<hbm>> -> memref<10000x256xf32, #tpu.memory_space<hbm>>
    tpu.enqueue_indirect_dma source(%dma_start3A_8 : memref<10000x256xf32, #tpu.memory_space<hbm>>) target(%arg9 : memref<80x256xf32, #tpu.memory_space<vmem>>) offsets(%dma_start3A_5 : memref<80xi32, #tpu.memory_space<vmem>>) semaphore(%arg11 : memref<!tpu.dma_semaphore, #tpu.memory_space<semaphore_mem>>)
    %scan3A = arith.constant 0 : i32
    %scan3A_9 = arith.constant 0 : i32
    %scan3A_10 = arith.constant 62 : i32
    %scan3A_11 = arith.addi %scan3A_9, %scan3A_10 : i32
    %scan3A_12 = arith.constant 1 : i32
    scf.for %scan3A_44 = %scan3A_9 to %scan3A_11 step %scan3A_12  : i32 {
      %mul3A_45 = arith.constant 2 : i32
      %mul3A_46 = arith.muli %mul3A_45, %scan3A_44 : i32
      %dma_wait3A_47 = arith.constant 0 : i32
      %dma_wait3A_48 = tpu.memref_slice %arg8[%mul3A_46, %dma_wait3A_47] : memref<125x80xi32, #tpu.memory_space<vmem>> -> memref<1x80xi32, #tpu.memory_space<vmem>>
      %dma_wait3A_49 = tpu.memref_squeeze %dma_wait3A_48 : memref<1x80xi32, #tpu.memory_space<vmem>> -> memref<80xi32, #tpu.memory_space<vmem>>
      %dma_wait3A_50 = arith.constant 0 : i32
      %dma_wait3A_51 = arith.constant 0 : i32
      %dma_wait3A_52 = tpu.memref_slice %arg2[%dma_wait3A_50, %dma_wait3A_51] : memref<10000x256xf32, #tpu.memory_space<hbm>> -> memref<10000x256xf32, #tpu.memory_space<hbm>>
      tpu.wait_indirect_dma semaphore(%arg11 : memref<!tpu.dma_semaphore, #tpu.memory_space<semaphore_mem>>) src(%dma_wait3A_52 : memref<10000x256xf32, #tpu.memory_space<hbm>>) dst(%arg9 : memref<80x256xf32, #tpu.memory_space<vmem>>)
      %add3A_53 = arith.constant 1 : i32
      %add3A_54 = arith.addi %mul3A_46, %add3A_53 : i32
      %dma_start3A_55 = arith.constant 0 : i32
      %dma_start3A_56 = tpu.memref_slice %arg8[%add3A_54, %dma_start3A_55] : memref<125x80xi32, #tpu.memory_space<vmem>> -> memref<1x80xi32, #tpu.memory_space<vmem>>
      %dma_start3A_57 = tpu.memref_squeeze %dma_start3A_56 : memref<1x80xi32, #tpu.memory_space<vmem>> -> memref<80xi32, #tpu.memory_space<vmem>>
      %dma_start3A_58 = arith.constant 0 : i32
      %dma_start3A_59 = arith.constant 0 : i32
      %dma_start3A_60 = tpu.memref_slice %arg2[%dma_start3A_58, %dma_start3A_59] : memref<10000x256xf32, #tpu.memory_space<hbm>> -> memref<10000x256xf32, #tpu.memory_space<hbm>>
      tpu.enqueue_indirect_dma source(%dma_start3A_60 : memref<10000x256xf32, #tpu.memory_space<hbm>>) target(%arg10 : memref<80x256xf32, #tpu.memory_space<vmem>>) offsets(%dma_start3A_57 : memref<80xi32, #tpu.memory_space<vmem>>) semaphore(%arg12 : memref<!tpu.dma_semaphore, #tpu.memory_space<semaphore_mem>>)
      %mul3A_61 = arith.constant 80 : i32
      %mul3A_62 = arith.muli %mul3A_46, %mul3A_61 : i32
      %add3A_63 = arith.addi %mul3A_2, %mul3A_62 : i32
      "tpu.region"() ({
        %run_scoped3A = tpu.sem_alloc : memref<!tpu.dma_semaphore, #tpu.memory_space<semaphore_mem>>
        %dma_start3A_85 = arith.constant 0 : i32
        %dma_start3A_86 = tpu.memref_slice %arg6[%add3A_63, %dma_start3A_85] : memref<320000x256xf32, #tpu.memory_space<hbm>> -> memref<80x256xf32, #tpu.memory_space<hbm>>
        %dma_start3A_87 = arith.constant 0 : i32
        %dma_start3A_88 = tpu.memref_slice %arg6[%add3A_63, %dma_start3A_87] : memref<320000x256xf32, #tpu.memory_space<hbm>> -> memref<80x256xf32, #tpu.memory_space<hbm>>
        tpu.enqueue_dma source(%arg9 : memref<80x256xf32, #tpu.memory_space<vmem>>) target(%dma_start3A_88 : memref<80x256xf32, #tpu.memory_space<hbm>>) target_semaphore(%run_scoped3A : memref<!tpu.dma_semaphore, #tpu.memory_space<semaphore_mem>>)
        %dma_wait3A_89 = arith.constant 0 : i32
        %dma_wait3A_90 = tpu.memref_slice %arg6[%add3A_63, %dma_wait3A_89] : memref<320000x256xf32, #tpu.memory_space<hbm>> -> memref<80x256xf32, #tpu.memory_space<hbm>>
        %dma_wait3A_91 = arith.constant 0 : i32
        %dma_wait3A_92 = tpu.memref_slice %arg6[%add3A_63, %dma_wait3A_91] : memref<320000x256xf32, #tpu.memory_space<hbm>> -> memref<80x256xf32, #tpu.memory_space<hbm>>
        tpu.wait_dma2 semaphore(%run_scoped3A : memref<!tpu.dma_semaphore, #tpu.memory_space<semaphore_mem>>) src(%arg9 : memref<80x256xf32, #tpu.memory_space<vmem>>) dst(%dma_wait3A_92 : memref<80x256xf32, #tpu.memory_space<hbm>>)
        tpu.yield
      }) : () -> ()
      %add3A_64 = arith.constant 1 : i32
      %add3A_65 = arith.addi %mul3A_46, %add3A_64 : i32
      %dma_wait3A_66 = arith.constant 0 : i32
      %dma_wait3A_67 = tpu.memref_slice %arg8[%add3A_65, %dma_wait3A_66] : memref<125x80xi32, #tpu.memory_space<vmem>> -> memref<1x80xi32, #tpu.memory_space<vmem>>
      %dma_wait3A_68 = tpu.memref_squeeze %dma_wait3A_67 : memref<1x80xi32, #tpu.memory_space<vmem>> -> memref<80xi32, #tpu.memory_space<vmem>>
      %dma_wait3A_69 = arith.constant 0 : i32
      %dma_wait3A_70 = arith.constant 0 : i32
      %dma_wait3A_71 = tpu.memref_slice %arg2[%dma_wait3A_69, %dma_wait3A_70] : memref<10000x256xf32, #tpu.memory_space<hbm>> -> memref<10000x256xf32, #tpu.memory_space<hbm>>
      tpu.wait_indirect_dma semaphore(%arg12 : memref<!tpu.dma_semaphore, #tpu.memory_space<semaphore_mem>>) src(%dma_wait3A_71 : memref<10000x256xf32, #tpu.memory_space<hbm>>) dst(%arg10 : memref<80x256xf32, #tpu.memory_space<vmem>>)
      %add3A_72 = arith.constant 2 : i32
      %add3A_73 = arith.addi %mul3A_46, %add3A_72 : i32
      %dma_start3A_74 = arith.constant 0 : i32
      %dma_start3A_75 = tpu.memref_slice %arg8[%add3A_73, %dma_start3A_74] : memref<125x80xi32, #tpu.memory_space<vmem>> -> memref<1x80xi32, #tpu.memory_space<vmem>>
      %dma_start3A_76 = tpu.memref_squeeze %dma_start3A_75 : memref<1x80xi32, #tpu.memory_space<vmem>> -> memref<80xi32, #tpu.memory_space<vmem>>
      %dma_start3A_77 = arith.constant 0 : i32
      %dma_start3A_78 = arith.constant 0 : i32
      %dma_start3A_79 = tpu.memref_slice %arg2[%dma_start3A_77, %dma_start3A_78] : memref<10000x256xf32, #tpu.memory_space<hbm>> -> memref<10000x256xf32, #tpu.memory_space<hbm>>
      tpu.enqueue_indirect_dma source(%dma_start3A_79 : memref<10000x256xf32, #tpu.memory_space<hbm>>) target(%arg9 : memref<80x256xf32, #tpu.memory_space<vmem>>) offsets(%dma_start3A_76 : memref<80xi32, #tpu.memory_space<vmem>>) semaphore(%arg11 : memref<!tpu.dma_semaphore, #tpu.memory_space<semaphore_mem>>)
      %add3A_80 = arith.constant 1 : i32
      %add3A_81 = arith.addi %mul3A_46, %add3A_80 : i32
      %mul3A_82 = arith.constant 80 : i32
      %mul3A_83 = arith.muli %add3A_81, %mul3A_82 : i32
      %add3A_84 = arith.addi %mul3A_2, %mul3A_83 : i32
      "tpu.region"() ({
        %run_scoped3A = tpu.sem_alloc : memref<!tpu.dma_semaphore, #tpu.memory_space<semaphore_mem>>
        %dma_start3A_85 = arith.constant 0 : i32
        %dma_start3A_86 = tpu.memref_slice %arg6[%add3A_84, %dma_start3A_85] : memref<320000x256xf32, #tpu.memory_space<hbm>> -> memref<80x256xf32, #tpu.memory_space<hbm>>
        %dma_start3A_87 = arith.constant 0 : i32
        %dma_start3A_88 = tpu.memref_slice %arg6[%add3A_84, %dma_start3A_87] : memref<320000x256xf32, #tpu.memory_space<hbm>> -> memref<80x256xf32, #tpu.memory_space<hbm>>
        tpu.enqueue_dma source(%arg10 : memref<80x256xf32, #tpu.memory_space<vmem>>) target(%dma_start3A_88 : memref<80x256xf32, #tpu.memory_space<hbm>>) target_semaphore(%run_scoped3A : memref<!tpu.dma_semaphore, #tpu.memory_space<semaphore_mem>>)
        %dma_wait3A_89 = arith.constant 0 : i32
        %dma_wait3A_90 = tpu.memref_slice %arg6[%add3A_84, %dma_wait3A_89] : memref<320000x256xf32, #tpu.memory_space<hbm>> -> memref<80x256xf32, #tpu.memory_space<hbm>>
        %dma_wait3A_91 = arith.constant 0 : i32
        %dma_wait3A_92 = tpu.memref_slice %arg6[%add3A_84, %dma_wait3A_91] : memref<320000x256xf32, #tpu.memory_space<hbm>> -> memref<80x256xf32, #tpu.memory_space<hbm>>
        tpu.wait_dma2 semaphore(%run_scoped3A : memref<!tpu.dma_semaphore, #tpu.memory_space<semaphore_mem>>) src(%arg10 : memref<80x256xf32, #tpu.memory_space<vmem>>) dst(%dma_wait3A_92 : memref<80x256xf32, #tpu.memory_space<hbm>>)
        tpu.yield
      }) : () -> ()
    }
    %scan3A_13 = arith.constant 62 : i32
    %dma_wait3A = arith.constant 124 : i32
    %dma_wait3A_14 = arith.constant 0 : i32
    %dma_wait3A_15 = tpu.memref_slice %arg8[%dma_wait3A, %dma_wait3A_14] : memref<125x80xi32, #tpu.memory_space<vmem>> -> memref<1x80xi32, #tpu.memory_space<vmem>>
    %dma_wait3A_16 = tpu.memref_squeeze %dma_wait3A_15 : memref<1x80xi32, #tpu.memory_space<vmem>> -> memref<80xi32, #tpu.memory_space<vmem>>
    %dma_wait3A_17 = arith.constant 0 : i32
    %dma_wait3A_18 = arith.constant 0 : i32
    %dma_wait3A_19 = tpu.memref_slice %arg2[%dma_wait3A_17, %dma_wait3A_18] : memref<10000x256xf32, #tpu.memory_space<hbm>> -> memref<10000x256xf32, #tpu.memory_space<hbm>>
    tpu.wait_indirect_dma semaphore(%arg11 : memref<!tpu.dma_semaphore, #tpu.memory_space<semaphore_mem>>) src(%dma_wait3A_19 : memref<10000x256xf32, #tpu.memory_space<hbm>>) dst(%arg9 : memref<80x256xf32, #tpu.memory_space<vmem>>)
    %add3A_20 = arith.constant 9920 : i32
    %add3A_21 = arith.addi %mul3A_2, %add3A_20 : i32
    "tpu.region"() ({
      %run_scoped3A = tpu.sem_alloc : memref<!tpu.dma_semaphore, #tpu.memory_space<semaphore_mem>>
      %dma_start3A_44 = arith.constant 0 : i32
      %dma_start3A_45 = tpu.memref_slice %arg6[%add3A_21, %dma_start3A_44] : memref<320000x256xf32, #tpu.memory_space<hbm>> -> memref<80x256xf32, #tpu.memory_space<hbm>>
      %dma_start3A_46 = arith.constant 0 : i32
      %dma_start3A_47 = tpu.memref_slice %arg6[%add3A_21, %dma_start3A_46] : memref<320000x256xf32, #tpu.memory_space<hbm>> -> memref<80x256xf32, #tpu.memory_space<hbm>>
      tpu.enqueue_dma source(%arg9 : memref<80x256xf32, #tpu.memory_space<vmem>>) target(%dma_start3A_47 : memref<80x256xf32, #tpu.memory_space<hbm>>) target_semaphore(%run_scoped3A : memref<!tpu.dma_semaphore, #tpu.memory_space<semaphore_mem>>)
      %dma_wait3A_48 = arith.constant 0 : i32
      %dma_wait3A_49 = tpu.memref_slice %arg6[%add3A_21, %dma_wait3A_48] : memref<320000x256xf32, #tpu.memory_space<hbm>> -> memref<80x256xf32, #tpu.memory_space<hbm>>
      %dma_wait3A_50 = arith.constant 0 : i32
      %dma_wait3A_51 = tpu.memref_slice %arg6[%add3A_21, %dma_wait3A_50] : memref<320000x256xf32, #tpu.memory_space<hbm>> -> memref<80x256xf32, #tpu.memory_space<hbm>>
      tpu.wait_dma2 semaphore(%run_scoped3A : memref<!tpu.dma_semaphore, #tpu.memory_space<semaphore_mem>>) src(%arg9 : memref<80x256xf32, #tpu.memory_space<vmem>>) dst(%dma_wait3A_51 : memref<80x256xf32, #tpu.memory_space<hbm>>)
      tpu.yield
    }) : () -> ()
    "tpu.region"() ({
      %run_scoped3A = tpu.sem_alloc : memref<!tpu.dma_semaphore, #tpu.memory_space<semaphore_mem>>
      %dma_start3A_44 = arith.constant 0 : i32
      %dma_start3A_45 = arith.constant 0 : i32
      %dma_start3A_46 = tpu.memref_slice %arg5[%add3A, %dma_start3A_44, %dma_start3A_45] : memref<32x125x80xi32, #tpu.memory_space<hbm>> -> memref<1x125x80xi32, #tpu.memory_space<hbm>>
      %dma_start3A_47 = tpu.memref_squeeze %dma_start3A_46 : memref<1x125x80xi32, #tpu.memory_space<hbm>> -> memref<125x80xi32, #tpu.memory_space<hbm>>
      %dma_start3A_48 = arith.constant 0 : i32
      %dma_start3A_49 = arith.constant 0 : i32
      %dma_start3A_50 = tpu.memref_slice %arg5[%add3A, %dma_start3A_48, %dma_start3A_49] : memref<32x125x80xi32, #tpu.memory_space<hbm>> -> memref<1x125x80xi32, #tpu.memory_space<hbm>>
      %dma_start3A_51 = tpu.memref_squeeze %dma_start3A_50 : memref<1x125x80xi32, #tpu.memory_space<hbm>> -> memref<125x80xi32, #tpu.memory_space<hbm>>
      tpu.enqueue_dma source(%dma_start3A_51 : memref<125x80xi32, #tpu.memory_space<hbm>>) target(%arg8 : memref<125x80xi32, #tpu.memory_space<vmem>>) target_semaphore(%run_scoped3A : memref<!tpu.dma_semaphore, #tpu.memory_space<semaphore_mem>>)
      %dma_wait3A_52 = arith.constant 0 : i32
      %dma_wait3A_53 = arith.constant 0 : i32
      %dma_wait3A_54 = tpu.memref_slice %arg5[%add3A, %dma_wait3A_52, %dma_wait3A_53] : memref<32x125x80xi32, #tpu.memory_space<hbm>> -> memref<1x125x80xi32, #tpu.memory_space<hbm>>
      %dma_wait3A_55 = tpu.memref_squeeze %dma_wait3A_54 : memref<1x125x80xi32, #tpu.memory_space<hbm>> -> memref<125x80xi32, #tpu.memory_space<hbm>>
      %dma_wait3A_56 = arith.constant 0 : i32
      %dma_wait3A_57 = arith.constant 0 : i32
      %dma_wait3A_58 = tpu.memref_slice %arg5[%add3A, %dma_wait3A_56, %dma_wait3A_57] : memref<32x125x80xi32, #tpu.memory_space<hbm>> -> memref<1x125x80xi32, #tpu.memory_space<hbm>>
      %dma_wait3A_59 = tpu.memref_squeeze %dma_wait3A_58 : memref<1x125x80xi32, #tpu.memory_space<hbm>> -> memref<125x80xi32, #tpu.memory_space<hbm>>
      tpu.wait_dma2 semaphore(%run_scoped3A : memref<!tpu.dma_semaphore, #tpu.memory_space<semaphore_mem>>) src(%dma_wait3A_59 : memref<125x80xi32, #tpu.memory_space<hbm>>) dst(%arg8 : memref<125x80xi32, #tpu.memory_space<vmem>>)
      tpu.yield
    }) : () -> ()
    %dma_start3A_22 = arith.constant 0 : i32
    %dma_start3A_23 = arith.constant 0 : i32
    %dma_start3A_24 = tpu.memref_slice %arg8[%dma_start3A_22, %dma_start3A_23] : memref<125x80xi32, #tpu.memory_space<vmem>> -> memref<1x80xi32, #tpu.memory_space<vmem>>
    %dma_start3A_25 = tpu.memref_squeeze %dma_start3A_24 : memref<1x80xi32, #tpu.memory_space<vmem>> -> memref<80xi32, #tpu.memory_space<vmem>>
    %dma_start3A_26 = arith.constant 0 : i32
    %dma_start3A_27 = arith.constant 0 : i32
    %dma_start3A_28 = tpu.memref_slice %arg3[%dma_start3A_26, %dma_start3A_27] : memref<10000x256xf32, #tpu.memory_space<hbm>> -> memref<10000x256xf32, #tpu.memory_space<hbm>>
    tpu.enqueue_indirect_dma source(%dma_start3A_28 : memref<10000x256xf32, #tpu.memory_space<hbm>>) target(%arg9 : memref<80x256xf32, #tpu.memory_space<vmem>>) offsets(%dma_start3A_25 : memref<80xi32, #tpu.memory_space<vmem>>) semaphore(%arg11 : memref<!tpu.dma_semaphore, #tpu.memory_space<semaphore_mem>>)
    %scan3A_29 = arith.constant 0 : i32
    %scan3A_30 = arith.constant 0 : i32
    %scan3A_31 = arith.constant 62 : i32
    %scan3A_32 = arith.addi %scan3A_30, %scan3A_31 : i32
    %scan3A_33 = arith.constant 1 : i32
    scf.for %scan3A_44 = %scan3A_30 to %scan3A_32 step %scan3A_33  : i32 {
      %mul3A_45 = arith.constant 2 : i32
      %mul3A_46 = arith.muli %mul3A_45, %scan3A_44 : i32
      %dma_wait3A_47 = arith.constant 0 : i32
      %dma_wait3A_48 = tpu.memref_slice %arg8[%mul3A_46, %dma_wait3A_47] : memref<125x80xi32, #tpu.memory_space<vmem>> -> memref<1x80xi32, #tpu.memory_space<vmem>>
      %dma_wait3A_49 = tpu.memref_squeeze %dma_wait3A_48 : memref<1x80xi32, #tpu.memory_space<vmem>> -> memref<80xi32, #tpu.memory_space<vmem>>
      %dma_wait3A_50 = arith.constant 0 : i32
      %dma_wait3A_51 = arith.constant 0 : i32
      %dma_wait3A_52 = tpu.memref_slice %arg3[%dma_wait3A_50, %dma_wait3A_51] : memref<10000x256xf32, #tpu.memory_space<hbm>> -> memref<10000x256xf32, #tpu.memory_space<hbm>>
      tpu.wait_indirect_dma semaphore(%arg11 : memref<!tpu.dma_semaphore, #tpu.memory_space<semaphore_mem>>) src(%dma_wait3A_52 : memref<10000x256xf32, #tpu.memory_space<hbm>>) dst(%arg9 : memref<80x256xf32, #tpu.memory_space<vmem>>)
      %add3A_53 = arith.constant 1 : i32
      %add3A_54 = arith.addi %mul3A_46, %add3A_53 : i32
      %dma_start3A_55 = arith.constant 0 : i32
      %dma_start3A_56 = tpu.memref_slice %arg8[%add3A_54, %dma_start3A_55] : memref<125x80xi32, #tpu.memory_space<vmem>> -> memref<1x80xi32, #tpu.memory_space<vmem>>
      %dma_start3A_57 = tpu.memref_squeeze %dma_start3A_56 : memref<1x80xi32, #tpu.memory_space<vmem>> -> memref<80xi32, #tpu.memory_space<vmem>>
      %dma_start3A_58 = arith.constant 0 : i32
      %dma_start3A_59 = arith.constant 0 : i32
      %dma_start3A_60 = tpu.memref_slice %arg3[%dma_start3A_58, %dma_start3A_59] : memref<10000x256xf32, #tpu.memory_space<hbm>> -> memref<10000x256xf32, #tpu.memory_space<hbm>>
      tpu.enqueue_indirect_dma source(%dma_start3A_60 : memref<10000x256xf32, #tpu.memory_space<hbm>>) target(%arg10 : memref<80x256xf32, #tpu.memory_space<vmem>>) offsets(%dma_start3A_57 : memref<80xi32, #tpu.memory_space<vmem>>) semaphore(%arg12 : memref<!tpu.dma_semaphore, #tpu.memory_space<semaphore_mem>>)
      %mul3A_61 = arith.constant 80 : i32
      %mul3A_62 = arith.muli %mul3A_46, %mul3A_61 : i32
      %add3A_63 = arith.addi %mul3A_2, %mul3A_62 : i32
      "tpu.region"() ({
        %run_scoped3A = tpu.sem_alloc : memref<!tpu.dma_semaphore, #tpu.memory_space<semaphore_mem>>
        %dma_start3A_85 = arith.constant 0 : i32
        %dma_start3A_86 = tpu.memref_slice %arg7[%add3A_63, %dma_start3A_85] : memref<320000x256xf32, #tpu.memory_space<hbm>> -> memref<80x256xf32, #tpu.memory_space<hbm>>
        %dma_start3A_87 = arith.constant 0 : i32
        %dma_start3A_88 = tpu.memref_slice %arg7[%add3A_63, %dma_start3A_87] : memref<320000x256xf32, #tpu.memory_space<hbm>> -> memref<80x256xf32, #tpu.memory_space<hbm>>
        tpu.enqueue_dma source(%arg9 : memref<80x256xf32, #tpu.memory_space<vmem>>) target(%dma_start3A_88 : memref<80x256xf32, #tpu.memory_space<hbm>>) target_semaphore(%run_scoped3A : memref<!tpu.dma_semaphore, #tpu.memory_space<semaphore_mem>>)
        %dma_wait3A_89 = arith.constant 0 : i32
        %dma_wait3A_90 = tpu.memref_slice %arg7[%add3A_63, %dma_wait3A_89] : memref<320000x256xf32, #tpu.memory_space<hbm>> -> memref<80x256xf32, #tpu.memory_space<hbm>>
        %dma_wait3A_91 = arith.constant 0 : i32
        %dma_wait3A_92 = tpu.memref_slice %arg7[%add3A_63, %dma_wait3A_91] : memref<320000x256xf32, #tpu.memory_space<hbm>> -> memref<80x256xf32, #tpu.memory_space<hbm>>
        tpu.wait_dma2 semaphore(%run_scoped3A : memref<!tpu.dma_semaphore, #tpu.memory_space<semaphore_mem>>) src(%arg9 : memref<80x256xf32, #tpu.memory_space<vmem>>) dst(%dma_wait3A_92 : memref<80x256xf32, #tpu.memory_space<hbm>>)
        tpu.yield
      }) : () -> ()
      %add3A_64 = arith.constant 1 : i32
      %add3A_65 = arith.addi %mul3A_46, %add3A_64 : i32
      %dma_wait3A_66 = arith.constant 0 : i32
      %dma_wait3A_67 = tpu.memref_slice %arg8[%add3A_65, %dma_wait3A_66] : memref<125x80xi32, #tpu.memory_space<vmem>> -> memref<1x80xi32, #tpu.memory_space<vmem>>
      %dma_wait3A_68 = tpu.memref_squeeze %dma_wait3A_67 : memref<1x80xi32, #tpu.memory_space<vmem>> -> memref<80xi32, #tpu.memory_space<vmem>>
      %dma_wait3A_69 = arith.constant 0 : i32
      %dma_wait3A_70 = arith.constant 0 : i32
      %dma_wait3A_71 = tpu.memref_slice %arg3[%dma_wait3A_69, %dma_wait3A_70] : memref<10000x256xf32, #tpu.memory_space<hbm>> -> memref<10000x256xf32, #tpu.memory_space<hbm>>
      tpu.wait_indirect_dma semaphore(%arg12 : memref<!tpu.dma_semaphore, #tpu.memory_space<semaphore_mem>>) src(%dma_wait3A_71 : memref<10000x256xf32, #tpu.memory_space<hbm>>) dst(%arg10 : memref<80x256xf32, #tpu.memory_space<vmem>>)
      %add3A_72 = arith.constant 2 : i32
      %add3A_73 = arith.addi %mul3A_46, %add3A_72 : i32
      %dma_start3A_74 = arith.constant 0 : i32
      %dma_start3A_75 = tpu.memref_slice %arg8[%add3A_73, %dma_start3A_74] : memref<125x80xi32, #tpu.memory_space<vmem>> -> memref<1x80xi32, #tpu.memory_space<vmem>>
      %dma_start3A_76 = tpu.memref_squeeze %dma_start3A_75 : memref<1x80xi32, #tpu.memory_space<vmem>> -> memref<80xi32, #tpu.memory_space<vmem>>
      %dma_start3A_77 = arith.constant 0 : i32
      %dma_start3A_78 = arith.constant 0 : i32
      %dma_start3A_79 = tpu.memref_slice %arg3[%dma_start3A_77, %dma_start3A_78] : memref<10000x256xf32, #tpu.memory_space<hbm>> -> memref<10000x256xf32, #tpu.memory_space<hbm>>
      tpu.enqueue_indirect_dma source(%dma_start3A_79 : memref<10000x256xf32, #tpu.memory_space<hbm>>) target(%arg9 : memref<80x256xf32, #tpu.memory_space<vmem>>) offsets(%dma_start3A_76 : memref<80xi32, #tpu.memory_space<vmem>>) semaphore(%arg11 : memref<!tpu.dma_semaphore, #tpu.memory_space<semaphore_mem>>)
      %add3A_80 = arith.constant 1 : i32
      %add3A_81 = arith.addi %mul3A_46, %add3A_80 : i32
      %mul3A_82 = arith.constant 80 : i32
      %mul3A_83 = arith.muli %add3A_81, %mul3A_82 : i32
      %add3A_84 = arith.addi %mul3A_2, %mul3A_83 : i32
      "tpu.region"() ({
        %run_scoped3A = tpu.sem_alloc : memref<!tpu.dma_semaphore, #tpu.memory_space<semaphore_mem>>
        %dma_start3A_85 = arith.constant 0 : i32
        %dma_start3A_86 = tpu.memref_slice %arg7[%add3A_84, %dma_start3A_85] : memref<320000x256xf32, #tpu.memory_space<hbm>> -> memref<80x256xf32, #tpu.memory_space<hbm>>
        %dma_start3A_87 = arith.constant 0 : i32
        %dma_start3A_88 = tpu.memref_slice %arg7[%add3A_84, %dma_start3A_87] : memref<320000x256xf32, #tpu.memory_space<hbm>> -> memref<80x256xf32, #tpu.memory_space<hbm>>
        tpu.enqueue_dma source(%arg10 : memref<80x256xf32, #tpu.memory_space<vmem>>) target(%dma_start3A_88 : memref<80x256xf32, #tpu.memory_space<hbm>>) target_semaphore(%run_scoped3A : memref<!tpu.dma_semaphore, #tpu.memory_space<semaphore_mem>>)
        %dma_wait3A_89 = arith.constant 0 : i32
        %dma_wait3A_90 = tpu.memref_slice %arg7[%add3A_84, %dma_wait3A_89] : memref<320000x256xf32, #tpu.memory_space<hbm>> -> memref<80x256xf32, #tpu.memory_space<hbm>>
        %dma_wait3A_91 = arith.constant 0 : i32
        %dma_wait3A_92 = tpu.memref_slice %arg7[%add3A_84, %dma_wait3A_91] : memref<320000x256xf32, #tpu.memory_space<hbm>> -> memref<80x256xf32, #tpu.memory_space<hbm>>
        tpu.wait_dma2 semaphore(%run_scoped3A : memref<!tpu.dma_semaphore, #tpu.memory_space<semaphore_mem>>) src(%arg10 : memref<80x256xf32, #tpu.memory_space<vmem>>) dst(%dma_wait3A_92 : memref<80x256xf32, #tpu.memory_space<hbm>>)
        tpu.yield
      }) : () -> ()
    }
    %scan3A_34 = arith.constant 62 : i32
    %dma_wait3A_35 = arith.constant 124 : i32
    %dma_wait3A_36 = arith.constant 0 : i32
    %dma_wait3A_37 = tpu.memref_slice %arg8[%dma_wait3A_35, %dma_wait3A_36] : memref<125x80xi32, #tpu.memory_space<vmem>> -> memref<1x80xi32, #tpu.memory_space<vmem>>
    %dma_wait3A_38 = tpu.memref_squeeze %dma_wait3A_37 : memref<1x80xi32, #tpu.memory_space<vmem>> -> memref<80xi32, #tpu.memory_space<vmem>>
    %dma_wait3A_39 = arith.constant 0 : i32
    %dma_wait3A_40 = arith.constant 0 : i32
    %dma_wait3A_41 = tpu.memref_slice %arg3[%dma_wait3A_39, %dma_wait3A_40] : memref<10000x256xf32, #tpu.memory_space<hbm>> -> memref<10000x256xf32, #tpu.memory_space<hbm>>
    tpu.wait_indirect_dma semaphore(%arg11 : memref<!tpu.dma_semaphore, #tpu.memory_space<semaphore_mem>>) src(%dma_wait3A_41 : memref<10000x256xf32, #tpu.memory_space<hbm>>) dst(%arg9 : memref<80x256xf32, #tpu.memory_space<vmem>>)
    %add3A_42 = arith.constant 9920 : i32
    %add3A_43 = arith.addi %mul3A_2, %add3A_42 : i32
    "tpu.region"() ({
      %run_scoped3A = tpu.sem_alloc : memref<!tpu.dma_semaphore, #tpu.memory_space<semaphore_mem>>
      %dma_start3A_44 = arith.constant 0 : i32
      %dma_start3A_45 = tpu.memref_slice %arg7[%add3A_43, %dma_start3A_44] : memref<320000x256xf32, #tpu.memory_space<hbm>> -> memref<80x256xf32, #tpu.memory_space<hbm>>
      %dma_start3A_46 = arith.constant 0 : i32
      %dma_start3A_47 = tpu.memref_slice %arg7[%add3A_43, %dma_start3A_46] : memref<320000x256xf32, #tpu.memory_space<hbm>> -> memref<80x256xf32, #tpu.memory_space<hbm>>
      tpu.enqueue_dma source(%arg9 : memref<80x256xf32, #tpu.memory_space<vmem>>) target(%dma_start3A_47 : memref<80x256xf32, #tpu.memory_space<hbm>>) target_semaphore(%run_scoped3A : memref<!tpu.dma_semaphore, #tpu.memory_space<semaphore_mem>>)
      %dma_wait3A_48 = arith.constant 0 : i32
      %dma_wait3A_49 = tpu.memref_slice %arg7[%add3A_43, %dma_wait3A_48] : memref<320000x256xf32, #tpu.memory_space<hbm>> -> memref<80x256xf32, #tpu.memory_space<hbm>>
      %dma_wait3A_50 = arith.constant 0 : i32
      %dma_wait3A_51 = tpu.memref_slice %arg7[%add3A_43, %dma_wait3A_50] : memref<320000x256xf32, #tpu.memory_space<hbm>> -> memref<80x256xf32, #tpu.memory_space<hbm>>
      tpu.wait_dma2 semaphore(%run_scoped3A : memref<!tpu.dma_semaphore, #tpu.memory_space<semaphore_mem>>) src(%arg9 : memref<80x256xf32, #tpu.memory_space<vmem>>) dst(%dma_wait3A_51 : memref<80x256xf32, #tpu.memory_space<hbm>>)
      tpu.yield
    }) : () -> ()
    return
  }
}

module attributes {stable_mosaic.version = 14 : i64} {
  func.func @_node_pre_body(%arg0: i32, %arg1: memref<1000x1433xf32, #tpu.memory_space<vmem>>, %arg2: memref<1000x6xf32, #tpu.memory_space<vmem>>, %arg3: memref<1433x128xf32, #tpu.memory_space<vmem>>, %arg4: memref<1x128xf32, #tpu.memory_space<vmem>>, %arg5: memref<128x128xf32, #tpu.memory_space<vmem>>, %arg6: memref<128x128xf32, #tpu.memory_space<vmem>>, %arg7: memref<1x128xf32, #tpu.memory_space<vmem>>, %arg8: memref<5x5xf32, #tpu.memory_space<vmem>>, %arg9: memref<1000x128xf32, #tpu.memory_space<vmem>>, %arg10: memref<1000x256xf32, #tpu.memory_space<vmem>>, %arg11: memref<1000x256xf32, #tpu.memory_space<vmem>>) attributes {dimension_semantics = [#tpu.dimension_semantics<arbitrary>], iteration_bounds = array<i64: 10>, scalar_prefetch = 0 : i64, scratch_operands = 0 : i64, tpu.core_type = #tpu.core_type<tc>, window_params = [{transform_indices = @transform_0, window_bounds = array<i64: 1000, 1433>}, {transform_indices = @transform_1, window_bounds = array<i64: 1000, 6>}, {pipeline_mode = #tpu.pipeline_mode<synchronous>, transform_indices = @transform_2, window_bounds = array<i64: 1433, 128>}, {pipeline_mode = #tpu.pipeline_mode<synchronous>, transform_indices = @transform_3, window_bounds = array<i64: 1, 128>}, {pipeline_mode = #tpu.pipeline_mode<synchronous>, transform_indices = @transform_4, window_bounds = array<i64: 128, 128>}, {pipeline_mode = #tpu.pipeline_mode<synchronous>, transform_indices = @transform_5, window_bounds = array<i64: 128, 128>}, {pipeline_mode = #tpu.pipeline_mode<synchronous>, transform_indices = @transform_6, window_bounds = array<i64: 1, 128>}, {pipeline_mode = #tpu.pipeline_mode<synchronous>, transform_indices = @transform_7, window_bounds = array<i64: 5, 5>}, {transform_indices = @transform_8, window_bounds = array<i64: 1000, 128>}, {transform_indices = @transform_9, window_bounds = array<i64: 1000, 256>}, {transform_indices = @transform_10, window_bounds = array<i64: 1000, 256>}]} {
    %get3A = arith.constant 0 : index
    %get3A_0 = arith.constant 0 : index
    %get3A_1 = vector.load %arg1[%get3A, %get3A_0] : memref<1000x1433xf32, #tpu.memory_space<vmem>>, vector<1000x1433xf32>
    %get3A_2 = arith.constant 0 : index
    %get3A_3 = arith.constant 0 : index
    %get3A_4 = vector.load %arg3[%get3A_2, %get3A_3] : memref<1433x128xf32, #tpu.memory_space<vmem>>, vector<1433x128xf32>
    %dot_general3A = arith.constant dense<0.000000e+00> : vector<1000x128xf32>
    %dot_general3A_5 = tpu.matmul %get3A_1, %get3A_4, %dot_general3A {dimension_numbers = #tpu.dot_dimension_numbers<[1], [0], [0], [1], [0, 0, 1, 1], [], []>, transpose_lhs_hint = false} : vector<1000x1433xf32>, vector<1433x128xf32>, vector<1000x128xf32> -> vector<1000x128xf32>
    %get3A_6 = arith.constant 0 : index
    %get3A_7 = arith.constant 0 : index
    %get3A_8 = vector.load %arg4[%get3A_6, %get3A_7] : memref<1x128xf32, #tpu.memory_space<vmem>>, vector<1x128xf32>
    %add3A = vector.broadcast %get3A_8 : vector<1x128xf32> to vector<1000x128xf32>
    %add3A_9 = arith.addf %dot_general3A_5, %add3A : vector<1000x128xf32>
    %swap3A = arith.constant 0 : index
    %swap3A_10 = arith.constant 0 : index
    %swap3A_11 = vector.load %arg9[%swap3A, %swap3A_10] : memref<1000x128xf32, #tpu.memory_space<vmem>>, vector<1000x128xf32>
    tpu.vector_store %arg9[%swap3A, %swap3A_10], %add3A_9 {strides = array<i32>} : memref<1000x128xf32, #tpu.memory_space<vmem>>, vector<1000x128xf32>,
    %get3A_12 = arith.constant 0 : index
    %get3A_13 = arith.constant 0 : index
    %get3A_14 = vector.load %arg5[%get3A_12, %get3A_13] : memref<128x128xf32, #tpu.memory_space<vmem>>, vector<128x128xf32>
    %dot_general3A_15 = arith.constant dense<0.000000e+00> : vector<1000x128xf32>
    %dot_general3A_16 = tpu.matmul %add3A_9, %get3A_14, %dot_general3A_15 {dimension_numbers = #tpu.dot_dimension_numbers<[1], [0], [0], [1], [0, 0, 1, 1], [], []>, transpose_lhs_hint = false} : vector<1000x128xf32>, vector<128x128xf32>, vector<1000x128xf32> -> vector<1000x128xf32>
    %get3A_17 = arith.constant 0 : index
    %get3A_18 = arith.constant 0 : index
    %get3A_19 = vector.load %arg7[%get3A_17, %get3A_18] : memref<1x128xf32, #tpu.memory_space<vmem>>, vector<1x128xf32>
    %add3A_20 = vector.broadcast %get3A_19 : vector<1x128xf32> to vector<1000x128xf32>
    %add3A_21 = arith.addf %dot_general3A_16, %add3A_20 : vector<1000x128xf32>
    %get3A_22 = arith.constant 0 : index
    %get3A_23 = arith.constant 0 : index
    %get3A_24 = vector.load %arg6[%get3A_22, %get3A_23] : memref<128x128xf32, #tpu.memory_space<vmem>>, vector<128x128xf32>
    %dot_general3A_25 = arith.constant dense<0.000000e+00> : vector<1000x128xf32>
    %dot_general3A_26 = tpu.matmul %add3A_9, %get3A_24, %dot_general3A_25 {dimension_numbers = #tpu.dot_dimension_numbers<[1], [0], [0], [1], [0, 0, 1, 1], [], []>, transpose_lhs_hint = false} : vector<1000x128xf32>, vector<128x128xf32>, vector<1000x128xf32> -> vector<1000x128xf32>
    %get3A_27 = arith.constant 0 : index
    %get3A_28 = arith.constant 0 : index
    %get3A_29 = vector.load %arg2[%get3A_27, %get3A_28] : memref<1000x6xf32, #tpu.memory_space<vmem>>, vector<1000x6xf32>
    %get3A_30 = arith.constant 0 : index
    %get3A_31 = arith.constant 0 : index
    %get3A_32 = vector.load %arg8[%get3A_30, %get3A_31] : memref<5x5xf32, #tpu.memory_space<vmem>>, vector<5x5xf32>
    %broadcast_in_dim3A = arith.constant 0.000000e+00 : f32
    %broadcast_in_dim3A_33 = vector.broadcast %broadcast_in_dim3A : f32 to vector<1000x113xf32>
    %slice3A = vector.extract_strided_slice %get3A_29 {offsets = [0, 0], sizes = [1000, 1], strides = [1, 1]} : vector<1000x6xf32> to vector<1000x1xf32>
    %slice3A_34 = vector.extract_strided_slice %get3A_29 {offsets = [0, 3], sizes = [1000, 1], strides = [1, 1]} : vector<1000x6xf32> to vector<1000x1xf32>
    %concatenate3A = tpu.concatenate %slice3A, %slice3A_34 in 1 : vector<1000x1xf32>, vector<1000x1xf32> -> vector<1000x2xf32>
    %slice3A_35 = vector.extract_strided_slice %get3A_32 {offsets = [0, 0], sizes = [2, 5], strides = [1, 1]} : vector<5x5xf32> to vector<2x5xf32>
    %dot_general3A_36 = arith.constant dense<0.000000e+00> : vector<1000x5xf32>
    %dot_general3A_37 = tpu.matmul %concatenate3A, %slice3A_35, %dot_general3A_36 {dimension_numbers = #tpu.dot_dimension_numbers<[1], [0], [0], [1], [0, 0, 1, 1], [], []>, transpose_lhs_hint = false} : vector<1000x2xf32>, vector<2x5xf32>, vector<1000x5xf32> -> vector<1000x5xf32>
    %slice3A_38 = vector.extract_strided_slice %get3A_32 {offsets = [3, 0], sizes = [2, 5], strides = [1, 1]} : vector<5x5xf32> to vector<2x5xf32>
    %dot_general3A_39 = arith.constant dense<0.000000e+00> : vector<1000x5xf32>
    %dot_general3A_40 = tpu.matmul %concatenate3A, %slice3A_38, %dot_general3A_39 {dimension_numbers = #tpu.dot_dimension_numbers<[1], [0], [0], [1], [0, 0, 1, 1], [], []>, transpose_lhs_hint = false} : vector<1000x2xf32>, vector<2x5xf32>, vector<1000x5xf32> -> vector<1000x5xf32>
    %slice3A_41 = vector.extract_strided_slice %get3A_29 {offsets = [0, 1], sizes = [1000, 1], strides = [1, 1]} : vector<1000x6xf32> to vector<1000x1xf32>
    %slice3A_42 = vector.extract_strided_slice %get3A_29 {offsets = [0, 4], sizes = [1000, 1], strides = [1, 1]} : vector<1000x6xf32> to vector<1000x1xf32>
    %concatenate3A_43 = tpu.concatenate %slice3A_41, %slice3A_42 in 1 : vector<1000x1xf32>, vector<1000x1xf32> -> vector<1000x2xf32>
    %slice3A_44 = vector.extract_strided_slice %get3A_32 {offsets = [0, 0], sizes = [2, 5], strides = [1, 1]} : vector<5x5xf32> to vector<2x5xf32>
    %dot_general3A_45 = arith.constant dense<0.000000e+00> : vector<1000x5xf32>
    %dot_general3A_46 = tpu.matmul %concatenate3A_43, %slice3A_44, %dot_general3A_45 {dimension_numbers = #tpu.dot_dimension_numbers<[1], [0], [0], [1], [0, 0, 1, 1], [], []>, transpose_lhs_hint = false} : vector<1000x2xf32>, vector<2x5xf32>, vector<1000x5xf32> -> vector<1000x5xf32>
    %slice3A_47 = vector.extract_strided_slice %get3A_32 {offsets = [3, 0], sizes = [2, 5], strides = [1, 1]} : vector<5x5xf32> to vector<2x5xf32>
    %dot_general3A_48 = arith.constant dense<0.000000e+00> : vector<1000x5xf32>
    %dot_general3A_49 = tpu.matmul %concatenate3A_43, %slice3A_47, %dot_general3A_48 {dimension_numbers = #tpu.dot_dimension_numbers<[1], [0], [0], [1], [0, 0, 1, 1], [], []>, transpose_lhs_hint = false} : vector<1000x2xf32>, vector<2x5xf32>, vector<1000x5xf32> -> vector<1000x5xf32>
    %slice3A_50 = vector.extract_strided_slice %get3A_29 {offsets = [0, 2], sizes = [1000, 1], strides = [1, 1]} : vector<1000x6xf32> to vector<1000x1xf32>
    %slice3A_51 = vector.extract_strided_slice %get3A_29 {offsets = [0, 5], sizes = [1000, 1], strides = [1, 1]} : vector<1000x6xf32> to vector<1000x1xf32>
    %concatenate3A_52 = tpu.concatenate %slice3A_50, %slice3A_51 in 1 : vector<1000x1xf32>, vector<1000x1xf32> -> vector<1000x2xf32>
    %slice3A_53 = vector.extract_strided_slice %get3A_32 {offsets = [0, 0], sizes = [2, 5], strides = [1, 1]} : vector<5x5xf32> to vector<2x5xf32>
    %dot_general3A_54 = arith.constant dense<0.000000e+00> : vector<1000x5xf32>
    %dot_general3A_55 = tpu.matmul %concatenate3A_52, %slice3A_53, %dot_general3A_54 {dimension_numbers = #tpu.dot_dimension_numbers<[1], [0], [0], [1], [0, 0, 1, 1], [], []>, transpose_lhs_hint = false} : vector<1000x2xf32>, vector<2x5xf32>, vector<1000x5xf32> -> vector<1000x5xf32>
    %slice3A_56 = vector.extract_strided_slice %get3A_32 {offsets = [3, 0], sizes = [2, 5], strides = [1, 1]} : vector<5x5xf32> to vector<2x5xf32>
    %dot_general3A_57 = arith.constant dense<0.000000e+00> : vector<1000x5xf32>
    %dot_general3A_58 = tpu.matmul %concatenate3A_52, %slice3A_56, %dot_general3A_57 {dimension_numbers = #tpu.dot_dimension_numbers<[1], [0], [0], [1], [0, 0, 1, 1], [], []>, transpose_lhs_hint = false} : vector<1000x2xf32>, vector<2x5xf32>, vector<1000x5xf32> -> vector<1000x5xf32>
    %concatenate3A_59 = tpu.concatenate %add3A_21, %dot_general3A_37, %dot_general3A_46, %dot_general3A_55, %broadcast_in_dim3A_33 in 1 : vector<1000x128xf32>, vector<1000x5xf32>, vector<1000x5xf32>, vector<1000x5xf32>, vector<1000x113xf32> -> vector<1000x256xf32>
    %swap3A_60 = arith.constant 0 : index
    %swap3A_61 = arith.constant 0 : index
    %swap3A_62 = vector.load %arg10[%swap3A_60, %swap3A_61] : memref<1000x256xf32, #tpu.memory_space<vmem>>, vector<1000x256xf32>
    tpu.vector_store %arg10[%swap3A_60, %swap3A_61], %concatenate3A_59 {strides = array<i32>} : memref<1000x256xf32, #tpu.memory_space<vmem>>, vector<1000x256xf32>,
    %concatenate3A_63 = tpu.concatenate %dot_general3A_26, %dot_general3A_40, %dot_general3A_49, %dot_general3A_58, %broadcast_in_dim3A_33 in 1 : vector<1000x128xf32>, vector<1000x5xf32>, vector<1000x5xf32>, vector<1000x5xf32>, vector<1000x113xf32> -> vector<1000x256xf32>
    %swap3A_64 = arith.constant 0 : index
    %swap3A_65 = arith.constant 0 : index
    %swap3A_66 = vector.load %arg11[%swap3A_64, %swap3A_65] : memref<1000x256xf32, #tpu.memory_space<vmem>>, vector<1000x256xf32>
    tpu.vector_store %arg11[%swap3A_64, %swap3A_65], %concatenate3A_63 {strides = array<i32>} : memref<1000x256xf32, #tpu.memory_space<vmem>>, vector<1000x256xf32>,
    return
  }
  func.func @transform_0(%arg0: i32) -> (i32, i32) {
    %c0_i32 = arith.constant 0 : i32
    %c0_i32_0 = arith.constant 0 : i32
    return %arg0, %c0_i32 : i32, i32
  }
  func.func @transform_1(%arg0: i32) -> (i32, i32) {
    %c0_i32 = arith.constant 0 : i32
    %c0_i32_0 = arith.constant 0 : i32
    return %arg0, %c0_i32 : i32, i32
  }
  func.func @transform_2(%arg0: i32) -> (i32, i32) {
    %c0_i32 = arith.constant 0 : i32
    %c0_i32_0 = arith.constant 0 : i32
    %c0_i32_1 = arith.constant 0 : i32
    return %c0_i32, %c0_i32_0 : i32, i32
  }
  func.func @transform_3(%arg0: i32) -> (i32, i32) {
    %c0_i32 = arith.constant 0 : i32
    %c0_i32_0 = arith.constant 0 : i32
    %c0_i32_1 = arith.constant 0 : i32
    return %c0_i32, %c0_i32_0 : i32, i32
  }
  func.func @transform_4(%arg0: i32) -> (i32, i32) {
    %c0_i32 = arith.constant 0 : i32
    %c0_i32_0 = arith.constant 0 : i32
    %c0_i32_1 = arith.constant 0 : i32
    return %c0_i32, %c0_i32_0 : i32, i32
  }
  func.func @transform_5(%arg0: i32) -> (i32, i32) {
    %c0_i32 = arith.constant 0 : i32
    %c0_i32_0 = arith.constant 0 : i32
    %c0_i32_1 = arith.constant 0 : i32
    return %c0_i32, %c0_i32_0 : i32, i32
  }
  func.func @transform_6(%arg0: i32) -> (i32, i32) {
    %c0_i32 = arith.constant 0 : i32
    %c0_i32_0 = arith.constant 0 : i32
    %c0_i32_1 = arith.constant 0 : i32
    return %c0_i32, %c0_i32_0 : i32, i32
  }
  func.func @transform_7(%arg0: i32) -> (i32, i32) {
    %c0_i32 = arith.constant 0 : i32
    %c0_i32_0 = arith.constant 0 : i32
    %c0_i32_1 = arith.constant 0 : i32
    return %c0_i32, %c0_i32_0 : i32, i32
  }
  func.func @transform_8(%arg0: i32) -> (i32, i32) {
    %c0_i32 = arith.constant 0 : i32
    %c0_i32_0 = arith.constant 0 : i32
    return %arg0, %c0_i32 : i32, i32
  }
  func.func @transform_9(%arg0: i32) -> (i32, i32) {
    %c0_i32 = arith.constant 0 : i32
    %c0_i32_0 = arith.constant 0 : i32
    return %arg0, %c0_i32 : i32, i32
  }
  func.func @transform_10(%arg0: i32) -> (i32, i32) {
    %c0_i32 = arith.constant 0 : i32
    %c0_i32_0 = arith.constant 0 : i32
    return %arg0, %c0_i32 : i32, i32
  }
}

module attributes {stable_mosaic.version = 14 : i64} {
  func.func @_edge_body(%arg0: i32, %arg1: memref<2000x128xf32, #tpu.memory_space<vmem>>, %arg2: memref<2000x128xf32, #tpu.memory_space<vmem>>, %arg3: memref<2000x128xf32, #tpu.memory_space<vmem>>, %arg4: memref<2000x128xf32, #tpu.memory_space<vmem>>, %arg5: memref<2000x16xf32, #tpu.memory_space<vmem>>, %arg6: memref<1x5xf32, #tpu.memory_space<vmem>>, %arg7: memref<8x128xbf16, #tpu.memory_space<vmem>>, %arg8: memref<5x128xbf16, #tpu.memory_space<vmem>>, %arg9: memref<15x6xbf16, #tpu.memory_space<vmem>>, %arg10: memref<6x6xbf16, #tpu.memory_space<vmem>>, %arg11: memref<128x128xbf16, #tpu.memory_space<vmem>>, %arg12: memref<2x128xbf16, #tpu.memory_space<vmem>>, %arg13: memref<1x128xf32, #tpu.memory_space<vmem>>, %arg14: memref<6x6xbf16, #tpu.memory_space<vmem>>, %arg15: memref<6x6xbf16, #tpu.memory_space<vmem>>, %arg16: memref<128x128xbf16, #tpu.memory_space<vmem>>, %arg17: memref<2x128xbf16, #tpu.memory_space<vmem>>, %arg18: memref<1x128xf32, #tpu.memory_space<vmem>>, %arg19: memref<6x6xbf16, #tpu.memory_space<vmem>>, %arg20: memref<2000x128xf32, #tpu.memory_space<vmem>>, %arg21: memref<2000x128xf32, #tpu.memory_space<vmem>>) attributes {dimension_semantics = [#tpu.dimension_semantics<arbitrary>], iteration_bounds = array<i64: 160>, scalar_prefetch = 0 : i64, scratch_operands = 0 : i64, tpu.core_type = #tpu.core_type<tc>, window_params = [{transform_indices = @transform_0, window_bounds = array<i64: 2000, 128>}, {transform_indices = @transform_1, window_bounds = array<i64: 2000, 128>}, {transform_indices = @transform_2, window_bounds = array<i64: 2000, 128>}, {transform_indices = @transform_3, window_bounds = array<i64: 2000, 128>}, {transform_indices = @transform_4, window_bounds = array<i64: 2000, 16>}, {pipeline_mode = #tpu.pipeline_mode<synchronous>, transform_indices = @transform_5, window_bounds = array<i64: 1, 5>}, {pipeline_mode = #tpu.pipeline_mode<synchronous>, transform_indices = @transform_6, window_bounds = array<i64: 8, 128>}, {pipeline_mode = #tpu.pipeline_mode<synchronous>, transform_indices = @transform_7, window_bounds = array<i64: 5, 128>}, {pipeline_mode = #tpu.pipeline_mode<synchronous>, transform_indices = @transform_8, window_bounds = array<i64: 15, 6>}, {pipeline_mode = #tpu.pipeline_mode<synchronous>, transform_indices = @transform_9, window_bounds = array<i64: 6, 6>}, {pipeline_mode = #tpu.pipeline_mode<synchronous>, transform_indices = @transform_10, window_bounds = array<i64: 128, 128>}, {pipeline_mode = #tpu.pipeline_mode<synchronous>, transform_indices = @transform_11, window_bounds = array<i64: 2, 128>}, {pipeline_mode = #tpu.pipeline_mode<synchronous>, transform_indices = @transform_12, window_bounds = array<i64: 1, 128>}, {pipeline_mode = #tpu.pipeline_mode<synchronous>, transform_indices = @transform_13, window_bounds = array<i64: 6, 6>}, {pipeline_mode = #tpu.pipeline_mode<synchronous>, transform_indices = @transform_14, window_bounds = array<i64: 6, 6>}, {pipeline_mode = #tpu.pipeline_mode<synchronous>, transform_indices = @transform_15, window_bounds = array<i64: 128, 128>}, {pipeline_mode = #tpu.pipeline_mode<synchronous>, transform_indices = @transform_16, window_bounds = array<i64: 2, 128>}, {pipeline_mode = #tpu.pipeline_mode<synchronous>, transform_indices = @transform_17, window_bounds = array<i64: 1, 128>}, {pipeline_mode = #tpu.pipeline_mode<synchronous>, transform_indices = @transform_18, window_bounds = array<i64: 6, 6>}, {transform_indices = @transform_19, window_bounds = array<i64: 2000, 128>}, {transform_indices = @transform_20, window_bounds = array<i64: 2000, 128>}]} {
    %get3A = arith.constant 0 : index
    %get3A_0 = arith.constant 0 : index
    %get3A_1 = vector.load %arg2[%get3A, %get3A_0] : memref<2000x128xf32, #tpu.memory_space<vmem>>, vector<2000x128xf32>
    %get3A_2 = arith.constant 0 : index
    %get3A_3 = arith.constant 0 : index
    %get3A_4 = vector.load %arg4[%get3A_2, %get3A_3] : memref<2000x128xf32, #tpu.memory_space<vmem>>, vector<2000x128xf32>
    %get3A_5 = arith.constant 0 : index
    %get3A_6 = arith.constant 0 : index
    %get3A_7 = vector.load %arg5[%get3A_5, %get3A_6] : memref<2000x16xf32, #tpu.memory_space<vmem>>, vector<2000x16xf32>
    %slice3A = vector.extract_strided_slice %get3A_7 {offsets = [0, 0], sizes = [2000, 8], strides = [1, 1]} : vector<2000x16xf32> to vector<2000x8xf32>
    %slice3A_8 = vector.extract_strided_slice %get3A_7 {offsets = [0, 8], sizes = [2000, 1], strides = [1, 1]} : vector<2000x16xf32> to vector<2000x1xf32>
    %get3A_9 = arith.constant 0 : index
    %get3A_10 = arith.constant 0 : index
    %get3A_11 = vector.load %arg6[%get3A_9, %get3A_10] : memref<1x5xf32, #tpu.memory_space<vmem>>, vector<1x5xf32>
    %mul3A = vector.broadcast %slice3A_8 : vector<2000x1xf32> to vector<2000x5xf32>
    %mul3A_12 = vector.broadcast %get3A_11 : vector<1x5xf32> to vector<2000x5xf32>
    %mul3A_13 = arith.mulf %mul3A, %mul3A_12 : vector<2000x5xf32>
    %slice3A_14 = vector.extract_strided_slice %get3A_7 {offsets = [0, 9], sizes = [2000, 1], strides = [1, 1]} : vector<2000x16xf32> to vector<2000x1xf32>
    %get3A_15 = arith.constant 0 : index
    %get3A_16 = arith.constant 0 : index
    %get3A_17 = vector.load %arg6[%get3A_15, %get3A_16] : memref<1x5xf32, #tpu.memory_space<vmem>>, vector<1x5xf32>
    %mul3A_18 = vector.broadcast %slice3A_14 : vector<2000x1xf32> to vector<2000x5xf32>
    %mul3A_19 = vector.broadcast %get3A_17 : vector<1x5xf32> to vector<2000x5xf32>
    %mul3A_20 = arith.mulf %mul3A_18, %mul3A_19 : vector<2000x5xf32>
    %slice3A_21 = vector.extract_strided_slice %get3A_7 {offsets = [0, 10], sizes = [2000, 1], strides = [1, 1]} : vector<2000x16xf32> to vector<2000x1xf32>
    %get3A_22 = arith.constant 0 : index
    %get3A_23 = arith.constant 0 : index
    %get3A_24 = vector.load %arg6[%get3A_22, %get3A_23] : memref<1x5xf32, #tpu.memory_space<vmem>>, vector<1x5xf32>
    %mul3A_25 = vector.broadcast %slice3A_21 : vector<2000x1xf32> to vector<2000x5xf32>
    %mul3A_26 = vector.broadcast %get3A_24 : vector<1x5xf32> to vector<2000x5xf32>
    %mul3A_27 = arith.mulf %mul3A_25, %mul3A_26 : vector<2000x5xf32>
    %concatenate3A = tpu.concatenate %mul3A_13, %mul3A_20, %mul3A_27 in 1 : vector<2000x5xf32>, vector<2000x5xf32>, vector<2000x5xf32> -> vector<2000x15xf32>
    %slice3A_28 = vector.extract_strided_slice %get3A_1 {offsets = [0, 0], sizes = [2000, 15], strides = [1, 1]} : vector<2000x128xf32> to vector<2000x15xf32>
    %slice3A_29 = vector.extract_strided_slice %get3A_4 {offsets = [0, 0], sizes = [2000, 15], strides = [1, 1]} : vector<2000x128xf32> to vector<2000x15xf32>
    %add3A = arith.addf %slice3A_28, %slice3A_29 : vector<2000x15xf32>
    %add3A_30 = arith.addf %add3A, %concatenate3A : vector<2000x15xf32>
    %convert_element_type3A = arith.truncf %add3A_30 : vector<2000x15xf32> to vector<2000x15xbf16>
    %slice3A_31 = vector.extract_strided_slice %convert_element_type3A {offsets = [0, 0], sizes = [2000, 5], strides = [1, 1]} : vector<2000x15xbf16> to vector<2000x5xbf16>
    %integer_pow3A = arith.mulf %slice3A_31, %slice3A_31 : vector<2000x5xbf16>
    %slice3A_32 = vector.extract_strided_slice %convert_element_type3A {offsets = [0, 5], sizes = [2000, 5], strides = [1, 1]} : vector<2000x15xbf16> to vector<2000x5xbf16>
    %integer_pow3A_33 = arith.mulf %slice3A_32, %slice3A_32 : vector<2000x5xbf16>
    %add3A_34 = arith.addf %integer_pow3A, %integer_pow3A_33 : vector<2000x5xbf16>
    %slice3A_35 = vector.extract_strided_slice %convert_element_type3A {offsets = [0, 10], sizes = [2000, 5], strides = [1, 1]} : vector<2000x15xbf16> to vector<2000x5xbf16>
    %integer_pow3A_36 = arith.mulf %slice3A_35, %slice3A_35 : vector<2000x5xbf16>
    %add3A_37 = arith.addf %add3A_34, %integer_pow3A_36 : vector<2000x5xbf16>
    %jit3A = arith.constant 9.99999993E-9 : f32
    %convert_element_type3A_38 = arith.truncf %jit3A : f32 to bf16
    %max3A = vector.broadcast %convert_element_type3A_38 : bf16 to vector<2000x5xbf16>
    %max3A_39 = arith.maximumf %max3A, %add3A_37 : vector<2000x5xbf16>
    %sqrt3A = math.sqrt %max3A_39 : vector<2000x5xbf16>
    %get3A_40 = arith.constant 0 : index
    %get3A_41 = arith.constant 0 : index
    %get3A_42 = vector.load %arg1[%get3A_40, %get3A_41] : memref<2000x128xf32, #tpu.memory_space<vmem>>, vector<2000x128xf32>
    %get3A_43 = arith.constant 0 : index
    %get3A_44 = arith.constant 0 : index
    %get3A_45 = vector.load %arg3[%get3A_43, %get3A_44] : memref<2000x128xf32, #tpu.memory_space<vmem>>, vector<2000x128xf32>
    %add3A_46 = arith.addf %get3A_42, %get3A_45 : vector<2000x128xf32>
    %convert_element_type3A_47 = arith.truncf %slice3A : vector<2000x8xf32> to vector<2000x8xbf16>
    %get3A_48 = arith.constant 0 : index
    %get3A_49 = arith.constant 0 : index
    %get3A_50 = vector.load %arg7[%get3A_48, %get3A_49] : memref<8x128xbf16, #tpu.memory_space<vmem>>, vector<8x128xbf16>
    %dot_general3A = arith.constant dense<0.000000e+00> : vector<2000x128xf32>
    %dot_general3A_51 = tpu.matmul %convert_element_type3A_47, %get3A_50, %dot_general3A {dimension_numbers = #tpu.dot_dimension_numbers<[1], [0], [0], [1], [0, 0, 1, 1], [], []>, transpose_lhs_hint = false} : vector<2000x8xbf16>, vector<8x128xbf16>, vector<2000x128xf32> -> vector<2000x128xf32>
    %add3A_52 = arith.addf %add3A_46, %dot_general3A_51 : vector<2000x128xf32>
    %get3A_53 = arith.constant 0 : index
    %get3A_54 = arith.constant 0 : index
    %get3A_55 = vector.load %arg8[%get3A_53, %get3A_54] : memref<5x128xbf16, #tpu.memory_space<vmem>>, vector<5x128xbf16>
    %dot_general3A_56 = arith.constant dense<0.000000e+00> : vector<2000x128xf32>
    %dot_general3A_57 = tpu.matmul %sqrt3A, %get3A_55, %dot_general3A_56 {dimension_numbers = #tpu.dot_dimension_numbers<[1], [0], [0], [1], [0, 0, 1, 1], [], []>, transpose_lhs_hint = false} : vector<2000x5xbf16>, vector<5x128xbf16>, vector<2000x128xf32> -> vector<2000x128xf32>
    %add3A_58 = arith.addf %add3A_52, %dot_general3A_57 : vector<2000x128xf32>
    %max3A_59 = arith.constant 0.000000e+00 : f32
    %max3A_60 = vector.broadcast %max3A_59 : f32 to vector<2000x128xf32>
    %max3A_61 = arith.maximumf %add3A_58, %max3A_60 : vector<2000x128xf32>
    %get3A_62 = arith.constant 0 : index
    %get3A_63 = arith.constant 0 : index
    %get3A_64 = vector.load %arg9[%get3A_62, %get3A_63] : memref<15x6xbf16, #tpu.memory_space<vmem>>, vector<15x6xbf16>
    %dot_general3A_65 = arith.constant dense<0.000000e+00> : vector<2000x6xf32>
    %dot_general3A_66 = tpu.matmul %convert_element_type3A, %get3A_64, %dot_general3A_65 {dimension_numbers = #tpu.dot_dimension_numbers<[1], [0], [0], [1], [0, 0, 1, 1], [], []>, transpose_lhs_hint = false} : vector<2000x15xbf16>, vector<15x6xbf16>, vector<2000x6xf32> -> vector<2000x6xf32>
    %convert_element_type3A_67 = arith.truncf %dot_general3A_66 : vector<2000x6xf32> to vector<2000x6xbf16>
    %slice3A_68 = vector.extract_strided_slice %convert_element_type3A_67 {offsets = [0, 0], sizes = [2000, 2], strides = [1, 1]} : vector<2000x6xbf16> to vector<2000x2xbf16>
    %integer_pow3A_69 = arith.mulf %slice3A_68, %slice3A_68 : vector<2000x2xbf16>
    %slice3A_70 = vector.extract_strided_slice %convert_element_type3A_67 {offsets = [0, 2], sizes = [2000, 2], strides = [1, 1]} : vector<2000x6xbf16> to vector<2000x2xbf16>
    %integer_pow3A_71 = arith.mulf %slice3A_70, %slice3A_70 : vector<2000x2xbf16>
    %add3A_72 = arith.addf %integer_pow3A_69, %integer_pow3A_71 : vector<2000x2xbf16>
    %slice3A_73 = vector.extract_strided_slice %convert_element_type3A_67 {offsets = [0, 4], sizes = [2000, 2], strides = [1, 1]} : vector<2000x6xbf16> to vector<2000x2xbf16>
    %integer_pow3A_74 = arith.mulf %slice3A_73, %slice3A_73 : vector<2000x2xbf16>
    %add3A_75 = arith.addf %add3A_72, %integer_pow3A_74 : vector<2000x2xbf16>
    %jit3A_76 = arith.constant 9.99999993E-9 : f32
    %convert_element_type3A_77 = arith.truncf %jit3A_76 : f32 to bf16
    %max3A_78 = vector.broadcast %convert_element_type3A_77 : bf16 to vector<2000x2xbf16>
    %max3A_79 = arith.maximumf %max3A_78, %add3A_75 : vector<2000x2xbf16>
    %sqrt3A_80 = math.sqrt %max3A_79 : vector<2000x2xbf16>
    %logistic3A = arith.negf %sqrt3A_80 : vector<2000x2xbf16>
    %logistic3A_81 = math.exp %logistic3A : vector<2000x2xbf16>
    %logistic3A_82 = arith.constant 1.000000e+00 : bf16
    %logistic3A_83 = vector.broadcast %logistic3A_82 : bf16 to vector<2000x2xbf16>
    %logistic3A_84 = arith.addf %logistic3A_83, %logistic3A_81 : vector<2000x2xbf16>
    %logistic3A_85 = arith.divf %logistic3A_83, %logistic3A_84 : vector<2000x2xbf16>
    %concatenate3A_86 = tpu.concatenate %logistic3A_85, %logistic3A_85, %logistic3A_85 in 1 : vector<2000x2xbf16>, vector<2000x2xbf16>, vector<2000x2xbf16> -> vector<2000x6xbf16>
    %mul3A_87 = arith.mulf %convert_element_type3A_67, %concatenate3A_86 : vector<2000x6xbf16>
    %get3A_88 = arith.constant 0 : index
    %get3A_89 = arith.constant 0 : index
    %get3A_90 = vector.load %arg10[%get3A_88, %get3A_89] : memref<6x6xbf16, #tpu.memory_space<vmem>>, vector<6x6xbf16>
    %dot_general3A_91 = arith.constant dense<0.000000e+00> : vector<2000x6xf32>
    %dot_general3A_92 = tpu.matmul %mul3A_87, %get3A_90, %dot_general3A_91 {dimension_numbers = #tpu.dot_dimension_numbers<[1], [0], [0], [1], [0, 0, 1, 1], [], []>, transpose_lhs_hint = false} : vector<2000x6xbf16>, vector<6x6xbf16>, vector<2000x6xf32> -> vector<2000x6xf32>
    %convert_element_type3A_93 = arith.truncf %dot_general3A_92 : vector<2000x6xf32> to vector<2000x6xbf16>
    %slice3A_94 = vector.extract_strided_slice %convert_element_type3A_93 {offsets = [0, 0], sizes = [2000, 2], strides = [1, 1]} : vector<2000x6xbf16> to vector<2000x2xbf16>
    %integer_pow3A_95 = arith.mulf %slice3A_94, %slice3A_94 : vector<2000x2xbf16>
    %slice3A_96 = vector.extract_strided_slice %convert_element_type3A_93 {offsets = [0, 2], sizes = [2000, 2], strides = [1, 1]} : vector<2000x6xbf16> to vector<2000x2xbf16>
    %integer_pow3A_97 = arith.mulf %slice3A_96, %slice3A_96 : vector<2000x2xbf16>
    %add3A_98 = arith.addf %integer_pow3A_95, %integer_pow3A_97 : vector<2000x2xbf16>
    %slice3A_99 = vector.extract_strided_slice %convert_element_type3A_93 {offsets = [0, 4], sizes = [2000, 2], strides = [1, 1]} : vector<2000x6xbf16> to vector<2000x2xbf16>
    %integer_pow3A_100 = arith.mulf %slice3A_99, %slice3A_99 : vector<2000x2xbf16>
    %add3A_101 = arith.addf %add3A_98, %integer_pow3A_100 : vector<2000x2xbf16>
    %jit3A_102 = arith.constant 9.99999993E-9 : f32
    %convert_element_type3A_103 = arith.truncf %jit3A_102 : f32 to bf16
    %max3A_104 = vector.broadcast %convert_element_type3A_103 : bf16 to vector<2000x2xbf16>
    %max3A_105 = arith.maximumf %max3A_104, %add3A_101 : vector<2000x2xbf16>
    %sqrt3A_106 = math.sqrt %max3A_105 : vector<2000x2xbf16>
    %convert_element_type3A_107 = arith.truncf %max3A_61 : vector<2000x128xf32> to vector<2000x128xbf16>
    %get3A_108 = arith.constant 0 : index
    %get3A_109 = arith.constant 0 : index
    %get3A_110 = vector.load %arg11[%get3A_108, %get3A_109] : memref<128x128xbf16, #tpu.memory_space<vmem>>, vector<128x128xbf16>
    %dot_general3A_111 = arith.constant dense<0.000000e+00> : vector<2000x128xf32>
    %dot_general3A_112 = tpu.matmul %convert_element_type3A_107, %get3A_110, %dot_general3A_111 {dimension_numbers = #tpu.dot_dimension_numbers<[1], [0], [0], [1], [0, 0, 1, 1], [], []>, transpose_lhs_hint = false} : vector<2000x128xbf16>, vector<128x128xbf16>, vector<2000x128xf32> -> vector<2000x128xf32>
    %get3A_113 = arith.constant 0 : index
    %get3A_114 = arith.constant 0 : index
    %get3A_115 = vector.load %arg12[%get3A_113, %get3A_114] : memref<2x128xbf16, #tpu.memory_space<vmem>>, vector<2x128xbf16>
    %dot_general3A_116 = arith.constant dense<0.000000e+00> : vector<2000x128xf32>
    %dot_general3A_117 = tpu.matmul %sqrt3A_106, %get3A_115, %dot_general3A_116 {dimension_numbers = #tpu.dot_dimension_numbers<[1], [0], [0], [1], [0, 0, 1, 1], [], []>, transpose_lhs_hint = false} : vector<2000x2xbf16>, vector<2x128xbf16>, vector<2000x128xf32> -> vector<2000x128xf32>
    %add3A_118 = arith.addf %dot_general3A_112, %dot_general3A_117 : vector<2000x128xf32>
    %get3A_119 = arith.constant 0 : index
    %get3A_120 = arith.constant 0 : index
    %get3A_121 = vector.load %arg13[%get3A_119, %get3A_120] : memref<1x128xf32, #tpu.memory_space<vmem>>, vector<1x128xf32>
    %add3A_122 = vector.broadcast %get3A_121 : vector<1x128xf32> to vector<2000x128xf32>
    %add3A_123 = arith.addf %add3A_118, %add3A_122 : vector<2000x128xf32>
    %max3A_124 = arith.constant 0.000000e+00 : f32
    %max3A_125 = vector.broadcast %max3A_124 : f32 to vector<2000x128xf32>
    %max3A_126 = arith.maximumf %add3A_123, %max3A_125 : vector<2000x128xf32>
    %get3A_127 = arith.constant 0 : index
    %get3A_128 = arith.constant 0 : index
    %get3A_129 = vector.load %arg14[%get3A_127, %get3A_128] : memref<6x6xbf16, #tpu.memory_space<vmem>>, vector<6x6xbf16>
    %dot_general3A_130 = arith.constant dense<0.000000e+00> : vector<2000x6xf32>
    %dot_general3A_131 = tpu.matmul %convert_element_type3A_93, %get3A_129, %dot_general3A_130 {dimension_numbers = #tpu.dot_dimension_numbers<[1], [0], [0], [1], [0, 0, 1, 1], [], []>, transpose_lhs_hint = false} : vector<2000x6xbf16>, vector<6x6xbf16>, vector<2000x6xf32> -> vector<2000x6xf32>
    %convert_element_type3A_132 = arith.truncf %dot_general3A_131 : vector<2000x6xf32> to vector<2000x6xbf16>
    %slice3A_133 = vector.extract_strided_slice %convert_element_type3A_132 {offsets = [0, 0], sizes = [2000, 2], strides = [1, 1]} : vector<2000x6xbf16> to vector<2000x2xbf16>
    %integer_pow3A_134 = arith.mulf %slice3A_133, %slice3A_133 : vector<2000x2xbf16>
    %slice3A_135 = vector.extract_strided_slice %convert_element_type3A_132 {offsets = [0, 2], sizes = [2000, 2], strides = [1, 1]} : vector<2000x6xbf16> to vector<2000x2xbf16>
    %integer_pow3A_136 = arith.mulf %slice3A_135, %slice3A_135 : vector<2000x2xbf16>
    %add3A_137 = arith.addf %integer_pow3A_134, %integer_pow3A_136 : vector<2000x2xbf16>
    %slice3A_138 = vector.extract_strided_slice %convert_element_type3A_132 {offsets = [0, 4], sizes = [2000, 2], strides = [1, 1]} : vector<2000x6xbf16> to vector<2000x2xbf16>
    %integer_pow3A_139 = arith.mulf %slice3A_138, %slice3A_138 : vector<2000x2xbf16>
    %add3A_140 = arith.addf %add3A_137, %integer_pow3A_139 : vector<2000x2xbf16>
    %jit3A_141 = arith.constant 9.99999993E-9 : f32
    %convert_element_type3A_142 = arith.truncf %jit3A_141 : f32 to bf16
    %max3A_143 = vector.broadcast %convert_element_type3A_142 : bf16 to vector<2000x2xbf16>
    %max3A_144 = arith.maximumf %max3A_143, %add3A_140 : vector<2000x2xbf16>
    %sqrt3A_145 = math.sqrt %max3A_144 : vector<2000x2xbf16>
    %logistic3A_146 = arith.negf %sqrt3A_145 : vector<2000x2xbf16>
    %logistic3A_147 = math.exp %logistic3A_146 : vector<2000x2xbf16>
    %logistic3A_148 = arith.constant 1.000000e+00 : bf16
    %logistic3A_149 = vector.broadcast %logistic3A_148 : bf16 to vector<2000x2xbf16>
    %logistic3A_150 = arith.addf %logistic3A_149, %logistic3A_147 : vector<2000x2xbf16>
    %logistic3A_151 = arith.divf %logistic3A_149, %logistic3A_150 : vector<2000x2xbf16>
    %concatenate3A_152 = tpu.concatenate %logistic3A_151, %logistic3A_151, %logistic3A_151 in 1 : vector<2000x2xbf16>, vector<2000x2xbf16>, vector<2000x2xbf16> -> vector<2000x6xbf16>
    %mul3A_153 = arith.mulf %convert_element_type3A_132, %concatenate3A_152 : vector<2000x6xbf16>
    %get3A_154 = arith.constant 0 : index
    %get3A_155 = arith.constant 0 : index
    %get3A_156 = vector.load %arg15[%get3A_154, %get3A_155] : memref<6x6xbf16, #tpu.memory_space<vmem>>, vector<6x6xbf16>
    %dot_general3A_157 = arith.constant dense<0.000000e+00> : vector<2000x6xf32>
    %dot_general3A_158 = tpu.matmul %mul3A_153, %get3A_156, %dot_general3A_157 {dimension_numbers = #tpu.dot_dimension_numbers<[1], [0], [0], [1], [0, 0, 1, 1], [], []>, transpose_lhs_hint = false} : vector<2000x6xbf16>, vector<6x6xbf16>, vector<2000x6xf32> -> vector<2000x6xf32>
    %convert_element_type3A_159 = arith.truncf %dot_general3A_158 : vector<2000x6xf32> to vector<2000x6xbf16>
    %slice3A_160 = vector.extract_strided_slice %convert_element_type3A_159 {offsets = [0, 0], sizes = [2000, 2], strides = [1, 1]} : vector<2000x6xbf16> to vector<2000x2xbf16>
    %integer_pow3A_161 = arith.mulf %slice3A_160, %slice3A_160 : vector<2000x2xbf16>
    %slice3A_162 = vector.extract_strided_slice %convert_element_type3A_159 {offsets = [0, 2], sizes = [2000, 2], strides = [1, 1]} : vector<2000x6xbf16> to vector<2000x2xbf16>
    %integer_pow3A_163 = arith.mulf %slice3A_162, %slice3A_162 : vector<2000x2xbf16>
    %add3A_164 = arith.addf %integer_pow3A_161, %integer_pow3A_163 : vector<2000x2xbf16>
    %slice3A_165 = vector.extract_strided_slice %convert_element_type3A_159 {offsets = [0, 4], sizes = [2000, 2], strides = [1, 1]} : vector<2000x6xbf16> to vector<2000x2xbf16>
    %integer_pow3A_166 = arith.mulf %slice3A_165, %slice3A_165 : vector<2000x2xbf16>
    %add3A_167 = arith.addf %add3A_164, %integer_pow3A_166 : vector<2000x2xbf16>
    %jit3A_168 = arith.constant 9.99999993E-9 : f32
    %convert_element_type3A_169 = arith.truncf %jit3A_168 : f32 to bf16
    %max3A_170 = vector.broadcast %convert_element_type3A_169 : bf16 to vector<2000x2xbf16>
    %max3A_171 = arith.maximumf %max3A_170, %add3A_167 : vector<2000x2xbf16>
    %sqrt3A_172 = math.sqrt %max3A_171 : vector<2000x2xbf16>
    %convert_element_type3A_173 = arith.truncf %max3A_126 : vector<2000x128xf32> to vector<2000x128xbf16>
    %get3A_174 = arith.constant 0 : index
    %get3A_175 = arith.constant 0 : index
    %get3A_176 = vector.load %arg16[%get3A_174, %get3A_175] : memref<128x128xbf16, #tpu.memory_space<vmem>>, vector<128x128xbf16>
    %dot_general3A_177 = arith.constant dense<0.000000e+00> : vector<2000x128xf32>
    %dot_general3A_178 = tpu.matmul %convert_element_type3A_173, %get3A_176, %dot_general3A_177 {dimension_numbers = #tpu.dot_dimension_numbers<[1], [0], [0], [1], [0, 0, 1, 1], [], []>, transpose_lhs_hint = false} : vector<2000x128xbf16>, vector<128x128xbf16>, vector<2000x128xf32> -> vector<2000x128xf32>
    %get3A_179 = arith.constant 0 : index
    %get3A_180 = arith.constant 0 : index
    %get3A_181 = vector.load %arg17[%get3A_179, %get3A_180] : memref<2x128xbf16, #tpu.memory_space<vmem>>, vector<2x128xbf16>
    %dot_general3A_182 = arith.constant dense<0.000000e+00> : vector<2000x128xf32>
    %dot_general3A_183 = tpu.matmul %sqrt3A_172, %get3A_181, %dot_general3A_182 {dimension_numbers = #tpu.dot_dimension_numbers<[1], [0], [0], [1], [0, 0, 1, 1], [], []>, transpose_lhs_hint = false} : vector<2000x2xbf16>, vector<2x128xbf16>, vector<2000x128xf32> -> vector<2000x128xf32>
    %add3A_184 = arith.addf %dot_general3A_178, %dot_general3A_183 : vector<2000x128xf32>
    %get3A_185 = arith.constant 0 : index
    %get3A_186 = arith.constant 0 : index
    %get3A_187 = vector.load %arg18[%get3A_185, %get3A_186] : memref<1x128xf32, #tpu.memory_space<vmem>>, vector<1x128xf32>
    %add3A_188 = vector.broadcast %get3A_187 : vector<1x128xf32> to vector<2000x128xf32>
    %add3A_189 = arith.addf %add3A_184, %add3A_188 : vector<2000x128xf32>
    %swap3A = arith.constant 0 : index
    %swap3A_190 = arith.constant 0 : index
    %swap3A_191 = vector.load %arg20[%swap3A, %swap3A_190] : memref<2000x128xf32, #tpu.memory_space<vmem>>, vector<2000x128xf32>
    tpu.vector_store %arg20[%swap3A, %swap3A_190], %add3A_189 {strides = array<i32>} : memref<2000x128xf32, #tpu.memory_space<vmem>>, vector<2000x128xf32>,
    %get3A_192 = arith.constant 0 : index
    %get3A_193 = arith.constant 0 : index
    %get3A_194 = vector.load %arg19[%get3A_192, %get3A_193] : memref<6x6xbf16, #tpu.memory_space<vmem>>, vector<6x6xbf16>
    %dot_general3A_195 = arith.constant dense<0.000000e+00> : vector<2000x6xf32>
    %dot_general3A_196 = tpu.matmul %convert_element_type3A_159, %get3A_194, %dot_general3A_195 {dimension_numbers = #tpu.dot_dimension_numbers<[1], [0], [0], [1], [0, 0, 1, 1], [], []>, transpose_lhs_hint = false} : vector<2000x6xbf16>, vector<6x6xbf16>, vector<2000x6xf32> -> vector<2000x6xf32>
    %broadcast_in_dim3A = arith.constant 1.000000e+00 : f32
    %broadcast_in_dim3A_197 = vector.broadcast %broadcast_in_dim3A : f32 to vector<2000x1xf32>
    %broadcast_in_dim3A_198 = arith.constant 0.000000e+00 : f32
    %broadcast_in_dim3A_199 = vector.broadcast %broadcast_in_dim3A_198 : f32 to vector<2000x121xf32>
    %concatenate3A_200 = tpu.concatenate %dot_general3A_196, %broadcast_in_dim3A_197, %broadcast_in_dim3A_199 in 1 : vector<2000x6xf32>, vector<2000x1xf32>, vector<2000x121xf32> -> vector<2000x128xf32>
    %swap3A_201 = arith.constant 0 : index
    %swap3A_202 = arith.constant 0 : index
    %swap3A_203 = vector.load %arg21[%swap3A_201, %swap3A_202] : memref<2000x128xf32, #tpu.memory_space<vmem>>, vector<2000x128xf32>
    tpu.vector_store %arg21[%swap3A_201, %swap3A_202], %concatenate3A_200 {strides = array<i32>} : memref<2000x128xf32, #tpu.memory_space<vmem>>, vector<2000x128xf32>,
    return
  }
  func.func @transform_0(%arg0: i32) -> (i32, i32) {
    %c0_i32 = arith.constant 0 : i32
    %c0_i32_0 = arith.constant 0 : i32
    return %arg0, %c0_i32 : i32, i32
  }
  func.func @transform_1(%arg0: i32) -> (i32, i32) {
    %c1_i32 = arith.constant 1 : i32
    %c0_i32 = arith.constant 0 : i32
    return %arg0, %c1_i32 : i32, i32
  }
  func.func @transform_2(%arg0: i32) -> (i32, i32) {
    %c0_i32 = arith.constant 0 : i32
    %c0_i32_0 = arith.constant 0 : i32
    return %arg0, %c0_i32 : i32, i32
  }
  func.func @transform_3(%arg0: i32) -> (i32, i32) {
    %c1_i32 = arith.constant 1 : i32
    %c0_i32 = arith.constant 0 : i32
    return %arg0, %c1_i32 : i32, i32
  }
  func.func @transform_4(%arg0: i32) -> (i32, i32) {
    %c0_i32 = arith.constant 0 : i32
    %c0_i32_0 = arith.constant 0 : i32
    return %arg0, %c0_i32 : i32, i32
  }
  func.func @transform_5(%arg0: i32) -> (i32, i32) {
    %c0_i32 = arith.constant 0 : i32
    %c0_i32_0 = arith.constant 0 : i32
    %c0_i32_1 = arith.constant 0 : i32
    return %c0_i32, %c0_i32_0 : i32, i32
  }
  func.func @transform_6(%arg0: i32) -> (i32, i32) {
    %c0_i32 = arith.constant 0 : i32
    %c0_i32_0 = arith.constant 0 : i32
    %c0_i32_1 = arith.constant 0 : i32
    return %c0_i32, %c0_i32_0 : i32, i32
  }
  func.func @transform_7(%arg0: i32) -> (i32, i32) {
    %c0_i32 = arith.constant 0 : i32
    %c0_i32_0 = arith.constant 0 : i32
    %c0_i32_1 = arith.constant 0 : i32
    return %c0_i32, %c0_i32_0 : i32, i32
  }
  func.func @transform_8(%arg0: i32) -> (i32, i32) {
    %c0_i32 = arith.constant 0 : i32
    %c0_i32_0 = arith.constant 0 : i32
    %c0_i32_1 = arith.constant 0 : i32
    return %c0_i32, %c0_i32_0 : i32, i32
  }
  func.func @transform_9(%arg0: i32) -> (i32, i32) {
    %c0_i32 = arith.constant 0 : i32
    %c0_i32_0 = arith.constant 0 : i32
    %c0_i32_1 = arith.constant 0 : i32
    return %c0_i32, %c0_i32_0 : i32, i32
  }
  func.func @transform_10(%arg0: i32) -> (i32, i32) {
    %c0_i32 = arith.constant 0 : i32
    %c0_i32_0 = arith.constant 0 : i32
    %c0_i32_1 = arith.constant 0 : i32
    return %c0_i32, %c0_i32_0 : i32, i32
  }
  func.func @transform_11(%arg0: i32) -> (i32, i32) {
    %c0_i32 = arith.constant 0 : i32
    %c0_i32_0 = arith.constant 0 : i32
    %c0_i32_1 = arith.constant 0 : i32
    return %c0_i32, %c0_i32_0 : i32, i32
  }
  func.func @transform_12(%arg0: i32) -> (i32, i32) {
    %c0_i32 = arith.constant 0 : i32
    %c0_i32_0 = arith.constant 0 : i32
    %c0_i32_1 = arith.constant 0 : i32
    return %c0_i32, %c0_i32_0 : i32, i32
  }
  func.func @transform_13(%arg0: i32) -> (i32, i32) {
    %c0_i32 = arith.constant 0 : i32
    %c0_i32_0 = arith.constant 0 : i32
    %c0_i32_1 = arith.constant 0 : i32
    return %c0_i32, %c0_i32_0 : i32, i32
  }
  func.func @transform_14(%arg0: i32) -> (i32, i32) {
    %c0_i32 = arith.constant 0 : i32
    %c0_i32_0 = arith.constant 0 : i32
    %c0_i32_1 = arith.constant 0 : i32
    return %c0_i32, %c0_i32_0 : i32, i32
  }
  func.func @transform_15(%arg0: i32) -> (i32, i32) {
    %c0_i32 = arith.constant 0 : i32
    %c0_i32_0 = arith.constant 0 : i32
    %c0_i32_1 = arith.constant 0 : i32
    return %c0_i32, %c0_i32_0 : i32, i32
  }
  func.func @transform_16(%arg0: i32) -> (i32, i32) {
    %c0_i32 = arith.constant 0 : i32
    %c0_i32_0 = arith.constant 0 : i32
    %c0_i32_1 = arith.constant 0 : i32
    return %c0_i32, %c0_i32_0 : i32, i32
  }
  func.func @transform_17(%arg0: i32) -> (i32, i32) {
    %c0_i32 = arith.constant 0 : i32
    %c0_i32_0 = arith.constant 0 : i32
    %c0_i32_1 = arith.constant 0 : i32
    return %c0_i32, %c0_i32_0 : i32, i32
  }
  func.func @transform_18(%arg0: i32) -> (i32, i32) {
    %c0_i32 = arith.constant 0 : i32
    %c0_i32_0 = arith.constant 0 : i32
    %c0_i32_1 = arith.constant 0 : i32
    return %c0_i32, %c0_i32_0 : i32, i32
  }
  func.func @transform_19(%arg0: i32) -> (i32, i32) {
    %c0_i32 = arith.constant 0 : i32
    %c0_i32_0 = arith.constant 0 : i32
    return %arg0, %c0_i32 : i32, i32
  }
  func.func @transform_20(%arg0: i32) -> (i32, i32) {
    %c0_i32 = arith.constant 0 : i32
    %c0_i32_0 = arith.constant 0 : i32
    return %arg0, %c0_i32 : i32, i32
  }
}

module attributes {stable_mosaic.version = 14 : i64} {
  func.func @_node_post_body(%arg0: i32, %arg1: memref<2x1000x128xf32, #tpu.memory_space<vmem>>, %arg2: memref<2x1000x128xf32, #tpu.memory_space<vmem>>, %arg3: memref<1000x128xf32, #tpu.memory_space<vmem>>, %arg4: memref<1000x6xf32, #tpu.memory_space<vmem>>, %arg5: memref<1x128xf32, #tpu.memory_space<vmem>>, %arg6: memref<1x128xf32, #tpu.memory_space<vmem>>, %arg7: memref<2x4xf32, #tpu.memory_space<vmem>>, %arg8: memref<132x512xf32, #tpu.memory_space<vmem>>, %arg9: memref<1x512xf32, #tpu.memory_space<vmem>>, %arg10: memref<4x4xf32, #tpu.memory_space<vmem>>, %arg11: memref<4x4xf32, #tpu.memory_space<vmem>>, %arg12: memref<516x128xf32, #tpu.memory_space<vmem>>, %arg13: memref<1x128xf32, #tpu.memory_space<vmem>>, %arg14: memref<1x128xf32, #tpu.memory_space<vmem>>, %arg15: memref<1x128xf32, #tpu.memory_space<vmem>>, %arg16: memref<1x128xf32, #tpu.memory_space<vmem>>, %arg17: memref<1x1xf32, #tpu.memory_space<vmem>>, %arg18: memref<1000x1xf32, #tpu.memory_space<vmem>>) attributes {dimension_semantics = [#tpu.dimension_semantics<arbitrary>], iteration_bounds = array<i64: 10>, scalar_prefetch = 0 : i64, scratch_operands = 0 : i64, tpu.core_type = #tpu.core_type<tc>, window_params = [{transform_indices = @transform_0, window_bounds = array<i64: 2, 1000, 128>}, {transform_indices = @transform_1, window_bounds = array<i64: 2, 1000, 128>}, {transform_indices = @transform_2, window_bounds = array<i64: 1000, 128>}, {transform_indices = @transform_3, window_bounds = array<i64: 1000, 6>}, {pipeline_mode = #tpu.pipeline_mode<synchronous>, transform_indices = @transform_4, window_bounds = array<i64: 1, 128>}, {pipeline_mode = #tpu.pipeline_mode<synchronous>, transform_indices = @transform_5, window_bounds = array<i64: 1, 128>}, {pipeline_mode = #tpu.pipeline_mode<synchronous>, transform_indices = @transform_6, window_bounds = array<i64: 2, 4>}, {pipeline_mode = #tpu.pipeline_mode<synchronous>, transform_indices = @transform_7, window_bounds = array<i64: 132, 512>}, {pipeline_mode = #tpu.pipeline_mode<synchronous>, transform_indices = @transform_8, window_bounds = array<i64: 1, 512>}, {pipeline_mode = #tpu.pipeline_mode<synchronous>, transform_indices = @transform_9, window_bounds = array<i64: 4, 4>}, {pipeline_mode = #tpu.pipeline_mode<synchronous>, transform_indices = @transform_10, window_bounds = array<i64: 4, 4>}, {pipeline_mode = #tpu.pipeline_mode<synchronous>, transform_indices = @transform_11, window_bounds = array<i64: 516, 128>}, {pipeline_mode = #tpu.pipeline_mode<synchronous>, transform_indices = @transform_12, window_bounds = array<i64: 1, 128>}, {pipeline_mode = #tpu.pipeline_mode<synchronous>, transform_indices = @transform_13, window_bounds = array<i64: 1, 128>}, {pipeline_mode = #tpu.pipeline_mode<synchronous>, transform_indices = @transform_14, window_bounds = array<i64: 1, 128>}, {pipeline_mode = #tpu.pipeline_mode<synchronous>, transform_indices = @transform_15, window_bounds = array<i64: 1, 128>}, {pipeline_mode = #tpu.pipeline_mode<synchronous>, transform_indices = @transform_16, window_bounds = array<i64: 1, 1>}, {transform_indices = @transform_17, window_bounds = array<i64: 1000, 1>}]} {
    %get3A = arith.constant 0 : index
    %get3A_0 = arith.constant 0 : index
    %get3A_1 = arith.constant 0 : index
    %get3A_2 = vector.load %arg1[%get3A, %get3A_0, %get3A_1] : memref<2x1000x128xf32, #tpu.memory_space<vmem>>, vector<1x1000x128xf32>
    %get3A_3 = vector.shape_cast %get3A_2 : vector<1x1000x128xf32> to vector<1000x128xf32>
    %get3A_4 = arith.constant 1 : index
    %get3A_5 = arith.constant 0 : index
    %get3A_6 = arith.constant 0 : index
    %get3A_7 = vector.load %arg1[%get3A_4, %get3A_5, %get3A_6] : memref<2x1000x128xf32, #tpu.memory_space<vmem>>, vector<1x1000x128xf32>
    %get3A_8 = vector.shape_cast %get3A_7 : vector<1x1000x128xf32> to vector<1000x128xf32>
    %add3A = arith.addf %get3A_3, %get3A_8 : vector<1000x128xf32>
    %get3A_9 = arith.constant 0 : index
    %get3A_10 = arith.constant 0 : index
    %get3A_11 = arith.constant 0 : index
    %get3A_12 = vector.load %arg2[%get3A_9, %get3A_10, %get3A_11] : memref<2x1000x128xf32, #tpu.memory_space<vmem>>, vector<1x1000x128xf32>
    %get3A_13 = vector.shape_cast %get3A_12 : vector<1x1000x128xf32> to vector<1000x128xf32>
    %get3A_14 = arith.constant 1 : index
    %get3A_15 = arith.constant 0 : index
    %get3A_16 = arith.constant 0 : index
    %get3A_17 = vector.load %arg2[%get3A_14, %get3A_15, %get3A_16] : memref<2x1000x128xf32, #tpu.memory_space<vmem>>, vector<1x1000x128xf32>
    %get3A_18 = vector.shape_cast %get3A_17 : vector<1x1000x128xf32> to vector<1000x128xf32>
    %add3A_19 = arith.addf %get3A_13, %get3A_18 : vector<1000x128xf32>
    %slice3A = vector.extract_strided_slice %add3A_19 {offsets = [0, 6], sizes = [1000, 1], strides = [1, 1]} : vector<1000x128xf32> to vector<1000x1xf32>
    %max3A = arith.constant 1.000000e+00 : f32
    %max3A_20 = vector.broadcast %max3A : f32 to vector<1000x1xf32>
    %max3A_21 = arith.maximumf %slice3A, %max3A_20 : vector<1000x1xf32>
    %get3A_22 = arith.constant 0 : index
    %get3A_23 = arith.constant 0 : index
    %get3A_24 = vector.load %arg3[%get3A_22, %get3A_23] : memref<1000x128xf32, #tpu.memory_space<vmem>>, vector<1000x128xf32>
    %div3A = vector.broadcast %max3A_21 : vector<1000x1xf32> to vector<1000x128xf32>
    %div3A_25 = arith.divf %add3A, %div3A : vector<1000x128xf32>
    %add3A_26 = arith.addf %get3A_24, %div3A_25 : vector<1000x128xf32>
    %get3A_27 = arith.constant 0 : index
    %get3A_28 = arith.constant 0 : index
    %get3A_29 = vector.load %arg5[%get3A_27, %get3A_28] : memref<1x128xf32, #tpu.memory_space<vmem>>, vector<1x128xf32>
    %get3A_30 = arith.constant 0 : index
    %get3A_31 = arith.constant 0 : index
    %get3A_32 = vector.load %arg6[%get3A_30, %get3A_31] : memref<1x128xf32, #tpu.memory_space<vmem>>, vector<1x128xf32>
    %reduce_sum3A = arith.constant dense<0.000000e+00> : vector<1000xf32>
    %reduce_sum3A_33 = vector.multi_reduction <add>, %add3A_26, %reduce_sum3A [1] : vector<1000x128xf32> to vector<1000xf32>
    %broadcast_in_dim3A = vector.shape_cast %reduce_sum3A_33 : vector<1000xf32> to vector<1000x1xf32>
    %div3A_34 = arith.constant 1.280000e+02 : f32
    %div3A_35 = vector.broadcast %div3A_34 : f32 to vector<1000x1xf32>
    %div3A_36 = arith.divf %broadcast_in_dim3A, %div3A_35 : vector<1000x1xf32>
    %sub3A = vector.broadcast %div3A_36 : vector<1000x1xf32> to vector<1000x128xf32>
    %sub3A_37 = arith.subf %add3A_26, %sub3A : vector<1000x128xf32>
    %mul3A = arith.mulf %sub3A_37, %sub3A_37 : vector<1000x128xf32>
    %reduce_sum3A_38 = arith.constant dense<0.000000e+00> : vector<1000xf32>
    %reduce_sum3A_39 = vector.multi_reduction <add>, %mul3A, %reduce_sum3A_38 [1] : vector<1000x128xf32> to vector<1000xf32>
    %broadcast_in_dim3A_40 = vector.shape_cast %reduce_sum3A_39 : vector<1000xf32> to vector<1000x1xf32>
    %div3A_41 = arith.constant 1.280000e+02 : f32
    %div3A_42 = vector.broadcast %div3A_41 : f32 to vector<1000x1xf32>
    %div3A_43 = arith.divf %broadcast_in_dim3A_40, %div3A_42 : vector<1000x1xf32>
    %add3A_44 = arith.constant 9.99999974E-6 : f32
    %add3A_45 = vector.broadcast %add3A_44 : f32 to vector<1000x1xf32>
    %add3A_46 = arith.addf %div3A_43, %add3A_45 : vector<1000x1xf32>
    %rsqrt3A = math.rsqrt %add3A_46 : vector<1000x1xf32>
    %mul3A_47 = vector.broadcast %rsqrt3A : vector<1000x1xf32> to vector<1000x128xf32>
    %mul3A_48 = arith.mulf %sub3A_37, %mul3A_47 : vector<1000x128xf32>
    %mul3A_49 = vector.broadcast %get3A_29 : vector<1x128xf32> to vector<1000x128xf32>
    %mul3A_50 = arith.mulf %mul3A_48, %mul3A_49 : vector<1000x128xf32>
    %add3A_51 = vector.broadcast %get3A_32 : vector<1x128xf32> to vector<1000x128xf32>
    %add3A_52 = arith.addf %mul3A_50, %add3A_51 : vector<1000x128xf32>
    %get3A_53 = arith.constant 0 : index
    %get3A_54 = arith.constant 0 : index
    %get3A_55 = vector.load %arg4[%get3A_53, %get3A_54] : memref<1000x6xf32, #tpu.memory_space<vmem>>, vector<1000x6xf32>
    %slice3A_56 = vector.extract_strided_slice %add3A_19 {offsets = [0, 0], sizes = [1000, 1], strides = [1, 1]} : vector<1000x128xf32> to vector<1000x1xf32>
    %slice3A_57 = vector.extract_strided_slice %add3A_19 {offsets = [0, 3], sizes = [1000, 1], strides = [1, 1]} : vector<1000x128xf32> to vector<1000x1xf32>
    %concatenate3A = tpu.concatenate %slice3A_56, %slice3A_57 in 1 : vector<1000x1xf32>, vector<1000x1xf32> -> vector<1000x2xf32>
    %div3A_58 = vector.broadcast %max3A_21 : vector<1000x1xf32> to vector<1000x2xf32>
    %div3A_59 = arith.divf %concatenate3A, %div3A_58 : vector<1000x2xf32>
    %slice3A_60 = vector.extract_strided_slice %get3A_55 {offsets = [0, 0], sizes = [1000, 1], strides = [1, 1]} : vector<1000x6xf32> to vector<1000x1xf32>
    %slice3A_61 = vector.extract_strided_slice %get3A_55 {offsets = [0, 3], sizes = [1000, 1], strides = [1, 1]} : vector<1000x6xf32> to vector<1000x1xf32>
    %concatenate3A_62 = tpu.concatenate %slice3A_60, %slice3A_61 in 1 : vector<1000x1xf32>, vector<1000x1xf32> -> vector<1000x2xf32>
    %add3A_63 = arith.addf %concatenate3A_62, %div3A_59 : vector<1000x2xf32>
    %slice3A_64 = vector.extract_strided_slice %add3A_19 {offsets = [0, 1], sizes = [1000, 1], strides = [1, 1]} : vector<1000x128xf32> to vector<1000x1xf32>
    %slice3A_65 = vector.extract_strided_slice %add3A_19 {offsets = [0, 4], sizes = [1000, 1], strides = [1, 1]} : vector<1000x128xf32> to vector<1000x1xf32>
    %concatenate3A_66 = tpu.concatenate %slice3A_64, %slice3A_65 in 1 : vector<1000x1xf32>, vector<1000x1xf32> -> vector<1000x2xf32>
    %div3A_67 = vector.broadcast %max3A_21 : vector<1000x1xf32> to vector<1000x2xf32>
    %div3A_68 = arith.divf %concatenate3A_66, %div3A_67 : vector<1000x2xf32>
    %slice3A_69 = vector.extract_strided_slice %get3A_55 {offsets = [0, 1], sizes = [1000, 1], strides = [1, 1]} : vector<1000x6xf32> to vector<1000x1xf32>
    %slice3A_70 = vector.extract_strided_slice %get3A_55 {offsets = [0, 4], sizes = [1000, 1], strides = [1, 1]} : vector<1000x6xf32> to vector<1000x1xf32>
    %concatenate3A_71 = tpu.concatenate %slice3A_69, %slice3A_70 in 1 : vector<1000x1xf32>, vector<1000x1xf32> -> vector<1000x2xf32>
    %add3A_72 = arith.addf %concatenate3A_71, %div3A_68 : vector<1000x2xf32>
    %slice3A_73 = vector.extract_strided_slice %add3A_19 {offsets = [0, 2], sizes = [1000, 1], strides = [1, 1]} : vector<1000x128xf32> to vector<1000x1xf32>
    %slice3A_74 = vector.extract_strided_slice %add3A_19 {offsets = [0, 5], sizes = [1000, 1], strides = [1, 1]} : vector<1000x128xf32> to vector<1000x1xf32>
    %concatenate3A_75 = tpu.concatenate %slice3A_73, %slice3A_74 in 1 : vector<1000x1xf32>, vector<1000x1xf32> -> vector<1000x2xf32>
    %div3A_76 = vector.broadcast %max3A_21 : vector<1000x1xf32> to vector<1000x2xf32>
    %div3A_77 = arith.divf %concatenate3A_75, %div3A_76 : vector<1000x2xf32>
    %slice3A_78 = vector.extract_strided_slice %get3A_55 {offsets = [0, 2], sizes = [1000, 1], strides = [1, 1]} : vector<1000x6xf32> to vector<1000x1xf32>
    %slice3A_79 = vector.extract_strided_slice %get3A_55 {offsets = [0, 5], sizes = [1000, 1], strides = [1, 1]} : vector<1000x6xf32> to vector<1000x1xf32>
    %concatenate3A_80 = tpu.concatenate %slice3A_78, %slice3A_79 in 1 : vector<1000x1xf32>, vector<1000x1xf32> -> vector<1000x2xf32>
    %add3A_81 = arith.addf %concatenate3A_80, %div3A_77 : vector<1000x2xf32>
    %integer_pow3A = arith.mulf %add3A_63, %add3A_63 : vector<1000x2xf32>
    %integer_pow3A_82 = arith.mulf %add3A_72, %add3A_72 : vector<1000x2xf32>
    %add3A_83 = arith.addf %integer_pow3A, %integer_pow3A_82 : vector<1000x2xf32>
    %integer_pow3A_84 = arith.mulf %add3A_81, %add3A_81 : vector<1000x2xf32>
    %add3A_85 = arith.addf %add3A_83, %integer_pow3A_84 : vector<1000x2xf32>
    %jit3A = arith.constant 9.99999993E-9 : f32
    %max3A_86 = vector.broadcast %jit3A : f32 to vector<1000x2xf32>
    %max3A_87 = arith.maximumf %max3A_86, %add3A_85 : vector<1000x2xf32>
    %reduce_sum3A_88 = arith.constant dense<0.000000e+00> : vector<1000xf32>
    %reduce_sum3A_89 = vector.multi_reduction <add>, %max3A_87, %reduce_sum3A_88 [1] : vector<1000x2xf32> to vector<1000xf32>
    %broadcast_in_dim3A_90 = vector.shape_cast %reduce_sum3A_89 : vector<1000xf32> to vector<1000x1xf32>
    %div3A_91 = arith.constant 2.000000e+00 : f32
    %div3A_92 = vector.broadcast %div3A_91 : f32 to vector<1000x1xf32>
    %div3A_93 = arith.divf %broadcast_in_dim3A_90, %div3A_92 : vector<1000x1xf32>
    %sqrt3A = math.sqrt %div3A_93 : vector<1000x1xf32>
    %div3A_94 = vector.broadcast %sqrt3A : vector<1000x1xf32> to vector<1000x2xf32>
    %div3A_95 = arith.divf %add3A_63, %div3A_94 : vector<1000x2xf32>
    %div3A_96 = vector.broadcast %sqrt3A : vector<1000x1xf32> to vector<1000x2xf32>
    %div3A_97 = arith.divf %add3A_72, %div3A_96 : vector<1000x2xf32>
    %div3A_98 = vector.broadcast %sqrt3A : vector<1000x1xf32> to vector<1000x2xf32>
    %div3A_99 = arith.divf %add3A_81, %div3A_98 : vector<1000x2xf32>
    %get3A_100 = arith.constant 0 : index
    %get3A_101 = arith.constant 0 : index
    %get3A_102 = vector.load %arg7[%get3A_100, %get3A_101] : memref<2x4xf32, #tpu.memory_space<vmem>>, vector<2x4xf32>
    %dot_general3A = arith.constant dense<0.000000e+00> : vector<1000x4xf32>
    %dot_general3A_103 = tpu.matmul %div3A_95, %get3A_102, %dot_general3A {dimension_numbers = #tpu.dot_dimension_numbers<[1], [0], [0], [1], [0, 0, 1, 1], [], []>, transpose_lhs_hint = false} : vector<1000x2xf32>, vector<2x4xf32>, vector<1000x4xf32> -> vector<1000x4xf32>
    %get3A_104 = arith.constant 0 : index
    %get3A_105 = arith.constant 0 : index
    %get3A_106 = vector.load %arg7[%get3A_104, %get3A_105] : memref<2x4xf32, #tpu.memory_space<vmem>>, vector<2x4xf32>
    %dot_general3A_107 = arith.constant dense<0.000000e+00> : vector<1000x4xf32>
    %dot_general3A_108 = tpu.matmul %div3A_97, %get3A_106, %dot_general3A_107 {dimension_numbers = #tpu.dot_dimension_numbers<[1], [0], [0], [1], [0, 0, 1, 1], [], []>, transpose_lhs_hint = false} : vector<1000x2xf32>, vector<2x4xf32>, vector<1000x4xf32> -> vector<1000x4xf32>
    %get3A_109 = arith.constant 0 : index
    %get3A_110 = arith.constant 0 : index
    %get3A_111 = vector.load %arg7[%get3A_109, %get3A_110] : memref<2x4xf32, #tpu.memory_space<vmem>>, vector<2x4xf32>
    %dot_general3A_112 = arith.constant dense<0.000000e+00> : vector<1000x4xf32>
    %dot_general3A_113 = tpu.matmul %div3A_99, %get3A_111, %dot_general3A_112 {dimension_numbers = #tpu.dot_dimension_numbers<[1], [0], [0], [1], [0, 0, 1, 1], [], []>, transpose_lhs_hint = false} : vector<1000x2xf32>, vector<2x4xf32>, vector<1000x4xf32> -> vector<1000x4xf32>
    %integer_pow3A_114 = arith.mulf %dot_general3A_103, %dot_general3A_103 : vector<1000x4xf32>
    %integer_pow3A_115 = arith.mulf %dot_general3A_108, %dot_general3A_108 : vector<1000x4xf32>
    %add3A_116 = arith.addf %integer_pow3A_114, %integer_pow3A_115 : vector<1000x4xf32>
    %integer_pow3A_117 = arith.mulf %dot_general3A_113, %dot_general3A_113 : vector<1000x4xf32>
    %add3A_118 = arith.addf %add3A_116, %integer_pow3A_117 : vector<1000x4xf32>
    %jit3A_119 = arith.constant 9.99999993E-9 : f32
    %max3A_120 = vector.broadcast %jit3A_119 : f32 to vector<1000x4xf32>
    %max3A_121 = arith.maximumf %max3A_120, %add3A_118 : vector<1000x4xf32>
    %sqrt3A_122 = math.sqrt %max3A_121 : vector<1000x4xf32>
    %concatenate3A_123 = tpu.concatenate %add3A_52, %sqrt3A_122 in 1 : vector<1000x128xf32>, vector<1000x4xf32> -> vector<1000x132xf32>
    %get3A_124 = arith.constant 0 : index
    %get3A_125 = arith.constant 0 : index
    %get3A_126 = vector.load %arg8[%get3A_124, %get3A_125] : memref<132x512xf32, #tpu.memory_space<vmem>>, vector<132x512xf32>
    %dot_general3A_127 = arith.constant dense<0.000000e+00> : vector<1000x512xf32>
    %dot_general3A_128 = tpu.matmul %concatenate3A_123, %get3A_126, %dot_general3A_127 {dimension_numbers = #tpu.dot_dimension_numbers<[1], [0], [0], [1], [0, 0, 1, 1], [], []>, transpose_lhs_hint = false} : vector<1000x132xf32>, vector<132x512xf32>, vector<1000x512xf32> -> vector<1000x512xf32>
    %get3A_129 = arith.constant 0 : index
    %get3A_130 = arith.constant 0 : index
    %get3A_131 = vector.load %arg9[%get3A_129, %get3A_130] : memref<1x512xf32, #tpu.memory_space<vmem>>, vector<1x512xf32>
    %add3A_132 = vector.broadcast %get3A_131 : vector<1x512xf32> to vector<1000x512xf32>
    %add3A_133 = arith.addf %dot_general3A_128, %add3A_132 : vector<1000x512xf32>
    %max3A_134 = arith.constant 0.000000e+00 : f32
    %max3A_135 = vector.broadcast %max3A_134 : f32 to vector<1000x512xf32>
    %max3A_136 = arith.maximumf %add3A_133, %max3A_135 : vector<1000x512xf32>
    %get3A_137 = arith.constant 0 : index
    %get3A_138 = arith.constant 0 : index
    %get3A_139 = vector.load %arg10[%get3A_137, %get3A_138] : memref<4x4xf32, #tpu.memory_space<vmem>>, vector<4x4xf32>
    %dot_general3A_140 = arith.constant dense<0.000000e+00> : vector<1000x4xf32>
    %dot_general3A_141 = tpu.matmul %dot_general3A_103, %get3A_139, %dot_general3A_140 {dimension_numbers = #tpu.dot_dimension_numbers<[1], [0], [0], [1], [0, 0, 1, 1], [], []>, transpose_lhs_hint = false} : vector<1000x4xf32>, vector<4x4xf32>, vector<1000x4xf32> -> vector<1000x4xf32>
    %get3A_142 = arith.constant 0 : index
    %get3A_143 = arith.constant 0 : index
    %get3A_144 = vector.load %arg10[%get3A_142, %get3A_143] : memref<4x4xf32, #tpu.memory_space<vmem>>, vector<4x4xf32>
    %dot_general3A_145 = arith.constant dense<0.000000e+00> : vector<1000x4xf32>
    %dot_general3A_146 = tpu.matmul %dot_general3A_108, %get3A_144, %dot_general3A_145 {dimension_numbers = #tpu.dot_dimension_numbers<[1], [0], [0], [1], [0, 0, 1, 1], [], []>, transpose_lhs_hint = false} : vector<1000x4xf32>, vector<4x4xf32>, vector<1000x4xf32> -> vector<1000x4xf32>
    %get3A_147 = arith.constant 0 : index
    %get3A_148 = arith.constant 0 : index
    %get3A_149 = vector.load %arg10[%get3A_147, %get3A_148] : memref<4x4xf32, #tpu.memory_space<vmem>>, vector<4x4xf32>
    %dot_general3A_150 = arith.constant dense<0.000000e+00> : vector<1000x4xf32>
    %dot_general3A_151 = tpu.matmul %dot_general3A_113, %get3A_149, %dot_general3A_150 {dimension_numbers = #tpu.dot_dimension_numbers<[1], [0], [0], [1], [0, 0, 1, 1], [], []>, transpose_lhs_hint = false} : vector<1000x4xf32>, vector<4x4xf32>, vector<1000x4xf32> -> vector<1000x4xf32>
    %integer_pow3A_152 = arith.mulf %dot_general3A_141, %dot_general3A_141 : vector<1000x4xf32>
    %integer_pow3A_153 = arith.mulf %dot_general3A_146, %dot_general3A_146 : vector<1000x4xf32>
    %add3A_154 = arith.addf %integer_pow3A_152, %integer_pow3A_153 : vector<1000x4xf32>
    %integer_pow3A_155 = arith.mulf %dot_general3A_151, %dot_general3A_151 : vector<1000x4xf32>
    %add3A_156 = arith.addf %add3A_154, %integer_pow3A_155 : vector<1000x4xf32>
    %jit3A_157 = arith.constant 9.99999993E-9 : f32
    %max3A_158 = vector.broadcast %jit3A_157 : f32 to vector<1000x4xf32>
    %max3A_159 = arith.maximumf %max3A_158, %add3A_156 : vector<1000x4xf32>
    %sqrt3A_160 = math.sqrt %max3A_159 : vector<1000x4xf32>
    %logistic3A = arith.negf %sqrt3A_160 : vector<1000x4xf32>
    %logistic3A_161 = math.exp %logistic3A : vector<1000x4xf32>
    %logistic3A_162 = arith.constant 1.000000e+00 : f32
    %logistic3A_163 = vector.broadcast %logistic3A_162 : f32 to vector<1000x4xf32>
    %logistic3A_164 = arith.addf %logistic3A_163, %logistic3A_161 : vector<1000x4xf32>
    %logistic3A_165 = arith.divf %logistic3A_163, %logistic3A_164 : vector<1000x4xf32>
    %mul3A_166 = arith.mulf %dot_general3A_141, %logistic3A_165 : vector<1000x4xf32>
    %mul3A_167 = arith.mulf %dot_general3A_146, %logistic3A_165 : vector<1000x4xf32>
    %mul3A_168 = arith.mulf %dot_general3A_151, %logistic3A_165 : vector<1000x4xf32>
    %get3A_169 = arith.constant 0 : index
    %get3A_170 = arith.constant 0 : index
    %get3A_171 = vector.load %arg11[%get3A_169, %get3A_170] : memref<4x4xf32, #tpu.memory_space<vmem>>, vector<4x4xf32>
    %dot_general3A_172 = arith.constant dense<0.000000e+00> : vector<1000x4xf32>
    %dot_general3A_173 = tpu.matmul %mul3A_166, %get3A_171, %dot_general3A_172 {dimension_numbers = #tpu.dot_dimension_numbers<[1], [0], [0], [1], [0, 0, 1, 1], [], []>, transpose_lhs_hint = false} : vector<1000x4xf32>, vector<4x4xf32>, vector<1000x4xf32> -> vector<1000x4xf32>
    %get3A_174 = arith.constant 0 : index
    %get3A_175 = arith.constant 0 : index
    %get3A_176 = vector.load %arg11[%get3A_174, %get3A_175] : memref<4x4xf32, #tpu.memory_space<vmem>>, vector<4x4xf32>
    %dot_general3A_177 = arith.constant dense<0.000000e+00> : vector<1000x4xf32>
    %dot_general3A_178 = tpu.matmul %mul3A_167, %get3A_176, %dot_general3A_177 {dimension_numbers = #tpu.dot_dimension_numbers<[1], [0], [0], [1], [0, 0, 1, 1], [], []>, transpose_lhs_hint = false} : vector<1000x4xf32>, vector<4x4xf32>, vector<1000x4xf32> -> vector<1000x4xf32>
    %get3A_179 = arith.constant 0 : index
    %get3A_180 = arith.constant 0 : index
    %get3A_181 = vector.load %arg11[%get3A_179, %get3A_180] : memref<4x4xf32, #tpu.memory_space<vmem>>, vector<4x4xf32>
    %dot_general3A_182 = arith.constant dense<0.000000e+00> : vector<1000x4xf32>
    %dot_general3A_183 = tpu.matmul %mul3A_168, %get3A_181, %dot_general3A_182 {dimension_numbers = #tpu.dot_dimension_numbers<[1], [0], [0], [1], [0, 0, 1, 1], [], []>, transpose_lhs_hint = false} : vector<1000x4xf32>, vector<4x4xf32>, vector<1000x4xf32> -> vector<1000x4xf32>
    %integer_pow3A_184 = arith.mulf %dot_general3A_173, %dot_general3A_173 : vector<1000x4xf32>
    %integer_pow3A_185 = arith.mulf %dot_general3A_178, %dot_general3A_178 : vector<1000x4xf32>
    %add3A_186 = arith.addf %integer_pow3A_184, %integer_pow3A_185 : vector<1000x4xf32>
    %integer_pow3A_187 = arith.mulf %dot_general3A_183, %dot_general3A_183 : vector<1000x4xf32>
    %add3A_188 = arith.addf %add3A_186, %integer_pow3A_187 : vector<1000x4xf32>
    %jit3A_189 = arith.constant 9.99999993E-9 : f32
    %max3A_190 = vector.broadcast %jit3A_189 : f32 to vector<1000x4xf32>
    %max3A_191 = arith.maximumf %max3A_190, %add3A_188 : vector<1000x4xf32>
    %sqrt3A_192 = math.sqrt %max3A_191 : vector<1000x4xf32>
    %concatenate3A_193 = tpu.concatenate %max3A_136, %sqrt3A_192 in 1 : vector<1000x512xf32>, vector<1000x4xf32> -> vector<1000x516xf32>
    %get3A_194 = arith.constant 0 : index
    %get3A_195 = arith.constant 0 : index
    %get3A_196 = vector.load %arg12[%get3A_194, %get3A_195] : memref<516x128xf32, #tpu.memory_space<vmem>>, vector<516x128xf32>
    %dot_general3A_197 = arith.constant dense<0.000000e+00> : vector<1000x128xf32>
    %dot_general3A_198 = tpu.matmul %concatenate3A_193, %get3A_196, %dot_general3A_197 {dimension_numbers = #tpu.dot_dimension_numbers<[1], [0], [0], [1], [0, 0, 1, 1], [], []>, transpose_lhs_hint = false} : vector<1000x516xf32>, vector<516x128xf32>, vector<1000x128xf32> -> vector<1000x128xf32>
    %get3A_199 = arith.constant 0 : index
    %get3A_200 = arith.constant 0 : index
    %get3A_201 = vector.load %arg13[%get3A_199, %get3A_200] : memref<1x128xf32, #tpu.memory_space<vmem>>, vector<1x128xf32>
    %add3A_202 = vector.broadcast %get3A_201 : vector<1x128xf32> to vector<1000x128xf32>
    %add3A_203 = arith.addf %dot_general3A_198, %add3A_202 : vector<1000x128xf32>
    %add3A_204 = arith.addf %add3A_52, %add3A_203 : vector<1000x128xf32>
    %get3A_205 = arith.constant 0 : index
    %get3A_206 = arith.constant 0 : index
    %get3A_207 = vector.load %arg14[%get3A_205, %get3A_206] : memref<1x128xf32, #tpu.memory_space<vmem>>, vector<1x128xf32>
    %get3A_208 = arith.constant 0 : index
    %get3A_209 = arith.constant 0 : index
    %get3A_210 = vector.load %arg15[%get3A_208, %get3A_209] : memref<1x128xf32, #tpu.memory_space<vmem>>, vector<1x128xf32>
    %reduce_sum3A_211 = arith.constant dense<0.000000e+00> : vector<1000xf32>
    %reduce_sum3A_212 = vector.multi_reduction <add>, %add3A_204, %reduce_sum3A_211 [1] : vector<1000x128xf32> to vector<1000xf32>
    %broadcast_in_dim3A_213 = vector.shape_cast %reduce_sum3A_212 : vector<1000xf32> to vector<1000x1xf32>
    %div3A_214 = arith.constant 1.280000e+02 : f32
    %div3A_215 = vector.broadcast %div3A_214 : f32 to vector<1000x1xf32>
    %div3A_216 = arith.divf %broadcast_in_dim3A_213, %div3A_215 : vector<1000x1xf32>
    %sub3A_217 = vector.broadcast %div3A_216 : vector<1000x1xf32> to vector<1000x128xf32>
    %sub3A_218 = arith.subf %add3A_204, %sub3A_217 : vector<1000x128xf32>
    %mul3A_219 = arith.mulf %sub3A_218, %sub3A_218 : vector<1000x128xf32>
    %reduce_sum3A_220 = arith.constant dense<0.000000e+00> : vector<1000xf32>
    %reduce_sum3A_221 = vector.multi_reduction <add>, %mul3A_219, %reduce_sum3A_220 [1] : vector<1000x128xf32> to vector<1000xf32>
    %broadcast_in_dim3A_222 = vector.shape_cast %reduce_sum3A_221 : vector<1000xf32> to vector<1000x1xf32>
    %div3A_223 = arith.constant 1.280000e+02 : f32
    %div3A_224 = vector.broadcast %div3A_223 : f32 to vector<1000x1xf32>
    %div3A_225 = arith.divf %broadcast_in_dim3A_222, %div3A_224 : vector<1000x1xf32>
    %add3A_226 = arith.constant 9.99999974E-6 : f32
    %add3A_227 = vector.broadcast %add3A_226 : f32 to vector<1000x1xf32>
    %add3A_228 = arith.addf %div3A_225, %add3A_227 : vector<1000x1xf32>
    %rsqrt3A_229 = math.rsqrt %add3A_228 : vector<1000x1xf32>
    %mul3A_230 = vector.broadcast %rsqrt3A_229 : vector<1000x1xf32> to vector<1000x128xf32>
    %mul3A_231 = arith.mulf %sub3A_218, %mul3A_230 : vector<1000x128xf32>
    %mul3A_232 = vector.broadcast %get3A_207 : vector<1x128xf32> to vector<1000x128xf32>
    %mul3A_233 = arith.mulf %mul3A_231, %mul3A_232 : vector<1000x128xf32>
    %add3A_234 = vector.broadcast %get3A_210 : vector<1x128xf32> to vector<1000x128xf32>
    %add3A_235 = arith.addf %mul3A_233, %add3A_234 : vector<1000x128xf32>
    %get3A_236 = arith.constant 0 : index
    %get3A_237 = arith.constant 0 : index
    %get3A_238 = vector.load %arg16[%get3A_236, %get3A_237] : memref<1x128xf32, #tpu.memory_space<vmem>>, vector<1x128xf32>
    %mul3A_239 = vector.broadcast %get3A_238 : vector<1x128xf32> to vector<1000x128xf32>
    %mul3A_240 = arith.mulf %add3A_235, %mul3A_239 : vector<1000x128xf32>
    %reduce_sum3A_241 = arith.constant dense<0.000000e+00> : vector<1000xf32>
    %reduce_sum3A_242 = vector.multi_reduction <add>, %mul3A_240, %reduce_sum3A_241 [1] : vector<1000x128xf32> to vector<1000xf32>
    %broadcast_in_dim3A_243 = vector.shape_cast %reduce_sum3A_242 : vector<1000xf32> to vector<1000x1xf32>
    %get3A_244 = arith.constant 0 : index
    %get3A_245 = arith.constant 0 : index
    %get3A_246 = vector.load %arg17[%get3A_244, %get3A_245] : memref<1x1xf32, #tpu.memory_space<vmem>>, vector<1x1xf32>
    %get3A_247 = vector.extract %get3A_246[0, 0] : f32 from vector<1x1xf32>
    %add3A_248 = vector.broadcast %get3A_247 : f32 to vector<1000x1xf32>
    %add3A_249 = arith.addf %broadcast_in_dim3A_243, %add3A_248 : vector<1000x1xf32>
    %logistic3A_250 = arith.negf %add3A_249 : vector<1000x1xf32>
    %logistic3A_251 = math.exp %logistic3A_250 : vector<1000x1xf32>
    %logistic3A_252 = arith.constant 1.000000e+00 : f32
    %logistic3A_253 = vector.broadcast %logistic3A_252 : f32 to vector<1000x1xf32>
    %logistic3A_254 = arith.addf %logistic3A_253, %logistic3A_251 : vector<1000x1xf32>
    %logistic3A_255 = arith.divf %logistic3A_253, %logistic3A_254 : vector<1000x1xf32>
    %swap3A = arith.constant 0 : index
    %swap3A_256 = arith.constant 0 : index
    %swap3A_257 = vector.load %arg18[%swap3A, %swap3A_256] : memref<1000x1xf32, #tpu.memory_space<vmem>>, vector<1000x1xf32>
    tpu.vector_store %arg18[%swap3A, %swap3A_256], %logistic3A_255 {strides = array<i32>} : memref<1000x1xf32, #tpu.memory_space<vmem>>, vector<1000x1xf32>,
    return
  }
  func.func @transform_0(%arg0: i32) -> (i32, i32, i32) {
    %c0_i32 = arith.constant 0 : i32
    %c0_i32_0 = arith.constant 0 : i32
    %c0_i32_1 = arith.constant 0 : i32
    return %c0_i32, %arg0, %c0_i32_0 : i32, i32, i32
  }
  func.func @transform_1(%arg0: i32) -> (i32, i32, i32) {
    %c0_i32 = arith.constant 0 : i32
    %c0_i32_0 = arith.constant 0 : i32
    %c0_i32_1 = arith.constant 0 : i32
    return %c0_i32, %arg0, %c0_i32_0 : i32, i32, i32
  }
  func.func @transform_2(%arg0: i32) -> (i32, i32) {
    %c0_i32 = arith.constant 0 : i32
    %c0_i32_0 = arith.constant 0 : i32
    return %arg0, %c0_i32 : i32, i32
  }
  func.func @transform_3(%arg0: i32) -> (i32, i32) {
    %c0_i32 = arith.constant 0 : i32
    %c0_i32_0 = arith.constant 0 : i32
    return %arg0, %c0_i32 : i32, i32
  }
  func.func @transform_4(%arg0: i32) -> (i32, i32) {
    %c0_i32 = arith.constant 0 : i32
    %c0_i32_0 = arith.constant 0 : i32
    %c0_i32_1 = arith.constant 0 : i32
    return %c0_i32, %c0_i32_0 : i32, i32
  }
  func.func @transform_5(%arg0: i32) -> (i32, i32) {
    %c0_i32 = arith.constant 0 : i32
    %c0_i32_0 = arith.constant 0 : i32
    %c0_i32_1 = arith.constant 0 : i32
    return %c0_i32, %c0_i32_0 : i32, i32
  }
  func.func @transform_6(%arg0: i32) -> (i32, i32) {
    %c0_i32 = arith.constant 0 : i32
    %c0_i32_0 = arith.constant 0 : i32
    %c0_i32_1 = arith.constant 0 : i32
    return %c0_i32, %c0_i32_0 : i32, i32
  }
  func.func @transform_7(%arg0: i32) -> (i32, i32) {
    %c0_i32 = arith.constant 0 : i32
    %c0_i32_0 = arith.constant 0 : i32
    %c0_i32_1 = arith.constant 0 : i32
    return %c0_i32, %c0_i32_0 : i32, i32
  }
  func.func @transform_8(%arg0: i32) -> (i32, i32) {
    %c0_i32 = arith.constant 0 : i32
    %c0_i32_0 = arith.constant 0 : i32
    %c0_i32_1 = arith.constant 0 : i32
    return %c0_i32, %c0_i32_0 : i32, i32
  }
  func.func @transform_9(%arg0: i32) -> (i32, i32) {
    %c0_i32 = arith.constant 0 : i32
    %c0_i32_0 = arith.constant 0 : i32
    %c0_i32_1 = arith.constant 0 : i32
    return %c0_i32, %c0_i32_0 : i32, i32
  }
  func.func @transform_10(%arg0: i32) -> (i32, i32) {
    %c0_i32 = arith.constant 0 : i32
    %c0_i32_0 = arith.constant 0 : i32
    %c0_i32_1 = arith.constant 0 : i32
    return %c0_i32, %c0_i32_0 : i32, i32
  }
  func.func @transform_11(%arg0: i32) -> (i32, i32) {
    %c0_i32 = arith.constant 0 : i32
    %c0_i32_0 = arith.constant 0 : i32
    %c0_i32_1 = arith.constant 0 : i32
    return %c0_i32, %c0_i32_0 : i32, i32
  }
  func.func @transform_12(%arg0: i32) -> (i32, i32) {
    %c0_i32 = arith.constant 0 : i32
    %c0_i32_0 = arith.constant 0 : i32
    %c0_i32_1 = arith.constant 0 : i32
    return %c0_i32, %c0_i32_0 : i32, i32
  }
  func.func @transform_13(%arg0: i32) -> (i32, i32) {
    %c0_i32 = arith.constant 0 : i32
    %c0_i32_0 = arith.constant 0 : i32
    %c0_i32_1 = arith.constant 0 : i32
    return %c0_i32, %c0_i32_0 : i32, i32
  }
  func.func @transform_14(%arg0: i32) -> (i32, i32) {
    %c0_i32 = arith.constant 0 : i32
    %c0_i32_0 = arith.constant 0 : i32
    %c0_i32_1 = arith.constant 0 : i32
    return %c0_i32, %c0_i32_0 : i32, i32
  }
  func.func @transform_15(%arg0: i32) -> (i32, i32) {
    %c0_i32 = arith.constant 0 : i32
    %c0_i32_0 = arith.constant 0 : i32
    %c0_i32_1 = arith.constant 0 : i32
    return %c0_i32, %c0_i32_0 : i32, i32
  }
  func.func @transform_16(%arg0: i32) -> (i32, i32) {
    %c0_i32 = arith.constant 0 : i32
    %c0_i32_0 = arith.constant 0 : i32
    %c0_i32_1 = arith.constant 0 : i32
    return %c0_i32, %c0_i32_0 : i32, i32
  }
  func.func @transform_17(%arg0: i32) -> (i32, i32) {
    %c0_i32 = arith.constant 0 : i32
    %c0_i32_0 = arith.constant 0 : i32
    return %arg0, %c0_i32 : i32, i32
  }
}

</mosaic_0001>

<sc_bundles>
// kernel: kernel.11.cloned.1.call-start
scs
__scs_entry_jumppad:
0x0: {  	(pc) =	sbr.rel $0x88, $3  }
0x1: {  	(tag) =	ssettag $0x0;
	lr =	simm.s32 $0x1  }
0x2: {  	[smem:$0x3F80] =	sst lr;
	_ =	strace $0xD0000000  }
0x3: {  	_ = 	snop  }
0x4: {  	_ = 	snop  }
0x5: {  	_ = 	snop  }
0x6: {  	_ = 	snop  }
0x7: {  	_ = 	snop  }
__scs_overlays_trampoline_lowered:
0x8: {  	[smem:$0x3F8F] =	sst s0  }
0x9: {  	[smem:$0x3F90] =	sst s1  }
0xa: {  	[smem:$0x3F91] =	sst s2  }
0xb: {  	[smem:$0x3F92] =	sst s3  }
0xc: {  	[smem:$0x3F93] =	sst s4  }
0xd: {  	[smem:$0x3F94] =	sst s5  }
0xe: {  	[smem:$0x3F95] =	sst s6  }
0xf: {  	[smem:$0x3F96] =	sst s7  }
0x10: {  	[smem:$0x3F97] =	sst s8  }
0x11: {  	[smem:$0x3F98] =	sst s9;
	s0 =	simm.s32 @!p0 $0x0  }
0x12: {  	s1 =	sld [smem:$0x3F7E];
	s0 =	simm.s32 @p0 $0x1  }
0x13: {  	[smem:$0x3F99] =	sst s0;
	s0 =	simm.s32 @!p1 $0x0  }
0x14: {  	s2 =	sld [smem:$0x3F7D];
	s0 =	simm.s32 @p1 $0x1  }
0x15: {  	[smem:$0x3F9A] =	sst s0;
	s0 =	simm.s32 @!p2 $0x0  }
0x16: {  	s3 =	sld [smem:$0x3FDB];
	s0 =	simm.s32 @p2 $0x1  }
0x17: {  	s4 =	simm.s32 $0x1BF5;
	[smem:$0x3F9C] =	sst s0  }
0x18: {  	s0 =	sld [smem:$0x3F7F];
	_ =	swait.ge [sflag:s4], $0x0  }
0x19: {  	s7 =	sld [smem:$0x3F80]  }
0x1a: {  	s8 =	sadd.s32 $0xFFFFE003, lr  }
0x1b: {  	s9 =	sadd.s32 $0xFFFFFEF7, lr;
	s5 =	simm.s32 $0xFFFFFFFF;
	p2 =	slt.u32 s8, $0xFFFFF086  }
0x1c: {  	p1 =	slt.u32 s9, $0xF7A;
	s5 =	simm.s32 @!p2 $0x0  }
0x1d: {  	s5 =	simm.s32 @p1 $0x1;
	p0 =	seq.s32 s7, s2  }
0x1e: {  	s7 =	smul.u32 @!p0 $0xF7A, s2;
	p2 =	seq.s32 @!p0 s5, $0x0  }
0x1f: {  	s9 =	smul.u32 $0xF7A, s1;
	s8 =	simm.s32 @!p0 $0x1BF5;
	p2 =	por !p2, p0  }
0x20: {  	[sflag:s8] =	ssyncset.s32 @!p0 $0xFFFFF086;
	s6 =	sadd.s32 @!p0 s3, s7;
	s7 =	simm.s32 @!p0 $0x108  }
0x21: {  	s3 =	sadd.s32 s3, s9;
	s6 =	sadd.s32 @!p0 $0x88, s6;
	s7 =	simm.s32 @p2 $0x1082  }
0x22: {  	[simem:s7], [sflag:s8] =	dma.local @!p0 [hbm:s6], $0xF7A  }
0x23: {  	s9 =	sor.u32 $0xD0000000, s2;
	s6 =	simm.s32 $0x108;
	_ =	swait.ge @!p0 [sflag:s8], $0x0  }
0x24: {  	s3 =	sadd.s32 $0x88, s3;
	s6 =	simm.s32 @!p1 $0x1082;
	[sflag:s4] =	ssyncset.s32 $0xFFFFF086  }
0x25: {  	[simem:s6], [sflag:s4] =	dma.local [hbm:s3], $0xF7A  }
0x26: {  	[smem:$0x3F80] =	sst s1;
	(tag) =	ssettag s2;
	_ =	strace s9  }
0x27: {  	s1 =	sld [smem:$0x3F90]  }
0x28: {  	s2 =	sld [smem:$0x3F91]  }
0x29: {  	s4 =	sld [smem:$0x3F93]  }
0x2a: {  	p0 =	seq.s32 s5, $0x0;
	s5 =	sld [smem:$0x3F94]  }
0x2b: {  	s6 =	sld [smem:$0x3F95]  }
0x2c: {  	s7 =	sld [smem:$0x3F96]  }
0x2d: {  	s3 =	simm.s32 $0x108;
	s8 =	sld [smem:$0x3F97]  }
0x2e: {  	s3 =	simm.s32 @!p0 $0x1082;
	s9 =	sld [smem:$0x3F98]  }
0x2f: {  	lr =	sadd.s32 s0, s3;
	s0 =	sld [smem:$0x3F8F]  }
0x30: {  	s3 =	sld [smem:$0x3F92]  }
0x31: {  	[smem:$0x3F9B] =	sst s10  }
0x32: {  	s10 =	sld [smem:$0x3F99];
	_ =	sdelay $0x3  }
0x33: {  	p0 =	seq.s32 s10, $0x1;
	s10 =	sld [smem:$0x3F9B];
	_ =	sdelay $0x3  }
0x34: {  	[smem:$0x3F9B] =	sst s10  }
0x35: {  	s10 =	sld [smem:$0x3F9A];
	_ =	sdelay $0x3  }
0x36: {  	p1 =	seq.s32 s10, $0x1;
	s10 =	sld [smem:$0x3F9B];
	_ =	sdelay $0x3  }
0x37: {  	[smem:$0x3F9B] =	sst s10  }
0x38: {  	s10 =	sld [smem:$0x3F9C]  }
0x39: {  	_ = 	snop;
	(pc) =	sbr.ind lr, $3  }
0x3a: {  	_ = 	snop  }
0x3b: {  	_ = 	snop  }
0x3c: {  	p2 =	seq.s32 s10, $0x1;
	s10 =	sld [smem:$0x3F9B]  }
0x3d: {  	_ =	shalt  }
0x3e: {  	_ =	shalt  }
0x3f: {  	_ =	shalt  }
0x40: {  	_ =	shalt  }
0x41: {  	_ =	shalt  }
0x42: {  	_ =	shalt  }
0x43: {  	_ =	shalt  }
0x44: {  	_ =	shalt  }
0x45: {  	_ =	shalt  }
0x46: {  	_ =	shalt  }
0x47: {  	_ =	shalt  }
0x48: {  	_ =	shalt  }
0x49: {  	_ =	shalt  }
0x4a: {  	_ =	shalt  }
0x4b: {  	_ =	shalt  }
0x4c: {  	_ =	shalt  }
0x4d: {  	_ =	shalt  }
0x4e: {  	_ =	shalt  }
0x4f: {  	_ =	shalt  }
0x50: {  	_ =	shalt  }
0x51: {  	_ =	shalt  }
0x52: {  	_ =	shalt  }
0x53: {  	_ =	shalt  }
0x54: {  	_ =	shalt  }
0x55: {  	_ =	shalt  }
0x56: {  	_ =	shalt  }
0x57: {  	_ =	shalt  }
0x58: {  	_ =	shalt  }
0x59: {  	_ =	shalt  }
0x5a: {  	_ =	shalt  }
0x5b: {  	_ =	shalt  }
0x5c: {  	_ =	shalt  }
0x5d: {  	_ =	shalt  }
0x5e: {  	_ =	shalt  }
0x5f: {  	_ =	shalt  }
0x60: {  	_ =	shalt  }
0x61: {  	_ =	shalt  }
0x62: {  	_ =	shalt  }
0x63: {  	_ =	shalt  }
0x64: {  	_ =	shalt  }
0x65: {  	_ =	shalt  }
0x66: {  	_ =	shalt  }
0x67: {  	_ =	shalt  }
0x68: {  	_ =	shalt  }
0x69: {  	_ =	shalt  }
0x6a: {  	_ =	shalt  }
0x6b: {  	_ =	shalt  }
0x6c: {  	_ =	shalt  }
0x6d: {  	_ =	shalt  }
0x6e: {  	_ =	shalt  }
0x6f: {  	_ =	shalt  }
0x70: {  	_ =	shalt  }
0x71: {  	_ =	shalt  }
0x72: {  	_ =	shalt  }
0x73: {  	_ =	shalt  }
0x74: {  	_ =	shalt  }
0x75: {  	_ =	shalt  }
0x76: {  	_ =	shalt  }
0x77: {  	_ =	shalt  }
0x78: {  	_ =	shalt  }
0x79: {  	_ =	shalt  }
0x7a: {  	_ =	shalt  }
0x7b: {  	_ =	shalt  }
0x7c: {  	_ =	shalt  }
0x7d: {  	_ =	shalt  }
0x7e: {  	_ =	shalt  }
0x7f: {  	_ =	shalt  }
0x80: {  	_ =	shalt  }
0x81: {  	_ =	shalt  }
0x82: {  	_ =	shalt  }
0x83: {  	_ =	shalt  }
0x84: {  	_ =	shalt  }
0x85: {  	_ =	shalt  }
0x86: {  	_ =	shalt  }
0x87: {  	_ =	shalt  }
.Lfunc_end0:
.L_simem_size_0:
called_computation.1_lowered:
.L_overlay_start_0:
0x88: {  	s2 =	sld [smem:$0x3FD9]  }
0x89: {  	s3 =	sld [smem:$0x3FFE];
	_ =	sdelay $0x1  }
0x8a: {  	s1 =	srdreg.scid  }
0x8b: {  	s0 =	sand.u32 $0x1, s1  }
0x8c: {  	s17 =	sshll.u32 s0, $0xA;
	s2 =	sadd.s32 s3, s2  }
0x8d: {  	s2 =	sadd.s32 s2, s17  }
0x8e: {  	[smem:$0x3FA7] =	sst s2  }
0x8f: {  	_ = 	snop  }
0x90: {  	(tm) =	ssettm $0x1  }
0x91: {  	s18 =	sld [smem:$0x3FFB];
	_ =	sdelay $0x3  }
0x92: {  	_ =	strace s18  }
0x93: {  	s2 =	sld [smem:$0x3FFC];
	_ =	sdelay $0x3  }
0x94: {  	_ =	strace s2  }
0x95: {  	s2 =	sld [smem:$0x3FFD];
	_ =	sdelay $0x3  }
0x96: {  	_ =	strace s2  }
0x97: {  	_ =	strace $0x8FFFFFFF  }
0x98: {  	s19 =	sld [smem:$0x3FDB];
	_ =	sdelay $0x1  }
0x99: {  	s20 =	simm.s32 $_scs_section_size  }
0x9a: {  	s4 =	simm.s32 $_size__tile_overlayer_lowered;
	s5 =	simm.s32 $_tile_overlayer_lowered  }
0x9b: {  	s6 =	simm.s32 $0x1BFF;
	s21 =	sshll.u32 s5, $0x1;
	s3 =	sadd.s32 s20, s19  }
0x9c: {  	s22 =	simm.s32 $0x0;
	s4 =	sshll.u32 s4, $0x1;
	s5 =	sadd.s32 s21, s3  }
0x9d: {  	[timem:s22], [sflag:s6] =	dma.local [hbm:s5], s4  }
0x9e: {  	_ =	swait.ge [sflag:s6], s4  }
0x9f: {  	s4 =	ssub.s32 $0x0, s4;
	[sflag:s6] =	ssyncset.done $0x0  }
0xa0: {  	[sflag:s6] =	ssyncadd.s32 s4;
	_ =	sdelay $0x1  }
0xa1: {  	s23 =	simm.s32 $0x1B8B  }
0xa2: {  	_ =	swait.ge [sflag:s23], $0x1  }
0xa3: {  	[sflag:s23] =	ssyncset.done $0x0  }
0xa4: {  	[sflag:s23] =	ssyncadd.s32 $0xFFFFFFFF  }
0xa5: {  	s4 =	sld [smem:$0x0]  }
0xa6: {  	s5 =	sand.u32 $0xFFFFFFFE, s1  }
0xa7: {  	p0 =	sne.s32 s1, s5  }
0xa8: {  	s5 =	sshll.u32 @p0 s5, $0xE  }
0xa9: {  	s5 =	sadd.s32 @p0 $0x11B8D, s5;
	s6 =	sshll.u32 @p0 s4, $0x11  }
0xaa: {  	s5 =	sor.u32 @p0 s6, s5  }
0xab: {  	[sflag:s5] =	ssyncadd.remote.s32 @p0 $0x1;
	_ =	sdelay $0x1  }
0xac: {  	s5 =	simm.s32 @p0 $0x1B8D  }
0xad: {  	_ =	swait.eq @p0 [sflag:s5], $0x1  }
0xae: {  	[sflag:s5] =	ssyncadd.s32 @p0 $0xFFFFFFFF  }
0xaf: {  	s6 =	sshll.u32 @!p0 s1, $0xE  }
0xb0: {  	s6 =	sor.u32 @!p0 $0x4000, s6;
	s5 =	simm.s32 @!p0 $0x1B8D  }
0xb1: {  	s4 =	sshll.u32 @!p0 s4, $0x11;
	s6 =	sadd.s32 @!p0 $0x11B8D, s6;
	_ =	swait.eq @!p0 [sflag:s5], $0x1  }
0xb2: {  	s4 =	sor.u32 @!p0 s4, s6;
	[sflag:s5] =	ssyncadd.s32 @!p0 $0xFFFFFFFF  }
0xb3: {  	s25 =	simm.s32 $0x1B8E;
	s24 =	sld [smem:$0x3FFE];
	[sflag:s4] =	ssyncadd.remote.s32 @!p0 $0x1  }
0xb4: {  	s26 =	simm.s32 $execute0_lowered;
	[smem:$0x3FD2] =	sst s25  }
0xb5: {  	s5 =	sshll.u32 s26, $0x1;
	_ =	strace $0x8000004C;
	[dreg:$0x1] =	wrdreg $0xFFFFFFFF  }
0xb6: {  	s28 =	simm.s32 $_size_execute0_lowered;
	s3 =	sadd.s32 s3, s5;
	[dreg:$0x0] =	wrdreg $0x0  }
0xb7: {  	s5 =	sshll.u32 s28, $0x1;
	[dreg:$0x2] =	wrdreg s3  }
0xb8: {  	[dreg:$0x3] =	wrdreg s5  }
0xb9: {  	[dreg:$0x4] =	wrdreg $0xC0  }
0xba: {  	_ =	task [dreg:s22], $0x5FFFF  }
0xbb: {  	[dreg:$0x1] =	wrdreg $0xFFFFFFFF  }
0xbc: {  	[dreg:$0x0] =	wrdreg $0x60  }
0xbd: {  	[dreg:$0x2] =	wrdreg s24  }
0xbe: {  	[dreg:$0x3] =	wrdreg $0x68000  }
0xbf: {  	[dreg:$0x4] =	wrdreg $0x9  }
0xc0: {  	_ =	task.clear_ibuf [dreg:s22], $0x5FFFF;
	_ =	strace $0x9000004C  }
0xc1: {  	s29 =	simm.s32 $0x9;
	_ =	strace $0x8000004E  }
0xc2: {  	_ =	swait.ge [sflag:s29], $0x1  }
0xc3: {  	[sflag:s29] =	ssyncadd.s32 $0xFFFFFFFF  }
0xc4: {  	_ =	strace $0x9000004E  }
0xc5: {  	_ =	sfence  }
0xc6: {  	s30 =	sld [smem:$0x0];
	_ =	sdelay $0x2  }
0xc7: {  	s31 =	sshll.u32 s1, $0xD;
	s1 =	sshrl.u32 s1, $0x2  }
0xc8: {  	s4 =	sand.u32 $0x4000, s31;
	s1 =	sadd.s32 s1, s30  }
0xc9: {  	s0 =	sor.u32 s4, s0;
	s1 =	sshll.u32 s1, $0x11  }
0xca: {  	s0 =	sor.u32 s1, s0  }
0xcb: {  	s0 =	sadd.s32 $0x8F2B, s0  }
0xcc: {  	[sflag:s0] =	ssyncadd.remote.s32 $0x1  }
0xcd: {  	_ =	sfence.sel $0xFFFF  }
0xce: {  	[dreg:$0x0] =	wrdreg $0xFFFFFFFF;
	(pc) =	sbr.abs _section_cstart, $3  }
0xcf: {  	[dreg:$0x1] =	wrdreg $0xFFFFFFFF  }
0xd0: {  	_ =	task.clear_ibuf [dreg:s22], $0x2FFFF;
	_ =	strace $0x9FFFFFFF  }
0xd1: {  	(tm) =	ssettm $0x7FFFFFFF  }
tec
execute0_lowered:
.L_overlay_start_1:
0x0: {  	(tag) =	ssettag $0x1  }
0x1: {  	s6 =	rddreg [dreg:$0x0]  }
0x2: {  	s2 =	rddreg [dreg:$0x1]  }
0x3: {  	s0 =	rddreg [dreg:$0x2]  }
0x4: {  	s1 =	stileid.u32;
	s4 =	srdreg.scid  }
0x5: {  	s3 =	simm.s32 $0x0;
	s17 =	simm.s32 $0x0;
	s5 =	smul.u32 $0x4E200, s1  }
0x6: {  	s7 =	sand.u32 $0x1, s4;
	[smem:$0x7FF] =	sst s3;
	s9 =	smul.u32 $0x4E000, s1  }
0x7: {  	s24 =	sshll.u32 s1, $0xC;
	s11 =	sadd.s32 $0xEFE00, s6;
	s14 =	smul.u32 $0x13800, s1  }
0x8: {  	s15 =	sadd.s32 $0x138000, s2;
	p0 =	sne.s32 s1, $0xF;
	s8 =	sshll.u32 s7, $0xB  }
0x9: {  	s29 =	sshll.u32 s1, $0x6;
	_ =	strace $0x8000004D;
	s28 =	smul.u32 $0x138800, s7  }
0xa: {  	s25 =	ssub.s32 $0x2, s7;
	s16 =	smul.u32 $0x27100, s7;
	s10 =	sadd.s32 s5, s6  }
0xb: {  	s4 =	sor.u32 s8, s24;
	s12 =	sshrl.u32 s25, $0x1;
	s26 =	sshrl.u32 s9, $0x2  }
0xc: {  	s5 =	sor.u32 $0x1C01, s29;
	s8 =	sadd.s32 s4, s6;
	s4 =	sadd.s32 $0x2C800, s6  }
0xd: {  	s12 =	ssub.s32 s25, s12;
	s13 =	sadd.s32 s26, s2;
	s6 =	sadd.s32 $0x2EF00, s6  }
0xe: {  	s14 =	sadd.s32 s14, s28;
	s9 =	sshrl.u32 s28, $0x3;
	s31 =	sadd.s32 s16, s10  }
0xf: {  	s16 =	simm.s32 $0x50;
	s7 =	sadd.s32 $0x201400, s8;
	s30 =	sshrl.u32 s14, $0x3  }
0x10: {  	s9 =	sadd.s32 s11, s9;
	s10 =	smax.u32 s12, $0x1;
	s12 =	sshrl.u32 s13, $0x3  }
0x11: {  	s13 =	simm.s32 $0x1;
	s14 =	sshrl.u32 @!p0 s15, $0x3;
	s15 =	simm.s32 $0x4000  }
0x12: {  	s8 =	sadd.s32 s11, s30;
	s9 =	sadd.s32 $0x27000, s9;
	s11 =	sadd.s32 $0x1FBB600, s31  }
.LBB2_1:
0x13: {  	[spmem:s12], [sflag:s5] =	dma.local [hbm:s4], $0x2700  }
0x14: {  	_ =	swait.ge [sflag:s13], $0x2700  }
0x15: {  	[sflag:s13] =	ssyncset.done $0x0  }
0x16: {  	s18 =	simm.s32 @!p0 $0x1;
	[sflag:s13] =	ssyncadd.s32 $0xFFFFD900  }
0x17: {  	[spmem:s14], [sflag:s5] =	dma.local @!p0 [hbm:s6], $0x100  }
0x18: {  	_ =	swait.ge @!p0 [sflag:s18], $0x100  }
0x19: {  	[sflag:s18] =	ssyncset.done @!p0 $0x0  }
0x1a: {  	[sflag:s18] =	ssyncadd.s32 @!p0 $0xFFFFFF00  }
0x1b: {  	[bflag:$0x0] =	sbarrier.arrive $0xFFFF  }
0x1c: {  	[tilespmem:s3], [sflag:$0x1] =	stream.linear.gather [hbm4b:s7+s3], $0x3E80, $0x38;
	[tilespmem:$0x1A080] =	vst v63  }
0x1d: {  	_ =	swait.ge [sflag:s13], $0x3E80  }
0x1e: {  	[sflag:s13] =	ssyncset.done $0x0  }
0x1f: {  	[sflag:s13] =	ssyncadd.s32 $0xFFFFC180  }
0x20: {  	[tilespmem:s15], [sflag:$0x1] =	stream.linear.gather [hbm4b:s11+s3], $0x2800, $0x38;
	[tilespmem:$0x1A080] =	vst v63  }
0x21: {  	_ =	swait.ge [sflag:s13], $0x2800  }
0x22: {  	[sflag:s13] =	ssyncset.done $0x0  }
0x23: {  	s31 =	simm.s32 $0x0;
	[sflag:s13] =	ssyncadd.s32 $0xFFFFD800  }
0x24: {  	[spmem:s2] =	stream.indirect.scatter.add.f32 [tilespmem:s15], [sflag:$0x1], $0x80, s31, s16, $0xb8;
	[tilespmem:$0x1A080] =	vst v63  }
0x25: {  	_ =	swait.ge [sflag:s13], $0x2800  }
0x26: {  	s19 =	smov.u32 s11;
	s18 =	simm.s32 $0x200;
	[sflag:s13] =	ssyncset.done $0x0  }
.LBB2_2:
0x27: {  	p1 =	sne.s32 s18, $0xF800;
	[sflag:s13] =	ssyncadd.s32 $0xFFFFD800;
	s19 =	sadd.s32 $0x500, s19  }
0x28: {  	[tilespmem:s15], [sflag:$0x1] =	stream.linear.gather [hbm4b:s19+s3], $0x2800, $0x38;
	[tilespmem:$0x1A080] =	vst v63  }
0x29: {  	s20 =	smov.u32 s18;
	s18 =	sadd.s32 $0x200, s18;
	_ =	swait.ge [sflag:s13], $0x2800  }
.Ltmp0:
0x2a: {  	[sflag:s13] =	ssyncset.done $0x0;
	(pc) =	sbr.rel @p1 .LBB2_2-.Ltmp0, $4  }
0x2b: {  	s20 =	sshra.s32 s20, $0x2;
	[sflag:s13] =	ssyncadd.s32 $0xFFFFD800  }
0x2c: {  	[spmem:s2] =	stream.indirect.scatter.add.f32 [tilespmem:s15], [sflag:$0x1], $0x80, s20, s16, $0xb8;
	[tilespmem:$0x1A080] =	vst v63  }
0x2d: {  	_ =	swait.ge [sflag:s13], $0x2800  }
0x2e: {  	[sflag:s13] =	ssyncset.done $0x0  }
0x2f: {  	[sflag:s13] =	ssyncadd.s32 $0xFFFFD800  }
0x30: {  	[bflag:$0x0] =	sbarrier.arrive $0xFFFF  }
0x31: {  	[hbm:s8], [sflag:s5] =	dma.local [spmem:s12], $0x2700  }
0x32: {  	s17 =	sadd.s32 $0x1, s17;
	_ =	swait.ge [sflag:s13], $0x2700  }
0x33: {  	p1 =	sne.s32 s17, s10;
	[sflag:s13] =	ssyncset.done $0x0  }
.Ltmp1:
0x34: {  	s18 =	simm.s32 @!p0 $0x1;
	[sflag:s13] =	ssyncadd.s32 $0xFFFFD900;
	(pc) =	sbr.rel @p1 .LBB2_1-.Ltmp1, $4  }
0x35: {  	[hbm:s9], [sflag:s5] =	dma.local @!p0 [spmem:s14], $0x100  }
0x36: {  	_ =	swait.ge @!p0 [sflag:s18], $0x100  }
0x37: {  	[sflag:s18] =	ssyncset.done @!p0 $0x0  }
0x38: {  	[sflag:s18] =	ssyncadd.s32 @!p0 $0xFFFFFF00  }
0x39: {  	_ =	sfence.sel $0x180000  }
0x3a: {  	[bflag:$0x0] =	sbarrier.arrive $0xFFFF  }
0x3b: {  	p0 =	sne.s32 s1, $0x0;
	_ =	strace $0x9000004D  }
0x3c: {  	s0 =	sadd.s32 @!p0 $0x100000, s0;
	[bflag:$0x2] =	sbarrier.arrive $0xFFFF  }
0x3d: {  	[sflag:s0] =	ssyncadd.tile.s32 @!p0 $0x1;
	_ =	shalt  }
.Lfunc_end2:
_tile_overlayer_lowered:
.L_overlay_start_2:
0x3e: {  	(tag) =	ssettag $0x2  }
0x3f: {  	s0 =	rddreg [dreg:$0x0];
	s2 =	stileid.u32  }
0x40: {  	s1 =	rddreg [dreg:$0x1];
	p0 =	sne.s32 s2, $0x0  }
0x41: {  	s3 =	rddreg [dreg:$0x2];
	[bflag:$0x3] =	sbarrier.arrive $0xFFFF;
	s2 =	simm.s32 @!p0 $0x1C01  }
0x42: {  	[timem:s3], [sflag:s2] =	dma.local @!p0 [hbm:s0], s1  }
0x43: {  	s0 =	simm.s32 @!p0 $0x1  }
0x44: {  	_ =	swait.ge @!p0 [sflag:s0], s1  }
0x45: {  	s1 =	ssub.s32 @!p0 $0x0, s1;
	[sflag:s0] =	ssyncset.done @!p0 $0x0  }
0x46: {  	[sflag:s0] =	ssyncadd.s32 @!p0 s1  }
0x47: {  	[bflag:$0x3] =	sbarrier.arrive $0xFFFF  }
0x48: {  	_ =	shalt  }

// kernel: kernel.14.cloned.1.call-start
scs
__scs_entry_jumppad:
0x0: {  	(pc) =	sbr.rel $0x88, $3  }
0x1: {  	(tag) =	ssettag $0x0;
	lr =	simm.s32 $0x1  }
0x2: {  	[smem:$0x3F80] =	sst lr;
	_ =	strace $0xD0000000  }
0x3: {  	_ = 	snop  }
0x4: {  	_ = 	snop  }
0x5: {  	_ = 	snop  }
0x6: {  	_ = 	snop  }
0x7: {  	_ = 	snop  }
__scs_overlays_trampoline_lowered:
0x8: {  	[smem:$0x3F8F] =	sst s0  }
0x9: {  	[smem:$0x3F90] =	sst s1  }
0xa: {  	[smem:$0x3F91] =	sst s2  }
0xb: {  	[smem:$0x3F92] =	sst s3  }
0xc: {  	[smem:$0x3F93] =	sst s4  }
0xd: {  	[smem:$0x3F94] =	sst s5  }
0xe: {  	[smem:$0x3F95] =	sst s6  }
0xf: {  	[smem:$0x3F96] =	sst s7  }
0x10: {  	[smem:$0x3F97] =	sst s8  }
0x11: {  	[smem:$0x3F98] =	sst s9;
	s0 =	simm.s32 @!p0 $0x0  }
0x12: {  	s1 =	sld [smem:$0x3F7E];
	s0 =	simm.s32 @p0 $0x1  }
0x13: {  	[smem:$0x3F99] =	sst s0;
	s0 =	simm.s32 @!p1 $0x0  }
0x14: {  	s2 =	sld [smem:$0x3F7D];
	s0 =	simm.s32 @p1 $0x1  }
0x15: {  	[smem:$0x3F9A] =	sst s0;
	s0 =	simm.s32 @!p2 $0x0  }
0x16: {  	s3 =	sld [smem:$0x3FDB];
	s0 =	simm.s32 @p2 $0x1  }
0x17: {  	s4 =	simm.s32 $0x1BF5;
	[smem:$0x3F9C] =	sst s0  }
0x18: {  	s0 =	sld [smem:$0x3F7F];
	_ =	swait.ge [sflag:s4], $0x0  }
0x19: {  	s7 =	sld [smem:$0x3F80]  }
0x1a: {  	s8 =	sadd.s32 $0xFFFFE003, lr  }
0x1b: {  	s9 =	sadd.s32 $0xFFFFFEF7, lr;
	s5 =	simm.s32 $0xFFFFFFFF;
	p2 =	slt.u32 s8, $0xFFFFF086  }
0x1c: {  	p1 =	slt.u32 s9, $0xF7A;
	s5 =	simm.s32 @!p2 $0x0  }
0x1d: {  	s5 =	simm.s32 @p1 $0x1;
	p0 =	seq.s32 s7, s2  }
0x1e: {  	s7 =	smul.u32 @!p0 $0xF7A, s2;
	p2 =	seq.s32 @!p0 s5, $0x0  }
0x1f: {  	s9 =	smul.u32 $0xF7A, s1;
	s8 =	simm.s32 @!p0 $0x1BF5;
	p2 =	por !p2, p0  }
0x20: {  	[sflag:s8] =	ssyncset.s32 @!p0 $0xFFFFF086;
	s6 =	sadd.s32 @!p0 s3, s7;
	s7 =	simm.s32 @!p0 $0x108  }
0x21: {  	s3 =	sadd.s32 s3, s9;
	s6 =	sadd.s32 @!p0 $0x88, s6;
	s7 =	simm.s32 @p2 $0x1082  }
0x22: {  	[simem:s7], [sflag:s8] =	dma.local @!p0 [hbm:s6], $0xF7A  }
0x23: {  	s9 =	sor.u32 $0xD0000000, s2;
	s6 =	simm.s32 $0x108;
	_ =	swait.ge @!p0 [sflag:s8], $0x0  }
0x24: {  	s3 =	sadd.s32 $0x88, s3;
	s6 =	simm.s32 @!p1 $0x1082;
	[sflag:s4] =	ssyncset.s32 $0xFFFFF086  }
0x25: {  	[simem:s6], [sflag:s4] =	dma.local [hbm:s3], $0xF7A  }
0x26: {  	[smem:$0x3F80] =	sst s1;
	(tag) =	ssettag s2;
	_ =	strace s9  }
0x27: {  	s1 =	sld [smem:$0x3F90]  }
0x28: {  	s2 =	sld [smem:$0x3F91]  }
0x29: {  	s4 =	sld [smem:$0x3F93]  }
0x2a: {  	p0 =	seq.s32 s5, $0x0;
	s5 =	sld [smem:$0x3F94]  }
0x2b: {  	s6 =	sld [smem:$0x3F95]  }
0x2c: {  	s7 =	sld [smem:$0x3F96]  }
0x2d: {  	s3 =	simm.s32 $0x108;
	s8 =	sld [smem:$0x3F97]  }
0x2e: {  	s3 =	simm.s32 @!p0 $0x1082;
	s9 =	sld [smem:$0x3F98]  }
0x2f: {  	lr =	sadd.s32 s0, s3;
	s0 =	sld [smem:$0x3F8F]  }
0x30: {  	s3 =	sld [smem:$0x3F92]  }
0x31: {  	[smem:$0x3F9B] =	sst s10  }
0x32: {  	s10 =	sld [smem:$0x3F99];
	_ =	sdelay $0x3  }
0x33: {  	p0 =	seq.s32 s10, $0x1;
	s10 =	sld [smem:$0x3F9B];
	_ =	sdelay $0x3  }
0x34: {  	[smem:$0x3F9B] =	sst s10  }
0x35: {  	s10 =	sld [smem:$0x3F9A];
	_ =	sdelay $0x3  }
0x36: {  	p1 =	seq.s32 s10, $0x1;
	s10 =	sld [smem:$0x3F9B];
	_ =	sdelay $0x3  }
0x37: {  	[smem:$0x3F9B] =	sst s10  }
0x38: {  	s10 =	sld [smem:$0x3F9C]  }
0x39: {  	_ = 	snop;
	(pc) =	sbr.ind lr, $3  }
0x3a: {  	_ = 	snop  }
0x3b: {  	_ = 	snop  }
0x3c: {  	p2 =	seq.s32 s10, $0x1;
	s10 =	sld [smem:$0x3F9B]  }
0x3d: {  	_ =	shalt  }
0x3e: {  	_ =	shalt  }
0x3f: {  	_ =	shalt  }
0x40: {  	_ =	shalt  }
0x41: {  	_ =	shalt  }
0x42: {  	_ =	shalt  }
0x43: {  	_ =	shalt  }
0x44: {  	_ =	shalt  }
0x45: {  	_ =	shalt  }
0x46: {  	_ =	shalt  }
0x47: {  	_ =	shalt  }
0x48: {  	_ =	shalt  }
0x49: {  	_ =	shalt  }
0x4a: {  	_ =	shalt  }
0x4b: {  	_ =	shalt  }
0x4c: {  	_ =	shalt  }
0x4d: {  	_ =	shalt  }
0x4e: {  	_ =	shalt  }
0x4f: {  	_ =	shalt  }
0x50: {  	_ =	shalt  }
0x51: {  	_ =	shalt  }
0x52: {  	_ =	shalt  }
0x53: {  	_ =	shalt  }
0x54: {  	_ =	shalt  }
0x55: {  	_ =	shalt  }
0x56: {  	_ =	shalt  }
0x57: {  	_ =	shalt  }
0x58: {  	_ =	shalt  }
0x59: {  	_ =	shalt  }
0x5a: {  	_ =	shalt  }
0x5b: {  	_ =	shalt  }
0x5c: {  	_ =	shalt  }
0x5d: {  	_ =	shalt  }
0x5e: {  	_ =	shalt  }
0x5f: {  	_ =	shalt  }
0x60: {  	_ =	shalt  }
0x61: {  	_ =	shalt  }
0x62: {  	_ =	shalt  }
0x63: {  	_ =	shalt  }
0x64: {  	_ =	shalt  }
0x65: {  	_ =	shalt  }
0x66: {  	_ =	shalt  }
0x67: {  	_ =	shalt  }
0x68: {  	_ =	shalt  }
0x69: {  	_ =	shalt  }
0x6a: {  	_ =	shalt  }
0x6b: {  	_ =	shalt  }
0x6c: {  	_ =	shalt  }
0x6d: {  	_ =	shalt  }
0x6e: {  	_ =	shalt  }
0x6f: {  	_ =	shalt  }
0x70: {  	_ =	shalt  }
0x71: {  	_ =	shalt  }
0x72: {  	_ =	shalt  }
0x73: {  	_ =	shalt  }
0x74: {  	_ =	shalt  }
0x75: {  	_ =	shalt  }
0x76: {  	_ =	shalt  }
0x77: {  	_ =	shalt  }
0x78: {  	_ =	shalt  }
0x79: {  	_ =	shalt  }
0x7a: {  	_ =	shalt  }
0x7b: {  	_ =	shalt  }
0x7c: {  	_ =	shalt  }
0x7d: {  	_ =	shalt  }
0x7e: {  	_ =	shalt  }
0x7f: {  	_ =	shalt  }
0x80: {  	_ =	shalt  }
0x81: {  	_ =	shalt  }
0x82: {  	_ =	shalt  }
0x83: {  	_ =	shalt  }
0x84: {  	_ =	shalt  }
0x85: {  	_ =	shalt  }
0x86: {  	_ =	shalt  }
0x87: {  	_ =	shalt  }
.Lfunc_end0:
.L_simem_size_0:
called_computation.2_lowered:
.L_overlay_start_0:
0x88: {  	s2 =	sld [smem:$0x3FD9]  }
0x89: {  	s3 =	sld [smem:$0x3FFE];
	_ =	sdelay $0x1  }
0x8a: {  	s1 =	srdreg.scid  }
0x8b: {  	s0 =	sand.u32 $0x1, s1  }
0x8c: {  	s16 =	sshll.u32 s0, $0xA;
	s2 =	sadd.s32 s3, s2  }
0x8d: {  	s2 =	sadd.s32 s2, s16  }
0x8e: {  	[smem:$0x3FA7] =	sst s2  }
0x8f: {  	_ = 	snop  }
0x90: {  	(tm) =	ssettm $0x1  }
0x91: {  	s17 =	sld [smem:$0x3FFB];
	_ =	sdelay $0x3  }
0x92: {  	_ =	strace s17  }
0x93: {  	s2 =	sld [smem:$0x3FFC];
	_ =	sdelay $0x3  }
0x94: {  	_ =	strace s2  }
0x95: {  	s2 =	sld [smem:$0x3FFD];
	_ =	sdelay $0x3  }
0x96: {  	_ =	strace s2  }
0x97: {  	_ =	strace $0x8FFFFFFF  }
0x98: {  	s18 =	sld [smem:$0x3FDB];
	_ =	sdelay $0x1  }
0x99: {  	s19 =	simm.s32 $_scs_section_size  }
0x9a: {  	s4 =	simm.s32 $_size__tile_overlayer_lowered;
	s5 =	simm.s32 $_tile_overlayer_lowered  }
0x9b: {  	s22 =	simm.s32 $0x1BFF;
	s21 =	sshll.u32 s5, $0x1;
	s2 =	sadd.s32 s19, s18  }
0x9c: {  	s6 =	simm.s32 $0x0;
	s20 =	sshll.u32 s4, $0x1;
	s4 =	sadd.s32 s21, s2  }
0x9d: {  	[timem:s6], [sflag:s22] =	dma.local [hbm:s4], s20  }
0x9e: {  	_ =	swait.ge [sflag:s22], s20  }
0x9f: {  	s3 =	ssub.s32 $0x0, s20;
	[sflag:s22] =	ssyncset.done $0x0  }
0xa0: {  	[sflag:s22] =	ssyncadd.s32 s3;
	_ =	sdelay $0x1  }
0xa1: {  	s23 =	simm.s32 $0x1B8B  }
0xa2: {  	_ =	swait.ge [sflag:s23], $0x1  }
0xa3: {  	[sflag:s23] =	ssyncset.done $0x0  }
0xa4: {  	s25 =	simm.s32 $0x1B8E;
	s24 =	sld [smem:$0x3FFE];
	[sflag:s23] =	ssyncadd.s32 $0xFFFFFFFF  }
0xa5: {  	s26 =	simm.s32 $execute0_lowered;
	[smem:$0x3FD2] =	sst s25  }
0xa6: {  	s4 =	sshll.u32 s26, $0x1;
	_ =	strace $0x80000049;
	[dreg:$0x1] =	wrdreg $0xFFFFFFFF  }
0xa7: {  	s28 =	simm.s32 $_size_execute0_lowered;
	s2 =	sadd.s32 s2, s4;
	[dreg:$0x0] =	wrdreg $0x0  }
0xa8: {  	s4 =	sshll.u32 s28, $0x1;
	[dreg:$0x2] =	wrdreg s2  }
0xa9: {  	[dreg:$0x3] =	wrdreg s4  }
0xaa: {  	[dreg:$0x4] =	wrdreg $0xC0  }
0xab: {  	_ =	task [dreg:s6], $0x5FFFF  }
0xac: {  	[dreg:$0x1] =	wrdreg $0xFFFFFFFF  }
0xad: {  	[dreg:$0x0] =	wrdreg $0x60  }
0xae: {  	[dreg:$0x2] =	wrdreg s24  }
0xaf: {  	[dreg:$0x3] =	wrdreg $0x68000  }
0xb0: {  	[dreg:$0x4] =	wrdreg $0xA  }
0xb1: {  	_ =	task.clear_ibuf [dreg:s6], $0x5FFFF;
	_ =	strace $0x90000049  }
0xb2: {  	s29 =	simm.s32 $0xA;
	_ =	strace $0x8000004B  }
0xb3: {  	_ =	swait.ge [sflag:s29], $0x1  }
0xb4: {  	[sflag:s29] =	ssyncadd.s32 $0xFFFFFFFF  }
0xb5: {  	_ =	strace $0x9000004B  }
0xb6: {  	_ =	sfence  }
0xb7: {  	s30 =	sld [smem:$0x0];
	_ =	sdelay $0x2  }
0xb8: {  	s31 =	sshll.u32 s1, $0xD;
	s1 =	sshrl.u32 s1, $0x2  }
0xb9: {  	s3 =	sand.u32 $0x4000, s31;
	s1 =	sadd.s32 s1, s30  }
0xba: {  	s0 =	sor.u32 s3, s0;
	s1 =	sshll.u32 s1, $0x11  }
0xbb: {  	s0 =	sor.u32 s1, s0  }
0xbc: {  	s0 =	sadd.s32 $0x8F2B, s0  }
0xbd: {  	[sflag:s0] =	ssyncadd.remote.s32 $0x1  }
0xbe: {  	_ =	sfence.sel $0xFFFF  }
0xbf: {  	[dreg:$0x0] =	wrdreg $0xFFFFFFFF;
	(pc) =	sbr.abs _section_cstart, $3  }
0xc0: {  	[dreg:$0x1] =	wrdreg $0xFFFFFFFF  }
0xc1: {  	_ =	task.clear_ibuf [dreg:s6], $0x2FFFF;
	_ =	strace $0x9FFFFFFF  }
0xc2: {  	(tm) =	ssettm $0x7FFFFFFF  }
0xc3: {  	_ =	shalt  }
tec
execute0_lowered:
.L_overlay_start_1:
0x0: {  	(tag) =	ssettag $0x1  }
0x1: {  	s6 =	rddreg [dreg:$0x0]  }
0x2: {  	s2 =	rddreg [dreg:$0x1]  }
0x3: {  	s0 =	rddreg [dreg:$0x2]  }
0x4: {  	s1 =	stileid.u32;
	s4 =	srdreg.scid  }
0x5: {  	s3 =	simm.s32 $0x0;
	s17 =	simm.s32 $0x0;
	s5 =	smul.u32 $0x4E200, s1  }
0x6: {  	s7 =	sand.u32 $0x1, s4;
	[smem:$0x7FF] =	sst s3;
	s9 =	smul.u32 $0x4E000, s1  }
0x7: {  	s24 =	sshll.u32 s1, $0xC;
	s11 =	sadd.s32 $0xA1C00, s6;
	s14 =	smul.u32 $0x13800, s1  }
0x8: {  	s15 =	sadd.s32 $0x138000, s2;
	p0 =	sne.s32 s1, $0xF;
	s8 =	sshll.u32 s7, $0xB  }
0x9: {  	s29 =	sshll.u32 s1, $0x6;
	_ =	strace $0x8000004A;
	s28 =	smul.u32 $0x138800, s7  }
0xa: {  	s25 =	ssub.s32 $0x2, s7;
	s16 =	smul.u32 $0x27100, s7;
	s10 =	sadd.s32 s5, s6  }
0xb: {  	s4 =	sor.u32 s8, s24;
	s12 =	sshrl.u32 s25, $0x1;
	s26 =	sshrl.u32 s9, $0x2  }
0xc: {  	s5 =	sor.u32 $0x1C01, s29;
	s8 =	sadd.s32 s4, s6;
	s4 =	sadd.s32 $0x2C800, s6  }
0xd: {  	s12 =	ssub.s32 s25, s12;
	s13 =	sadd.s32 s26, s2;
	s6 =	sadd.s32 $0x2EF00, s6  }
0xe: {  	s14 =	sadd.s32 s14, s28;
	s9 =	sshrl.u32 s28, $0x3;
	s31 =	sadd.s32 s16, s10  }
0xf: {  	s16 =	simm.s32 $0x50;
	s7 =	sadd.s32 $0x201400, s8;
	s30 =	sshrl.u32 s14, $0x3  }
0x10: {  	s9 =	sadd.s32 s11, s9;
	s10 =	smax.u32 s12, $0x1;
	s12 =	sshrl.u32 s13, $0x3  }
0x11: {  	s13 =	simm.s32 $0x1;
	s14 =	sshrl.u32 @!p0 s15, $0x3;
	s15 =	simm.s32 $0x4000  }
0x12: {  	s8 =	sadd.s32 s11, s30;
	s9 =	sadd.s32 $0x27000, s9;
	s11 =	sadd.s32 $0x1AD9600, s31  }
.LBB2_1:
0x13: {  	[spmem:s12], [sflag:s5] =	dma.local [hbm:s4], $0x2700  }
0x14: {  	_ =	swait.ge [sflag:s13], $0x2700  }
0x15: {  	[sflag:s13] =	ssyncset.done $0x0  }
0x16: {  	s18 =	simm.s32 @!p0 $0x1;
	[sflag:s13] =	ssyncadd.s32 $0xFFFFD900  }
0x17: {  	[spmem:s14], [sflag:s5] =	dma.local @!p0 [hbm:s6], $0x100  }
0x18: {  	_ =	swait.ge @!p0 [sflag:s18], $0x100  }
0x19: {  	[sflag:s18] =	ssyncset.done @!p0 $0x0  }
0x1a: {  	[sflag:s18] =	ssyncadd.s32 @!p0 $0xFFFFFF00  }
0x1b: {  	[bflag:$0x0] =	sbarrier.arrive $0xFFFF  }
0x1c: {  	[tilespmem:s3], [sflag:$0x1] =	stream.linear.gather [hbm4b:s7+s3], $0x3E80, $0x38;
	[tilespmem:$0x1A080] =	vst v63  }
0x1d: {  	_ =	swait.ge [sflag:s13], $0x3E80  }
0x1e: {  	[sflag:s13] =	ssyncset.done $0x0  }
0x1f: {  	[sflag:s13] =	ssyncadd.s32 $0xFFFFC180  }
0x20: {  	[tilespmem:s15], [sflag:$0x1] =	stream.linear.gather [hbm4b:s11+s3], $0x2800, $0x38;
	[tilespmem:$0x1A080] =	vst v63  }
0x21: {  	_ =	swait.ge [sflag:s13], $0x2800  }
0x22: {  	[sflag:s13] =	ssyncset.done $0x0  }
0x23: {  	s31 =	simm.s32 $0x0;
	[sflag:s13] =	ssyncadd.s32 $0xFFFFD800  }
0x24: {  	[spmem:s2] =	stream.indirect.scatter.add.f32 [tilespmem:s15], [sflag:$0x1], $0x80, s31, s16, $0xb8;
	[tilespmem:$0x1A080] =	vst v63  }
0x25: {  	_ =	swait.ge [sflag:s13], $0x2800  }
0x26: {  	s19 =	smov.u32 s11;
	s18 =	simm.s32 $0x200;
	[sflag:s13] =	ssyncset.done $0x0  }
.LBB2_2:
0x27: {  	p1 =	sne.s32 s18, $0xF800;
	[sflag:s13] =	ssyncadd.s32 $0xFFFFD800;
	s19 =	sadd.s32 $0x500, s19  }
0x28: {  	[tilespmem:s15], [sflag:$0x1] =	stream.linear.gather [hbm4b:s19+s3], $0x2800, $0x38;
	[tilespmem:$0x1A080] =	vst v63  }
0x29: {  	s20 =	smov.u32 s18;
	s18 =	sadd.s32 $0x200, s18;
	_ =	swait.ge [sflag:s13], $0x2800  }
.Ltmp0:
0x2a: {  	[sflag:s13] =	ssyncset.done $0x0;
	(pc) =	sbr.rel @p1 .LBB2_2-.Ltmp0, $4  }
0x2b: {  	s20 =	sshra.s32 s20, $0x2;
	[sflag:s13] =	ssyncadd.s32 $0xFFFFD800  }
0x2c: {  	[spmem:s2] =	stream.indirect.scatter.add.f32 [tilespmem:s15], [sflag:$0x1], $0x80, s20, s16, $0xb8;
	[tilespmem:$0x1A080] =	vst v63  }
0x2d: {  	_ =	swait.ge [sflag:s13], $0x2800  }
0x2e: {  	[sflag:s13] =	ssyncset.done $0x0  }
0x2f: {  	[sflag:s13] =	ssyncadd.s32 $0xFFFFD800  }
0x30: {  	[bflag:$0x0] =	sbarrier.arrive $0xFFFF  }
0x31: {  	[hbm:s8], [sflag:s5] =	dma.local [spmem:s12], $0x2700  }
0x32: {  	s17 =	sadd.s32 $0x1, s17;
	_ =	swait.ge [sflag:s13], $0x2700  }
0x33: {  	p1 =	sne.s32 s17, s10;
	[sflag:s13] =	ssyncset.done $0x0  }
.Ltmp1:
0x34: {  	s18 =	simm.s32 @!p0 $0x1;
	[sflag:s13] =	ssyncadd.s32 $0xFFFFD900;
	(pc) =	sbr.rel @p1 .LBB2_1-.Ltmp1, $4  }
0x35: {  	[hbm:s9], [sflag:s5] =	dma.local @!p0 [spmem:s14], $0x100  }
0x36: {  	_ =	swait.ge @!p0 [sflag:s18], $0x100  }
0x37: {  	[sflag:s18] =	ssyncset.done @!p0 $0x0  }
0x38: {  	[sflag:s18] =	ssyncadd.s32 @!p0 $0xFFFFFF00  }
0x39: {  	_ =	sfence.sel $0x180000  }
0x3a: {  	[bflag:$0x0] =	sbarrier.arrive $0xFFFF  }
0x3b: {  	p0 =	sne.s32 s1, $0x0;
	_ =	strace $0x9000004A  }
0x3c: {  	s0 =	sadd.s32 @!p0 $0x100000, s0;
	[bflag:$0x2] =	sbarrier.arrive $0xFFFF  }
0x3d: {  	[sflag:s0] =	ssyncadd.tile.s32 @!p0 $0x1;
	_ =	shalt  }
.Lfunc_end2:
_tile_overlayer_lowered:
.L_overlay_start_2:
0x3e: {  	(tag) =	ssettag $0x2  }
0x3f: {  	s0 =	rddreg [dreg:$0x0];
	s2 =	stileid.u32  }
0x40: {  	s1 =	rddreg [dreg:$0x1];
	p0 =	sne.s32 s2, $0x0  }
0x41: {  	s3 =	rddreg [dreg:$0x2];
	[bflag:$0x3] =	sbarrier.arrive $0xFFFF;
	s2 =	simm.s32 @!p0 $0x1C01  }
0x42: {  	[timem:s3], [sflag:s2] =	dma.local @!p0 [hbm:s0], s1  }
0x43: {  	s0 =	simm.s32 @!p0 $0x1  }
0x44: {  	_ =	swait.ge @!p0 [sflag:s0], s1  }
0x45: {  	s1 =	ssub.s32 @!p0 $0x0, s1;
	[sflag:s0] =	ssyncset.done @!p0 $0x0  }
0x46: {  	[sflag:s0] =	ssyncadd.s32 @!p0 s1  }
0x47: {  	[bflag:$0x3] =	sbarrier.arrive $0xFFFF  }
0x48: {  	_ =	shalt  }

// kernel: kernel.8.cloned.1.call-start
scs
__scs_entry_jumppad:
0x0: {  	(pc) =	sbr.rel $0x88, $3  }
0x1: {  	(tag) =	ssettag $0x0;
	lr =	simm.s32 $0x1  }
0x2: {  	[smem:$0x3F80] =	sst lr;
	_ =	strace $0xD0000000  }
0x3: {  	_ = 	snop  }
0x4: {  	_ = 	snop  }
0x5: {  	_ = 	snop  }
0x6: {  	_ = 	snop  }
0x7: {  	_ = 	snop  }
__scs_overlays_trampoline_lowered:
0x8: {  	[smem:$0x3F8F] =	sst s0  }
0x9: {  	[smem:$0x3F90] =	sst s1  }
0xa: {  	[smem:$0x3F91] =	sst s2  }
0xb: {  	[smem:$0x3F92] =	sst s3  }
0xc: {  	[smem:$0x3F93] =	sst s4  }
0xd: {  	[smem:$0x3F94] =	sst s5  }
0xe: {  	[smem:$0x3F95] =	sst s6  }
0xf: {  	[smem:$0x3F96] =	sst s7  }
0x10: {  	[smem:$0x3F97] =	sst s8  }
0x11: {  	[smem:$0x3F98] =	sst s9;
	s0 =	simm.s32 @!p0 $0x0  }
0x12: {  	s1 =	sld [smem:$0x3F7E];
	s0 =	simm.s32 @p0 $0x1  }
0x13: {  	[smem:$0x3F99] =	sst s0;
	s0 =	simm.s32 @!p1 $0x0  }
0x14: {  	s2 =	sld [smem:$0x3F7D];
	s0 =	simm.s32 @p1 $0x1  }
0x15: {  	[smem:$0x3F9A] =	sst s0;
	s0 =	simm.s32 @!p2 $0x0  }
0x16: {  	s3 =	sld [smem:$0x3FDB];
	s0 =	simm.s32 @p2 $0x1  }
0x17: {  	s4 =	simm.s32 $0x1BF5;
	[smem:$0x3F9C] =	sst s0  }
0x18: {  	s0 =	sld [smem:$0x3F7F];
	_ =	swait.ge [sflag:s4], $0x0  }
0x19: {  	s7 =	sld [smem:$0x3F80]  }
0x1a: {  	s8 =	sadd.s32 $0xFFFFE003, lr  }
0x1b: {  	s9 =	sadd.s32 $0xFFFFFEF7, lr;
	s5 =	simm.s32 $0xFFFFFFFF;
	p2 =	slt.u32 s8, $0xFFFFF086  }
0x1c: {  	p1 =	slt.u32 s9, $0xF7A;
	s5 =	simm.s32 @!p2 $0x0  }
0x1d: {  	s5 =	simm.s32 @p1 $0x1;
	p0 =	seq.s32 s7, s2  }
0x1e: {  	s7 =	smul.u32 @!p0 $0xF7A, s2;
	p2 =	seq.s32 @!p0 s5, $0x0  }
0x1f: {  	s9 =	smul.u32 $0xF7A, s1;
	s8 =	simm.s32 @!p0 $0x1BF5;
	p2 =	por !p2, p0  }
0x20: {  	[sflag:s8] =	ssyncset.s32 @!p0 $0xFFFFF086;
	s6 =	sadd.s32 @!p0 s3, s7;
	s7 =	simm.s32 @!p0 $0x108  }
0x21: {  	s3 =	sadd.s32 s3, s9;
	s6 =	sadd.s32 @!p0 $0x88, s6;
	s7 =	simm.s32 @p2 $0x1082  }
0x22: {  	[simem:s7], [sflag:s8] =	dma.local @!p0 [hbm:s6], $0xF7A  }
0x23: {  	s9 =	sor.u32 $0xD0000000, s2;
	s6 =	simm.s32 $0x108;
	_ =	swait.ge @!p0 [sflag:s8], $0x0  }
0x24: {  	s3 =	sadd.s32 $0x88, s3;
	s6 =	simm.s32 @!p1 $0x1082;
	[sflag:s4] =	ssyncset.s32 $0xFFFFF086  }
0x25: {  	[simem:s6], [sflag:s4] =	dma.local [hbm:s3], $0xF7A  }
0x26: {  	[smem:$0x3F80] =	sst s1;
	(tag) =	ssettag s2;
	_ =	strace s9  }
0x27: {  	s1 =	sld [smem:$0x3F90]  }
0x28: {  	s2 =	sld [smem:$0x3F91]  }
0x29: {  	s4 =	sld [smem:$0x3F93]  }
0x2a: {  	p0 =	seq.s32 s5, $0x0;
	s5 =	sld [smem:$0x3F94]  }
0x2b: {  	s6 =	sld [smem:$0x3F95]  }
0x2c: {  	s7 =	sld [smem:$0x3F96]  }
0x2d: {  	s3 =	simm.s32 $0x108;
	s8 =	sld [smem:$0x3F97]  }
0x2e: {  	s3 =	simm.s32 @!p0 $0x1082;
	s9 =	sld [smem:$0x3F98]  }
0x2f: {  	lr =	sadd.s32 s0, s3;
	s0 =	sld [smem:$0x3F8F]  }
0x30: {  	s3 =	sld [smem:$0x3F92]  }
0x31: {  	[smem:$0x3F9B] =	sst s10  }
0x32: {  	s10 =	sld [smem:$0x3F99];
	_ =	sdelay $0x3  }
0x33: {  	p0 =	seq.s32 s10, $0x1;
	s10 =	sld [smem:$0x3F9B];
	_ =	sdelay $0x3  }
0x34: {  	[smem:$0x3F9B] =	sst s10  }
0x35: {  	s10 =	sld [smem:$0x3F9A];
	_ =	sdelay $0x3  }
0x36: {  	p1 =	seq.s32 s10, $0x1;
	s10 =	sld [smem:$0x3F9B];
	_ =	sdelay $0x3  }
0x37: {  	[smem:$0x3F9B] =	sst s10  }
0x38: {  	s10 =	sld [smem:$0x3F9C]  }
0x39: {  	_ = 	snop;
	(pc) =	sbr.ind lr, $3  }
0x3a: {  	_ = 	snop  }
0x3b: {  	_ = 	snop  }
0x3c: {  	p2 =	seq.s32 s10, $0x1;
	s10 =	sld [smem:$0x3F9B]  }
0x3d: {  	_ =	shalt  }
0x3e: {  	_ =	shalt  }
0x3f: {  	_ =	shalt  }
0x40: {  	_ =	shalt  }
0x41: {  	_ =	shalt  }
0x42: {  	_ =	shalt  }
0x43: {  	_ =	shalt  }
0x44: {  	_ =	shalt  }
0x45: {  	_ =	shalt  }
0x46: {  	_ =	shalt  }
0x47: {  	_ =	shalt  }
0x48: {  	_ =	shalt  }
0x49: {  	_ =	shalt  }
0x4a: {  	_ =	shalt  }
0x4b: {  	_ =	shalt  }
0x4c: {  	_ =	shalt  }
0x4d: {  	_ =	shalt  }
0x4e: {  	_ =	shalt  }
0x4f: {  	_ =	shalt  }
0x50: {  	_ =	shalt  }
0x51: {  	_ =	shalt  }
0x52: {  	_ =	shalt  }
0x53: {  	_ =	shalt  }
0x54: {  	_ =	shalt  }
0x55: {  	_ =	shalt  }
0x56: {  	_ =	shalt  }
0x57: {  	_ =	shalt  }
0x58: {  	_ =	shalt  }
0x59: {  	_ =	shalt  }
0x5a: {  	_ =	shalt  }
0x5b: {  	_ =	shalt  }
0x5c: {  	_ =	shalt  }
0x5d: {  	_ =	shalt  }
0x5e: {  	_ =	shalt  }
0x5f: {  	_ =	shalt  }
0x60: {  	_ =	shalt  }
0x61: {  	_ =	shalt  }
0x62: {  	_ =	shalt  }
0x63: {  	_ =	shalt  }
0x64: {  	_ =	shalt  }
0x65: {  	_ =	shalt  }
0x66: {  	_ =	shalt  }
0x67: {  	_ =	shalt  }
0x68: {  	_ =	shalt  }
0x69: {  	_ =	shalt  }
0x6a: {  	_ =	shalt  }
0x6b: {  	_ =	shalt  }
0x6c: {  	_ =	shalt  }
0x6d: {  	_ =	shalt  }
0x6e: {  	_ =	shalt  }
0x6f: {  	_ =	shalt  }
0x70: {  	_ =	shalt  }
0x71: {  	_ =	shalt  }
0x72: {  	_ =	shalt  }
0x73: {  	_ =	shalt  }
0x74: {  	_ =	shalt  }
0x75: {  	_ =	shalt  }
0x76: {  	_ =	shalt  }
0x77: {  	_ =	shalt  }
0x78: {  	_ =	shalt  }
0x79: {  	_ =	shalt  }
0x7a: {  	_ =	shalt  }
0x7b: {  	_ =	shalt  }
0x7c: {  	_ =	shalt  }
0x7d: {  	_ =	shalt  }
0x7e: {  	_ =	shalt  }
0x7f: {  	_ =	shalt  }
0x80: {  	_ =	shalt  }
0x81: {  	_ =	shalt  }
0x82: {  	_ =	shalt  }
0x83: {  	_ =	shalt  }
0x84: {  	_ =	shalt  }
0x85: {  	_ =	shalt  }
0x86: {  	_ =	shalt  }
0x87: {  	_ =	shalt  }
.Lfunc_end0:
.L_simem_size_0:
called_computation_lowered:
.L_overlay_start_0:
0x88: {  	s2 =	sld [smem:$0x3FD9]  }
0x89: {  	s3 =	sld [smem:$0x3FFE];
	_ =	sdelay $0x1  }
0x8a: {  	s1 =	srdreg.scid  }
0x8b: {  	s0 =	sand.u32 $0x1, s1  }
0x8c: {  	s16 =	sshll.u32 s0, $0xA;
	s2 =	sadd.s32 s3, s2  }
0x8d: {  	s2 =	sadd.s32 s2, s16  }
0x8e: {  	[smem:$0x3FA7] =	sst s2  }
0x8f: {  	_ = 	snop  }
0x90: {  	(tm) =	ssettm $0x1  }
0x91: {  	s17 =	sld [smem:$0x3FFB];
	_ =	sdelay $0x3  }
0x92: {  	_ =	strace s17  }
0x93: {  	s2 =	sld [smem:$0x3FFC];
	_ =	sdelay $0x3  }
0x94: {  	_ =	strace s2  }
0x95: {  	s2 =	sld [smem:$0x3FFD];
	_ =	sdelay $0x3  }
0x96: {  	_ =	strace s2  }
0x97: {  	_ =	strace $0x8FFFFFFF  }
0x98: {  	s18 =	sld [smem:$0x3FDB];
	_ =	sdelay $0x1  }
0x99: {  	s19 =	simm.s32 $_scs_section_size  }
0x9a: {  	s4 =	simm.s32 $_size__tile_overlayer_lowered;
	s5 =	simm.s32 $_tile_overlayer_lowered  }
0x9b: {  	s22 =	simm.s32 $0x1BFF;
	s21 =	sshll.u32 s5, $0x1;
	s2 =	sadd.s32 s19, s18  }
0x9c: {  	s6 =	simm.s32 $0x0;
	s20 =	sshll.u32 s4, $0x1;
	s4 =	sadd.s32 s21, s2  }
0x9d: {  	[timem:s6], [sflag:s22] =	dma.local [hbm:s4], s20  }
0x9e: {  	_ =	swait.ge [sflag:s22], s20  }
0x9f: {  	s3 =	ssub.s32 $0x0, s20;
	[sflag:s22] =	ssyncset.done $0x0  }
0xa0: {  	[sflag:s22] =	ssyncadd.s32 s3;
	_ =	sdelay $0x1  }
0xa1: {  	s23 =	simm.s32 $0x1B8B  }
0xa2: {  	_ =	swait.ge [sflag:s23], $0x1  }
0xa3: {  	[sflag:s23] =	ssyncset.done $0x0  }
0xa4: {  	s25 =	simm.s32 $0x1B8E;
	s24 =	sld [smem:$0x3FFE];
	[sflag:s23] =	ssyncadd.s32 $0xFFFFFFFF  }
0xa5: {  	s26 =	simm.s32 $execute0_lowered;
	[smem:$0x3FD2] =	sst s25  }
0xa6: {  	s4 =	sshll.u32 s26, $0x1;
	_ =	strace $0x80000046;
	[dreg:$0x1] =	wrdreg $0xFFFFFFFF  }
0xa7: {  	s28 =	simm.s32 $_size_execute0_lowered;
	s2 =	sadd.s32 s2, s4;
	[dreg:$0x0] =	wrdreg $0x0  }
0xa8: {  	s4 =	sshll.u32 s28, $0x1;
	[dreg:$0x2] =	wrdreg s2  }
0xa9: {  	[dreg:$0x3] =	wrdreg s4  }
0xaa: {  	[dreg:$0x4] =	wrdreg $0xC0  }
0xab: {  	_ =	task [dreg:s6], $0x5FFFF  }
0xac: {  	[dreg:$0x1] =	wrdreg $0xFFFFFFFF  }
0xad: {  	[dreg:$0x0] =	wrdreg $0x60  }
0xae: {  	[dreg:$0x2] =	wrdreg s24  }
0xaf: {  	[dreg:$0x3] =	wrdreg $0x9  }
0xb0: {  	_ =	task.clear_ibuf [dreg:s6], $0x4FFFF;
	_ =	strace $0x90000046  }
0xb1: {  	s29 =	simm.s32 $0x9;
	_ =	strace $0x80000048  }
0xb2: {  	_ =	swait.ge [sflag:s29], $0x1  }
0xb3: {  	[sflag:s29] =	ssyncadd.s32 $0xFFFFFFFF  }
0xb4: {  	_ =	strace $0x90000048  }
0xb5: {  	_ =	sfence  }
0xb6: {  	s30 =	sld [smem:$0x0];
	_ =	sdelay $0x2  }
0xb7: {  	s31 =	sshll.u32 s1, $0xD;
	s1 =	sshrl.u32 s1, $0x2  }
0xb8: {  	s3 =	sand.u32 $0x4000, s31;
	s1 =	sadd.s32 s1, s30  }
0xb9: {  	s0 =	sor.u32 s3, s0;
	s1 =	sshll.u32 s1, $0x11  }
0xba: {  	s0 =	sor.u32 s1, s0  }
0xbb: {  	s0 =	sadd.s32 $0x8F2B, s0  }
0xbc: {  	[sflag:s0] =	ssyncadd.remote.s32 $0x1  }
0xbd: {  	_ =	sfence.sel $0xFFFF  }
0xbe: {  	[dreg:$0x0] =	wrdreg $0xFFFFFFFF;
	(pc) =	sbr.abs _section_cstart, $3  }
0xbf: {  	[dreg:$0x1] =	wrdreg $0xFFFFFFFF  }
0xc0: {  	_ =	task.clear_ibuf [dreg:s6], $0x2FFFF;
	_ =	strace $0x9FFFFFFF  }
0xc1: {  	(tm) =	ssettm $0x7FFFFFFF  }
tec
execute0_lowered:
.L_overlay_start_1:
0x0: {  	(tag) =	ssettag $0x1  }
0x1: {  	s0 =	rddreg [dreg:$0x0];
	s1 =	srdreg.scid  }
0x2: {  	s10 =	stileid.u32;
	s2 =	simm.s32 $0x0;
	s11 =	simm.s32 $0x4000  }
0x3: {  	s12 =	simm.s32 $0x4800;
	s13 =	simm.s32 $0x5000;
	s14 =	simm.s32 $0x5800  }
0x4: {  	s15 =	simm.s32 $0x6000;
	s16 =	simm.s32 $0x6800;
	s17 =	simm.s32 $0x7000  }
0x5: {  	s18 =	simm.s32 $0x7800;
	s19 =	simm.s32 $0x8000;
	s20 =	simm.s32 $0x8800  }
0x6: {  	s21 =	simm.s32 $0x1;
	s22 =	simm.s32 $0x9000;
	s28 =	simm.s32 $0xB800  }
0x7: {  	s29 =	simm.s32 $0xC000;
	s30 =	simm.s32 $0xC800;
	s31 =	simm.s32 $0xD000  }
0x8: {  	s1 =	sand.u32 $0x1, s1;
	s3 =	sshll.u32 s10, $0x1;
	s4 =	sadd.s32 $0x221400, s0  }
0x9: {  	[smem:$0x7FF] =	sst s2;
	s7 =	sadd.s32 $0x26F600, s0;
	s10 =	smul.u32 $0x9C400, s10  }
0xa: {  	s5 =	sor.u32 s1, s3;
	_ =	strace $0x80000047;
	s3 =	sadd.s32 $0x2C800, s0  }
0xb: {  	s8 =	ssub.s32 $0x2, s1;
	s1 =	smul.u32 $0x4E200, s1;
	s6 =	sshll.u32 s5, $0xB  }
0xc: {  	s5 =	smul.u32 $0x271000, s5;
	s9 =	sshrl.u32 s8, $0x1;
	s24 =	sadd.s32 s10, s7  }
0xd: {  	s6 =	sadd.s32 s6, s0;
	s0 =	sadd.s32 $0xC33600, s0;
	s8 =	ssub.s32 s8, s9  }
0xe: {  	s25 =	sadd.s32 s1, s24;
	s24 =	simm.s32 $0xA000;
	s5 =	sshrl.u32 s5, $0x3  }
0xf: {  	s23 =	sadd.s32 $0x211400, s6;
	s26 =	sadd.s32 s10, s0;
	s6 =	sadd.s32 $0x201400, s6  }
0x10: {  	[dreg:$0x2] =	wrdreg s25;
	s9 =	smax.u32 s8, $0x1;
	s10 =	simm.s32 $0x3  }
0x11: {  	s25 =	simm.s32 $0xA800;
	[dreg:$0x4] =	wrdreg s23;
	s5 =	sadd.s32 $0x4D800, s5  }
0x12: {  	[dreg:$0x6] =	wrdreg s6;
	s1 =	sadd.s32 s1, s26;
	s23 =	simm.s32 $0x9800  }
0x13: {  	v2 =	vlaneseq.u32;
	s26 =	simm.s32 $0xB000;
	s7 =	sadd.s32 s7, s5;
	[dreg:$0x3] =	wrdreg s1  }
0x14: {  	vm0 =	vmmov $0xffff;
	v1 =	vshrl.u32 v2, $0x3;
	s0 =	sadd.s32 s0, s5;
	s1 =	simm.s32 $0x2;
	[dreg:$0x5] =	wrdreg s7  }
0x15: {  	v0 =	vand.u32 $0x7, v2;
	v2 =	vor.u32 $0x8, v2;
	v1 =	vmul.u32 $0x8, v1;
	s5 =	simm.s32 $0x0;
	[dreg:$0x7] =	wrdreg s0;
	s0 =	simm.s32 $0xD800  }
.LBB2_1:
0x16: {  	s6 =	rddreg [dreg:$0x4]  }
0x17: {  	[tilespmem:s2], [sflag:$0x3] =	stream.linear.gather [hbm4b:s6+s2], $0x3E80, $0x38;
	[tilespmem:$0xE000] =	vst v63  }
0x18: {  	_ =	swait.ge [sflag:s10], $0x3E80  }
0x19: {  	[sflag:s10] =	ssyncset.done $0x0  }
0x1a: {  	[sflag:s10] =	ssyncadd.s32 $0xFFFFC180  }
0x1b: {  	v3 =	vld [tilespmem:$0x0];
	_ =	sdelay $0x4  }
0x1c: {  	v4 =	vshll.u32 v3, $0x1  }
0x1d: {  	v3 =	vand.u32 $0x7, v3;
	v4 =	vand.u32 $0xFFFFFFF0, v4  }
0x1e: {  	v3 =	vor.u32 v3, v4  }
0x1f: {  	v4 =	vperm.xlane v3, v0;
	_ =	sdelay $0x1  }
0x20: {  	v3 =	vperm.xlane v3, v2;
	v4 =	vadd.s32 v1, v4;
	_ =	sdelay $0x1  }
0x21: {  	v3 =	vadd.s32 v1, v3;
	_ =	sdelay $0x2  }
0x22: {  	[tilespmem:s11], [sflag:$0x1] =	stream.indirect_vreg.gather [hbm4b:s3+s2], $0x80, v4, vm0, $0xb8;
	[tilespmem:$0xE000] =	vst v63  }
0x23: {  	_ = 	snop  }
0x24: {  	[tilespmem:s12], [sflag:$0x1] =	stream.indirect_vreg.gather [hbm4b:s3+s2], $0x80, v3, vm0, $0xb8;
	[tilespmem:$0xE000] =	vst v63  }
0x25: {  	v3 =	vld [tilespmem:$0x10];
	_ =	sdelay $0x4  }
0x26: {  	v60 =	vshll.u32 v3, $0x1  }
0x27: {  	v3 =	vand.u32 $0x7, v3;
	v4 =	vand.u32 $0xFFFFFFF0, v60  }
0x28: {  	v3 =	vor.u32 v3, v4  }
0x29: {  	v4 =	vperm.xlane v3, v0;
	_ =	sdelay $0x1  }
0x2a: {  	v3 =	vperm.xlane v3, v2;
	v4 =	vadd.s32 v1, v4;
	_ =	sdelay $0x1  }
0x2b: {  	v3 =	vadd.s32 v1, v3;
	_ =	sdelay $0x2  }
0x2c: {  	[tilespmem:s13], [sflag:$0x1] =	stream.indirect_vreg.gather [hbm4b:s3+s2], $0x80, v4, vm0, $0xb8;
	[tilespmem:$0xE000] =	vst v63  }
0x2d: {  	_ = 	snop  }
0x2e: {  	[tilespmem:s14], [sflag:$0x1] =	stream.indirect_vreg.gather [hbm4b:s3+s2], $0x80, v3, vm0, $0xb8;
	[tilespmem:$0xE000] =	vst v63  }
0x2f: {  	v3 =	vld [tilespmem:$0x20];
	_ =	sdelay $0x4  }
0x30: {  	v61 =	vshll.u32 v3, $0x1  }
0x31: {  	v3 =	vand.u32 $0x7, v3;
	v4 =	vand.u32 $0xFFFFFFF0, v61  }
0x32: {  	v3 =	vor.u32 v3, v4  }
0x33: {  	v4 =	vperm.xlane v3, v0;
	_ =	sdelay $0x1  }
0x34: {  	v3 =	vperm.xlane v3, v2;
	v4 =	vadd.s32 v1, v4;
	_ =	sdelay $0x1  }
0x35: {  	v3 =	vadd.s32 v1, v3;
	_ =	sdelay $0x2  }
0x36: {  	[tilespmem:s15], [sflag:$0x1] =	stream.indirect_vreg.gather [hbm4b:s3+s2], $0x80, v4, vm0, $0xb8;
	[tilespmem:$0xE000] =	vst v63  }
0x37: {  	_ = 	snop  }
0x38: {  	[tilespmem:s16], [sflag:$0x1] =	stream.indirect_vreg.gather [hbm4b:s3+s2], $0x80, v3, vm0, $0xb8;
	[tilespmem:$0xE000] =	vst v63  }
0x39: {  	v3 =	vld [tilespmem:$0x30];
	_ =	sdelay $0x4  }
0x3a: {  	v62 =	vshll.u32 v3, $0x1  }
0x3b: {  	v3 =	vand.u32 $0x7, v3;
	v4 =	vand.u32 $0xFFFFFFF0, v62  }
0x3c: {  	v3 =	vor.u32 v3, v4  }
0x3d: {  	v4 =	vperm.xlane v3, v0;
	_ =	sdelay $0x1  }
0x3e: {  	v3 =	vperm.xlane v3, v2;
	v4 =	vadd.s32 v1, v4;
	_ =	sdelay $0x1  }
0x3f: {  	v3 =	vadd.s32 v1, v3;
	_ =	sdelay $0x2  }
0x40: {  	[tilespmem:s17], [sflag:$0x1] =	stream.indirect_vreg.gather [hbm4b:s3+s2], $0x80, v4, vm0, $0xb8;
	[tilespmem:$0xE000] =	vst v63  }
0x41: {  	_ = 	snop  }
0x42: {  	[tilespmem:s18], [sflag:$0x1] =	stream.indirect_vreg.gather [hbm4b:s3+s2], $0x80, v3, vm0, $0xb8;
	[tilespmem:$0xE000] =	vst v63  }
0x43: {  	v3 =	vld [tilespmem:$0x40];
	_ =	sdelay $0x4  }
0x44: {  	v63 =	vshll.u32 v3, $0x1  }
0x45: {  	v3 =	vand.u32 $0x7, v3;
	v4 =	vand.u32 $0xFFFFFFF0, v63  }
0x46: {  	v3 =	vor.u32 v3, v4  }
0x47: {  	v4 =	vperm.xlane v3, v0;
	_ =	sdelay $0x1  }
0x48: {  	v3 =	vperm.xlane v3, v2;
	v4 =	vadd.s32 v1, v4;
	_ =	sdelay $0x1  }
0x49: {  	v3 =	vadd.s32 v1, v3;
	_ =	sdelay $0x2  }
0x4a: {  	[tilespmem:s19], [sflag:$0x1] =	stream.indirect_vreg.gather [hbm4b:s3+s2], $0x80, v4, vm0, $0xb8;
	[tilespmem:$0xE000] =	vst v63  }
0x4b: {  	s7 =	simm.s32 $0x0;
	s6 =	simm.s32 $0xA0  }
0x4c: {  	[tilespmem:s20], [sflag:$0x1] =	stream.indirect_vreg.gather [hbm4b:s3+s2], $0x80, v3, vm0, $0xb8;
	[tilespmem:$0xE000] =	vst v63  }
.LBB2_2:
0x4d: {  	_ =	swait.ge [sflag:s21], $0x5000  }
0x4e: {  	[sflag:s21] =	ssyncset.done $0x0  }
0x4f: {  	[sflag:s21] =	ssyncadd.s32 $0xFFFFB000  }
0x50: {  	v3 =	vld [tilespmem:s6+$0xFFFFFFE0];
	_ =	sdelay $0x4  }
0x51: {  	v4 =	vshll.u32 v3, $0x1  }
0x52: {  	v3 =	vand.u32 $0x7, v3;
	v4 =	vand.u32 $0xFFFFFFF0, v4  }
0x53: {  	v3 =	vor.u32 v3, v4  }
0x54: {  	v4 =	vperm.xlane v3, v0;
	_ =	sdelay $0x1  }
0x55: {  	v3 =	vperm.xlane v3, v2;
	v4 =	vadd.s32 v1, v4;
	_ =	sdelay $0x1  }
0x56: {  	v3 =	vadd.s32 v1, v3;
	_ =	sdelay $0x2  }
0x57: {  	[tilespmem:s22], [sflag:$0x2] =	stream.indirect_vreg.gather [hbm4b:s3+s2], $0x80, v4, vm0, $0xb8;
	[tilespmem:$0xE000] =	vst v63  }
0x58: {  	_ = 	snop  }
0x59: {  	[tilespmem:s23], [sflag:$0x2] =	stream.indirect_vreg.gather [hbm4b:s3+s2], $0x80, v3, vm0, $0xb8;
	[tilespmem:$0xE000] =	vst v63  }
0x5a: {  	v3 =	vld [tilespmem:s6+$0xFFFFFFF0];
	_ =	sdelay $0x4  }
0x5b: {  	v55 =	vshll.u32 v3, $0x1  }
0x5c: {  	v3 =	vand.u32 $0x7, v3;
	v4 =	vand.u32 $0xFFFFFFF0, v55  }
0x5d: {  	v3 =	vor.u32 v3, v4  }
0x5e: {  	v4 =	vperm.xlane v3, v0;
	_ =	sdelay $0x1  }
0x5f: {  	v3 =	vperm.xlane v3, v2;
	v4 =	vadd.s32 v1, v4;
	_ =	sdelay $0x1  }
0x60: {  	v3 =	vadd.s32 v1, v3;
	_ =	sdelay $0x2  }
0x61: {  	[tilespmem:s24], [sflag:$0x2] =	stream.indirect_vreg.gather [hbm4b:s3+s2], $0x80, v4, vm0, $0xb8;
	[tilespmem:$0xE000] =	vst v63  }
0x62: {  	_ = 	snop  }
0x63: {  	[tilespmem:s25], [sflag:$0x2] =	stream.indirect_vreg.gather [hbm4b:s3+s2], $0x80, v3, vm0, $0xb8;
	[tilespmem:$0xE000] =	vst v63  }
0x64: {  	v3 =	vld [tilespmem:s6+$0x0];
	_ =	sdelay $0x4  }
0x65: {  	v56 =	vshll.u32 v3, $0x1  }
0x66: {  	v3 =	vand.u32 $0x7, v3;
	v4 =	vand.u32 $0xFFFFFFF0, v56  }
0x67: {  	v3 =	vor.u32 v3, v4  }
0x68: {  	v4 =	vperm.xlane v3, v0;
	_ =	sdelay $0x1  }
0x69: {  	v3 =	vperm.xlane v3, v2;
	v4 =	vadd.s32 v1, v4;
	_ =	sdelay $0x1  }
0x6a: {  	v3 =	vadd.s32 v1, v3;
	_ =	sdelay $0x2  }
0x6b: {  	[tilespmem:s26], [sflag:$0x2] =	stream.indirect_vreg.gather [hbm4b:s3+s2], $0x80, v4, vm0, $0xb8;
	[tilespmem:$0xE000] =	vst v63  }
0x6c: {  	_ = 	snop  }
0x6d: {  	[tilespmem:s28], [sflag:$0x2] =	stream.indirect_vreg.gather [hbm4b:s3+s2], $0x80, v3, vm0, $0xb8;
	[tilespmem:$0xE000] =	vst v63  }
0x6e: {  	v3 =	vld [tilespmem:s6+$0x10];
	_ =	sdelay $0x4  }
0x6f: {  	v57 =	vshll.u32 v3, $0x1  }
0x70: {  	v3 =	vand.u32 $0x7, v3;
	v4 =	vand.u32 $0xFFFFFFF0, v57  }
0x71: {  	v3 =	vor.u32 v3, v4  }
0x72: {  	v4 =	vperm.xlane v3, v0;
	_ =	sdelay $0x1  }
0x73: {  	v3 =	vperm.xlane v3, v2;
	v4 =	vadd.s32 v1, v4;
	_ =	sdelay $0x1  }
0x74: {  	v3 =	vadd.s32 v1, v3;
	_ =	sdelay $0x2  }
0x75: {  	[tilespmem:s29], [sflag:$0x2] =	stream.indirect_vreg.gather [hbm4b:s3+s2], $0x80, v4, vm0, $0xb8;
	[tilespmem:$0xE000] =	vst v63  }
0x76: {  	_ = 	snop  }
0x77: {  	[tilespmem:s30], [sflag:$0x2] =	stream.indirect_vreg.gather [hbm4b:s3+s2], $0x80, v3, vm0, $0xb8;
	[tilespmem:$0xE000] =	vst v63  }
0x78: {  	v3 =	vld [tilespmem:s6+$0x20];
	_ =	sdelay $0x4  }
0x79: {  	v58 =	vshll.u32 v3, $0x1  }
0x7a: {  	v3 =	vand.u32 $0x7, v3;
	v4 =	vand.u32 $0xFFFFFFF0, v58  }
0x7b: {  	v3 =	vor.u32 v3, v4  }
0x7c: {  	v4 =	vperm.xlane v3, v0;
	_ =	sdelay $0x1  }
0x7d: {  	v3 =	vperm.xlane v3, v2;
	v4 =	vadd.s32 v1, v4;
	_ =	sdelay $0x1  }
0x7e: {  	v3 =	vadd.s32 v1, v3;
	_ =	sdelay $0x2  }
0x7f: {  	[tilespmem:s31], [sflag:$0x2] =	stream.indirect_vreg.gather [hbm4b:s3+s2], $0x80, v4, vm0, $0xb8;
	[tilespmem:$0xE000] =	vst v63  }
0x80: {  	s8 =	rddreg [dreg:$0x2]  }
0x81: {  	[tilespmem:s0], [sflag:$0x2] =	stream.indirect_vreg.gather [hbm4b:s3+s2], $0x80, v3, vm0, $0xb8;
	[tilespmem:$0xE000] =	vst v63  }
0x82: {  	s8 =	sadd.s32 s7, s8  }
0x83: {  	[hbm4b:s8+s2] =	stream.linear.scatter [tilespmem:s11], [sflag:$0x3], $0x5000, $0x38;
	[tilespmem:$0xE000] =	vst v63  }
0x84: {  	_ =	swait.ge [sflag:s10], $0x5000  }
0x85: {  	[sflag:s10] =	ssyncset.done $0x0  }
0x86: {  	[sflag:s10] =	ssyncadd.s32 $0xFFFFB000  }
0x87: {  	_ =	swait.ge [sflag:s1], $0x5000  }
0x88: {  	[sflag:s1] =	ssyncset.done $0x0  }
0x89: {  	[sflag:s1] =	ssyncadd.s32 $0xFFFFB000  }
0x8a: {  	v3 =	vld [tilespmem:s6+$0x60];
	_ =	sdelay $0x4  }
0x8b: {  	v59 =	vshll.u32 v3, $0x1  }
0x8c: {  	v3 =	vand.u32 $0x7, v3;
	v4 =	vand.u32 $0xFFFFFFF0, v59  }
0x8d: {  	v3 =	vor.u32 v3, v4  }
0x8e: {  	v4 =	vperm.xlane v3, v0;
	_ =	sdelay $0x1  }
0x8f: {  	v3 =	vperm.xlane v3, v2;
	v4 =	vadd.s32 v1, v4;
	_ =	sdelay $0x1  }
0x90: {  	v3 =	vadd.s32 v1, v3;
	_ =	sdelay $0x2  }
0x91: {  	[tilespmem:s11], [sflag:$0x1] =	stream.indirect_vreg.gather [hbm4b:s3+s2], $0x80, v4, vm0, $0xb8;
	[tilespmem:$0xE000] =	vst v63  }
0x92: {  	_ = 	snop  }
0x93: {  	[tilespmem:s12], [sflag:$0x1] =	stream.indirect_vreg.gather [hbm4b:s3+s2], $0x80, v3, vm0, $0xb8;
	[tilespmem:$0xE000] =	vst v63  }
0x94: {  	v3 =	vld [tilespmem:s6+$0x70];
	_ =	sdelay $0x4  }
0x95: {  	v60 =	vshll.u32 v3, $0x1  }
0x96: {  	v3 =	vand.u32 $0x7, v3;
	v4 =	vand.u32 $0xFFFFFFF0, v60  }
0x97: {  	v3 =	vor.u32 v3, v4  }
0x98: {  	v4 =	vperm.xlane v3, v0;
	_ =	sdelay $0x1  }
0x99: {  	v3 =	vperm.xlane v3, v2;
	v4 =	vadd.s32 v1, v4;
	_ =	sdelay $0x1  }
0x9a: {  	v3 =	vadd.s32 v1, v3;
	_ =	sdelay $0x2  }
0x9b: {  	[tilespmem:s13], [sflag:$0x1] =	stream.indirect_vreg.gather [hbm4b:s3+s2], $0x80, v4, vm0, $0xb8;
	[tilespmem:$0xE000] =	vst v63  }
0x9c: {  	_ = 	snop  }
0x9d: {  	[tilespmem:s14], [sflag:$0x1] =	stream.indirect_vreg.gather [hbm4b:s3+s2], $0x80, v3, vm0, $0xb8;
	[tilespmem:$0xE000] =	vst v63  }
0x9e: {  	v3 =	vld [tilespmem:s6+$0x80];
	_ =	sdelay $0x4  }
0x9f: {  	v61 =	vshll.u32 v3, $0x1  }
0xa0: {  	v3 =	vand.u32 $0x7, v3;
	v4 =	vand.u32 $0xFFFFFFF0, v61  }
0xa1: {  	v3 =	vor.u32 v3, v4  }
0xa2: {  	v4 =	vperm.xlane v3, v0;
	_ =	sdelay $0x1  }
0xa3: {  	v3 =	vperm.xlane v3, v2;
	v4 =	vadd.s32 v1, v4;
	_ =	sdelay $0x1  }
0xa4: {  	v3 =	vadd.s32 v1, v3;
	_ =	sdelay $0x2  }
0xa5: {  	[tilespmem:s15], [sflag:$0x1] =	stream.indirect_vreg.gather [hbm4b:s3+s2], $0x80, v4, vm0, $0xb8;
	[tilespmem:$0xE000] =	vst v63  }
0xa6: {  	_ = 	snop  }
0xa7: {  	[tilespmem:s16], [sflag:$0x1] =	stream.indirect_vreg.gather [hbm4b:s3+s2], $0x80, v3, vm0, $0xb8;
	[tilespmem:$0xE000] =	vst v63  }
0xa8: {  	v3 =	vld [tilespmem:s6+$0x90];
	_ =	sdelay $0x4  }
0xa9: {  	v62 =	vshll.u32 v3, $0x1  }
0xaa: {  	v3 =	vand.u32 $0x7, v3;
	v4 =	vand.u32 $0xFFFFFFF0, v62  }
0xab: {  	v3 =	vor.u32 v3, v4  }
0xac: {  	v4 =	vperm.xlane v3, v0;
	_ =	sdelay $0x1  }
0xad: {  	v3 =	vperm.xlane v3, v2;
	v4 =	vadd.s32 v1, v4;
	_ =	sdelay $0x1  }
0xae: {  	v3 =	vadd.s32 v1, v3;
	_ =	sdelay $0x2  }
0xaf: {  	[tilespmem:s17], [sflag:$0x1] =	stream.indirect_vreg.gather [hbm4b:s3+s2], $0x80, v4, vm0, $0xb8;
	[tilespmem:$0xE000] =	vst v63  }
0xb0: {  	_ = 	snop  }
0xb1: {  	[tilespmem:s18], [sflag:$0x1] =	stream.indirect_vreg.gather [hbm4b:s3+s2], $0x80, v3, vm0, $0xb8;
	[tilespmem:$0xE000] =	vst v63  }
0xb2: {  	v3 =	vld [tilespmem:s6+$0xA0];
	_ =	sdelay $0x4  }
0xb3: {  	v63 =	vshll.u32 v3, $0x1  }
0xb4: {  	v3 =	vand.u32 $0x7, v3;
	v4 =	vand.u32 $0xFFFFFFF0, v63  }
0xb5: {  	v3 =	vor.u32 v3, v4  }
0xb6: {  	v4 =	vperm.xlane v3, v0;
	_ =	sdelay $0x1  }
0xb7: {  	v3 =	vperm.xlane v3, v2;
	v4 =	vadd.s32 v1, v4;
	_ =	sdelay $0x1  }
0xb8: {  	v3 =	vadd.s32 v1, v3;
	_ =	sdelay $0x2  }
0xb9: {  	[tilespmem:s19], [sflag:$0x1] =	stream.indirect_vreg.gather [hbm4b:s3+s2], $0x80, v4, vm0, $0xb8;
	[tilespmem:$0xE000] =	vst v63  }
0xba: {  	p0 =	sne.s32 s7, $0x4C400  }
0xbb: {  	[tilespmem:s20], [sflag:$0x1] =	stream.indirect_vreg.gather [hbm4b:s3+s2], $0x80, v3, vm0, $0xb8;
	[tilespmem:$0xE000] =	vst v63  }
.Ltmp0:
0xbc: {  	s8 =	sadd.s32 $0xA00, s8;
	(pc) =	sbr.rel @p0 .LBB2_2-.Ltmp0, $4  }
0xbd: {  	[hbm4b:s8+s2] =	stream.linear.scatter [tilespmem:s22], [sflag:$0x3], $0x5000, $0x38;
	[tilespmem:$0xE000] =	vst v63  }
0xbe: {  	_ =	swait.ge [sflag:s10], $0x5000  }
0xbf: {  	[sflag:s10] =	ssyncset.done $0x0  }
0xc0: {  	s7 =	sadd.s32 $0x1400, s7;
	s6 =	sadd.s32 $0x100, s6;
	[sflag:s10] =	ssyncadd.s32 $0xFFFFB000  }
0xc1: {  	_ =	swait.ge [sflag:s21], $0x5000  }
0xc2: {  	[sflag:s21] =	ssyncset.done $0x0  }
0xc3: {  	s6 =	simm.s32 $0x0;
	s7 =	rddreg [dreg:$0x5];
	[sflag:s21] =	ssyncadd.s32 $0xFFFFB000  }
0xc4: {  	[hbm4b:s7+s6] =	stream.linear.scatter [tilespmem:s11], [sflag:$0x3], $0x5000, $0x38;
	[tilespmem:$0xE000] =	vst v63  }
0xc5: {  	_ =	swait.ge [sflag:s10], $0x5000  }
0xc6: {  	[sflag:s10] =	ssyncset.done $0x0  }
0xc7: {  	s8 =	rddreg [dreg:$0x6];
	[sflag:s10] =	ssyncadd.s32 $0xFFFFB000  }
0xc8: {  	[tilespmem:s6], [sflag:$0x3] =	stream.linear.gather [hbm4b:s8+s6], $0x3E80, $0x38;
	[tilespmem:$0xE000] =	vst v63  }
0xc9: {  	_ =	swait.ge [sflag:s10], $0x3E80  }
0xca: {  	[sflag:s10] =	ssyncset.done $0x0  }
0xcb: {  	[sflag:s10] =	ssyncadd.s32 $0xFFFFC180  }
0xcc: {  	v3 =	vld [tilespmem:$0x0];
	_ =	sdelay $0x4  }
0xcd: {  	v4 =	vshll.u32 v3, $0x1  }
0xce: {  	v3 =	vand.u32 $0x7, v3;
	v4 =	vand.u32 $0xFFFFFFF0, v4  }
0xcf: {  	v3 =	vor.u32 v3, v4  }
0xd0: {  	v4 =	vperm.xlane v3, v0;
	_ =	sdelay $0x1  }
0xd1: {  	v3 =	vperm.xlane v3, v2;
	v4 =	vadd.s32 v1, v4;
	_ =	sdelay $0x1  }
0xd2: {  	v3 =	vadd.s32 v1, v3;
	_ =	sdelay $0x2  }
0xd3: {  	[tilespmem:s11], [sflag:$0x1] =	stream.indirect_vreg.gather [hbm4b:s4+s6], $0x80, v4, vm0, $0xb8;
	[tilespmem:$0xE000] =	vst v63  }
0xd4: {  	_ = 	snop  }
0xd5: {  	[tilespmem:s12], [sflag:$0x1] =	stream.indirect_vreg.gather [hbm4b:s4+s6], $0x80, v3, vm0, $0xb8;
	[tilespmem:$0xE000] =	vst v63  }
0xd6: {  	v3 =	vld [tilespmem:$0x10];
	_ =	sdelay $0x4  }
0xd7: {  	v60 =	vshll.u32 v3, $0x1  }
0xd8: {  	v3 =	vand.u32 $0x7, v3;
	v4 =	vand.u32 $0xFFFFFFF0, v60  }
0xd9: {  	v3 =	vor.u32 v3, v4  }
0xda: {  	v4 =	vperm.xlane v3, v0;
	_ =	sdelay $0x1  }
0xdb: {  	v3 =	vperm.xlane v3, v2;
	v4 =	vadd.s32 v1, v4;
	_ =	sdelay $0x1  }
0xdc: {  	v3 =	vadd.s32 v1, v3;
	_ =	sdelay $0x2  }
0xdd: {  	[tilespmem:s13], [sflag:$0x1] =	stream.indirect_vreg.gather [hbm4b:s4+s6], $0x80, v4, vm0, $0xb8;
	[tilespmem:$0xE000] =	vst v63  }
0xde: {  	_ = 	snop  }
0xdf: {  	[tilespmem:s14], [sflag:$0x1] =	stream.indirect_vreg.gather [hbm4b:s4+s6], $0x80, v3, vm0, $0xb8;
	[tilespmem:$0xE000] =	vst v63  }
0xe0: {  	v3 =	vld [tilespmem:$0x20];
	_ =	sdelay $0x4  }
0xe1: {  	v61 =	vshll.u32 v3, $0x1  }
0xe2: {  	v3 =	vand.u32 $0x7, v3;
	v4 =	vand.u32 $0xFFFFFFF0, v61  }
0xe3: {  	v3 =	vor.u32 v3, v4  }
0xe4: {  	v4 =	vperm.xlane v3, v0;
	_ =	sdelay $0x1  }
0xe5: {  	v3 =	vperm.xlane v3, v2;
	v4 =	vadd.s32 v1, v4;
	_ =	sdelay $0x1  }
0xe6: {  	v3 =	vadd.s32 v1, v3;
	_ =	sdelay $0x2  }
0xe7: {  	[tilespmem:s15], [sflag:$0x1] =	stream.indirect_vreg.gather [hbm4b:s4+s6], $0x80, v4, vm0, $0xb8;
	[tilespmem:$0xE000] =	vst v63  }
0xe8: {  	_ = 	snop  }
0xe9: {  	[tilespmem:s16], [sflag:$0x1] =	stream.indirect_vreg.gather [hbm4b:s4+s6], $0x80, v3, vm0, $0xb8;
	[tilespmem:$0xE000] =	vst v63  }
0xea: {  	v3 =	vld [tilespmem:$0x30];
	_ =	sdelay $0x4  }
0xeb: {  	v62 =	vshll.u32 v3, $0x1  }
0xec: {  	v3 =	vand.u32 $0x7, v3;
	v4 =	vand.u32 $0xFFFFFFF0, v62  }
0xed: {  	v3 =	vor.u32 v3, v4  }
0xee: {  	v4 =	vperm.xlane v3, v0;
	_ =	sdelay $0x1  }
0xef: {  	v3 =	vperm.xlane v3, v2;
	v4 =	vadd.s32 v1, v4;
	_ =	sdelay $0x1  }
0xf0: {  	v3 =	vadd.s32 v1, v3;
	_ =	sdelay $0x2  }
0xf1: {  	[tilespmem:s17], [sflag:$0x1] =	stream.indirect_vreg.gather [hbm4b:s4+s6], $0x80, v4, vm0, $0xb8;
	[tilespmem:$0xE000] =	vst v63  }
0xf2: {  	_ = 	snop  }
0xf3: {  	[tilespmem:s18], [sflag:$0x1] =	stream.indirect_vreg.gather [hbm4b:s4+s6], $0x80, v3, vm0, $0xb8;
	[tilespmem:$0xE000] =	vst v63  }
0xf4: {  	v3 =	vld [tilespmem:$0x40];
	_ =	sdelay $0x4  }
0xf5: {  	v63 =	vshll.u32 v3, $0x1  }
0xf6: {  	v3 =	vand.u32 $0x7, v3;
	v4 =	vand.u32 $0xFFFFFFF0, v63  }
0xf7: {  	v3 =	vor.u32 v3, v4  }
0xf8: {  	v4 =	vperm.xlane v3, v0;
	_ =	sdelay $0x1  }
0xf9: {  	v3 =	vperm.xlane v3, v2;
	v4 =	vadd.s32 v1, v4;
	_ =	sdelay $0x1  }
0xfa: {  	v3 =	vadd.s32 v1, v3;
	_ =	sdelay $0x2  }
0xfb: {  	[tilespmem:s19], [sflag:$0x1] =	stream.indirect_vreg.gather [hbm4b:s4+s6], $0x80, v4, vm0, $0xb8;
	[tilespmem:$0xE000] =	vst v63  }
0xfc: {  	s7 =	simm.s32 $0xA0  }
0xfd: {  	[tilespmem:s20], [sflag:$0x1] =	stream.indirect_vreg.gather [hbm4b:s4+s6], $0x80, v3, vm0, $0xb8;
	[tilespmem:$0xE000] =	vst v63  }
.LBB2_4:
0xfe: {  	_ =	swait.ge [sflag:s21], $0x5000  }
0xff: {  	[sflag:s21] =	ssyncset.done $0x0  }
0x100: {  	[sflag:s21] =	ssyncadd.s32 $0xFFFFB000  }
0x101: {  	v3 =	vld [tilespmem:s7+$0xFFFFFFE0];
	_ =	sdelay $0x4  }
0x102: {  	v4 =	vshll.u32 v3, $0x1  }
0x103: {  	v3 =	vand.u32 $0x7, v3;
	v4 =	vand.u32 $0xFFFFFFF0, v4  }
0x104: {  	v3 =	vor.u32 v3, v4  }
0x105: {  	v4 =	vperm.xlane v3, v0;
	_ =	sdelay $0x1  }
0x106: {  	v3 =	vperm.xlane v3, v2;
	v4 =	vadd.s32 v1, v4;
	_ =	sdelay $0x1  }
0x107: {  	v3 =	vadd.s32 v1, v3;
	_ =	sdelay $0x2  }
0x108: {  	[tilespmem:s22], [sflag:$0x2] =	stream.indirect_vreg.gather [hbm4b:s4+s2], $0x80, v4, vm0, $0xb8;
	[tilespmem:$0xE000] =	vst v63  }
0x109: {  	_ = 	snop  }
0x10a: {  	[tilespmem:s23], [sflag:$0x2] =	stream.indirect_vreg.gather [hbm4b:s4+s2], $0x80, v3, vm0, $0xb8;
	[tilespmem:$0xE000] =	vst v63  }
0x10b: {  	v3 =	vld [tilespmem:s7+$0xFFFFFFF0];
	_ =	sdelay $0x4  }
0x10c: {  	v55 =	vshll.u32 v3, $0x1  }
0x10d: {  	v3 =	vand.u32 $0x7, v3;
	v4 =	vand.u32 $0xFFFFFFF0, v55  }
0x10e: {  	v3 =	vor.u32 v3, v4  }
0x10f: {  	v4 =	vperm.xlane v3, v0;
	_ =	sdelay $0x1  }
0x110: {  	v3 =	vperm.xlane v3, v2;
	v4 =	vadd.s32 v1, v4;
	_ =	sdelay $0x1  }
0x111: {  	v3 =	vadd.s32 v1, v3;
	_ =	sdelay $0x2  }
0x112: {  	[tilespmem:s24], [sflag:$0x2] =	stream.indirect_vreg.gather [hbm4b:s4+s2], $0x80, v4, vm0, $0xb8;
	[tilespmem:$0xE000] =	vst v63  }
0x113: {  	_ = 	snop  }
0x114: {  	[tilespmem:s25], [sflag:$0x2] =	stream.indirect_vreg.gather [hbm4b:s4+s2], $0x80, v3, vm0, $0xb8;
	[tilespmem:$0xE000] =	vst v63  }
0x115: {  	v3 =	vld [tilespmem:s7+$0x0];
	_ =	sdelay $0x4  }
0x116: {  	v56 =	vshll.u32 v3, $0x1  }
0x117: {  	v3 =	vand.u32 $0x7, v3;
	v4 =	vand.u32 $0xFFFFFFF0, v56  }
0x118: {  	v3 =	vor.u32 v3, v4  }
0x119: {  	v4 =	vperm.xlane v3, v0;
	_ =	sdelay $0x1  }
0x11a: {  	v3 =	vperm.xlane v3, v2;
	v4 =	vadd.s32 v1, v4;
	_ =	sdelay $0x1  }
0x11b: {  	v3 =	vadd.s32 v1, v3;
	_ =	sdelay $0x2  }
0x11c: {  	[tilespmem:s26], [sflag:$0x2] =	stream.indirect_vreg.gather [hbm4b:s4+s2], $0x80, v4, vm0, $0xb8;
	[tilespmem:$0xE000] =	vst v63  }
0x11d: {  	_ = 	snop  }
0x11e: {  	[tilespmem:s28], [sflag:$0x2] =	stream.indirect_vreg.gather [hbm4b:s4+s2], $0x80, v3, vm0, $0xb8;
	[tilespmem:$0xE000] =	vst v63  }
0x11f: {  	v3 =	vld [tilespmem:s7+$0x10];
	_ =	sdelay $0x4  }
0x120: {  	v57 =	vshll.u32 v3, $0x1  }
0x121: {  	v3 =	vand.u32 $0x7, v3;
	v4 =	vand.u32 $0xFFFFFFF0, v57  }
0x122: {  	v3 =	vor.u32 v3, v4  }
0x123: {  	v4 =	vperm.xlane v3, v0;
	_ =	sdelay $0x1  }
0x124: {  	v3 =	vperm.xlane v3, v2;
	v4 =	vadd.s32 v1, v4;
	_ =	sdelay $0x1  }
0x125: {  	v3 =	vadd.s32 v1, v3;
	_ =	sdelay $0x2  }
0x126: {  	[tilespmem:s29], [sflag:$0x2] =	stream.indirect_vreg.gather [hbm4b:s4+s2], $0x80, v4, vm0, $0xb8;
	[tilespmem:$0xE000] =	vst v63  }
0x127: {  	_ = 	snop  }
0x128: {  	[tilespmem:s30], [sflag:$0x2] =	stream.indirect_vreg.gather [hbm4b:s4+s2], $0x80, v3, vm0, $0xb8;
	[tilespmem:$0xE000] =	vst v63  }
0x129: {  	v3 =	vld [tilespmem:s7+$0x20];
	_ =	sdelay $0x4  }
0x12a: {  	v58 =	vshll.u32 v3, $0x1  }
0x12b: {  	v3 =	vand.u32 $0x7, v3;
	v4 =	vand.u32 $0xFFFFFFF0, v58  }
0x12c: {  	v3 =	vor.u32 v3, v4  }
0x12d: {  	v4 =	vperm.xlane v3, v0;
	_ =	sdelay $0x1  }
0x12e: {  	v3 =	vperm.xlane v3, v2;
	v4 =	vadd.s32 v1, v4;
	_ =	sdelay $0x1  }
0x12f: {  	v3 =	vadd.s32 v1, v3;
	_ =	sdelay $0x2  }
0x130: {  	[tilespmem:s31], [sflag:$0x2] =	stream.indirect_vreg.gather [hbm4b:s4+s2], $0x80, v4, vm0, $0xb8;
	[tilespmem:$0xE000] =	vst v63  }
0x131: {  	s8 =	rddreg [dreg:$0x3]  }
0x132: {  	[tilespmem:s0], [sflag:$0x2] =	stream.indirect_vreg.gather [hbm4b:s4+s2], $0x80, v3, vm0, $0xb8;
	[tilespmem:$0xE000] =	vst v63  }
0x133: {  	s8 =	sadd.s32 s6, s8  }
0x134: {  	[hbm4b:s8+s2] =	stream.linear.scatter [tilespmem:s11], [sflag:$0x3], $0x5000, $0x38;
	[tilespmem:$0xE000] =	vst v63  }
0x135: {  	_ =	swait.ge [sflag:s10], $0x5000  }
0x136: {  	[sflag:s10] =	ssyncset.done $0x0  }
0x137: {  	[sflag:s10] =	ssyncadd.s32 $0xFFFFB000  }
0x138: {  	_ =	swait.ge [sflag:s1], $0x5000  }
0x139: {  	[sflag:s1] =	ssyncset.done $0x0  }
0x13a: {  	[sflag:s1] =	ssyncadd.s32 $0xFFFFB000  }
0x13b: {  	v3 =	vld [tilespmem:s7+$0x60];
	_ =	sdelay $0x4  }
0x13c: {  	v59 =	vshll.u32 v3, $0x1  }
0x13d: {  	v3 =	vand.u32 $0x7, v3;
	v4 =	vand.u32 $0xFFFFFFF0, v59  }
0x13e: {  	v3 =	vor.u32 v3, v4  }
0x13f: {  	v4 =	vperm.xlane v3, v0;
	_ =	sdelay $0x1  }
0x140: {  	v3 =	vperm.xlane v3, v2;
	v4 =	vadd.s32 v1, v4;
	_ =	sdelay $0x1  }
0x141: {  	v3 =	vadd.s32 v1, v3;
	_ =	sdelay $0x2  }
0x142: {  	[tilespmem:s11], [sflag:$0x1] =	stream.indirect_vreg.gather [hbm4b:s4+s2], $0x80, v4, vm0, $0xb8;
	[tilespmem:$0xE000] =	vst v63  }
0x143: {  	_ = 	snop  }
0x144: {  	[tilespmem:s12], [sflag:$0x1] =	stream.indirect_vreg.gather [hbm4b:s4+s2], $0x80, v3, vm0, $0xb8;
	[tilespmem:$0xE000] =	vst v63  }
0x145: {  	v3 =	vld [tilespmem:s7+$0x70];
	_ =	sdelay $0x4  }
0x146: {  	v60 =	vshll.u32 v3, $0x1  }
0x147: {  	v3 =	vand.u32 $0x7, v3;
	v4 =	vand.u32 $0xFFFFFFF0, v60  }
0x148: {  	v3 =	vor.u32 v3, v4  }
0x149: {  	v4 =	vperm.xlane v3, v0;
	_ =	sdelay $0x1  }
0x14a: {  	v3 =	vperm.xlane v3, v2;
	v4 =	vadd.s32 v1, v4;
	_ =	sdelay $0x1  }
0x14b: {  	v3 =	vadd.s32 v1, v3;
	_ =	sdelay $0x2  }
0x14c: {  	[tilespmem:s13], [sflag:$0x1] =	stream.indirect_vreg.gather [hbm4b:s4+s2], $0x80, v4, vm0, $0xb8;
	[tilespmem:$0xE000] =	vst v63  }
0x14d: {  	_ = 	snop  }
0x14e: {  	[tilespmem:s14], [sflag:$0x1] =	stream.indirect_vreg.gather [hbm4b:s4+s2], $0x80, v3, vm0, $0xb8;
	[tilespmem:$0xE000] =	vst v63  }
0x14f: {  	v3 =	vld [tilespmem:s7+$0x80];
	_ =	sdelay $0x4  }
0x150: {  	v61 =	vshll.u32 v3, $0x1  }
0x151: {  	v3 =	vand.u32 $0x7, v3;
	v4 =	vand.u32 $0xFFFFFFF0, v61  }
0x152: {  	v3 =	vor.u32 v3, v4  }
0x153: {  	v4 =	vperm.xlane v3, v0;
	_ =	sdelay $0x1  }
0x154: {  	v3 =	vperm.xlane v3, v2;
	v4 =	vadd.s32 v1, v4;
	_ =	sdelay $0x1  }
0x155: {  	v3 =	vadd.s32 v1, v3;
	_ =	sdelay $0x2  }
0x156: {  	[tilespmem:s15], [sflag:$0x1] =	stream.indirect_vreg.gather [hbm4b:s4+s2], $0x80, v4, vm0, $0xb8;
	[tilespmem:$0xE000] =	vst v63  }
0x157: {  	_ = 	snop  }
0x158: {  	[tilespmem:s16], [sflag:$0x1] =	stream.indirect_vreg.gather [hbm4b:s4+s2], $0x80, v3, vm0, $0xb8;
	[tilespmem:$0xE000] =	vst v63  }
0x159: {  	v3 =	vld [tilespmem:s7+$0x90];
	_ =	sdelay $0x4  }
0x15a: {  	v62 =	vshll.u32 v3, $0x1  }
0x15b: {  	v3 =	vand.u32 $0x7, v3;
	v4 =	vand.u32 $0xFFFFFFF0, v62  }
0x15c: {  	v3 =	vor.u32 v3, v4  }
0x15d: {  	v4 =	vperm.xlane v3, v0;
	_ =	sdelay $0x1  }
0x15e: {  	v3 =	vperm.xlane v3, v2;
	v4 =	vadd.s32 v1, v4;
	_ =	sdelay $0x1  }
0x15f: {  	v3 =	vadd.s32 v1, v3;
	_ =	sdelay $0x2  }
0x160: {  	[tilespmem:s17], [sflag:$0x1] =	stream.indirect_vreg.gather [hbm4b:s4+s2], $0x80, v4, vm0, $0xb8;
	[tilespmem:$0xE000] =	vst v63  }
0x161: {  	_ = 	snop  }
0x162: {  	[tilespmem:s18], [sflag:$0x1] =	stream.indirect_vreg.gather [hbm4b:s4+s2], $0x80, v3, vm0, $0xb8;
	[tilespmem:$0xE000] =	vst v63  }
0x163: {  	v3 =	vld [tilespmem:s7+$0xA0];
	_ =	sdelay $0x4  }
0x164: {  	v63 =	vshll.u32 v3, $0x1  }
0x165: {  	v3 =	vand.u32 $0x7, v3;
	v4 =	vand.u32 $0xFFFFFFF0, v63  }
0x166: {  	v3 =	vor.u32 v3, v4  }
0x167: {  	v4 =	vperm.xlane v3, v0;
	_ =	sdelay $0x1  }
0x168: {  	v3 =	vperm.xlane v3, v2;
	v4 =	vadd.s32 v1, v4;
	_ =	sdelay $0x1  }
0x169: {  	v3 =	vadd.s32 v1, v3;
	_ =	sdelay $0x2  }
0x16a: {  	[tilespmem:s19], [sflag:$0x1] =	stream.indirect_vreg.gather [hbm4b:s4+s2], $0x80, v4, vm0, $0xb8;
	[tilespmem:$0xE000] =	vst v63  }
0x16b: {  	p0 =	sne.s32 s6, $0x4C400  }
0x16c: {  	[tilespmem:s20], [sflag:$0x1] =	stream.indirect_vreg.gather [hbm4b:s4+s2], $0x80, v3, vm0, $0xb8;
	[tilespmem:$0xE000] =	vst v63  }
.Ltmp1:
0x16d: {  	s8 =	sadd.s32 $0xA00, s8;
	(pc) =	sbr.rel @p0 .LBB2_4-.Ltmp1, $4  }
0x16e: {  	[hbm4b:s8+s2] =	stream.linear.scatter [tilespmem:s22], [sflag:$0x3], $0x5000, $0x38;
	[tilespmem:$0xE000] =	vst v63  }
0x16f: {  	_ =	swait.ge [sflag:s10], $0x5000  }
0x170: {  	[sflag:s10] =	ssyncset.done $0x0  }
0x171: {  	s6 =	sadd.s32 $0x1400, s6;
	s7 =	sadd.s32 $0x100, s7;
	[sflag:s10] =	ssyncadd.s32 $0xFFFFB000  }
0x172: {  	_ =	swait.ge [sflag:s21], $0x5000;
	s5 =	sadd.s32 $0x1, s5  }
0x173: {  	[sflag:s21] =	ssyncset.done $0x0;
	p0 =	sne.s32 s5, s9  }
.Ltmp2:
0x174: {  	s6 =	rddreg [dreg:$0x7];
	[sflag:s21] =	ssyncadd.s32 $0xFFFFB000;
	(pc) =	sbr.rel @p0 .LBB2_1-.Ltmp2, $4  }
0x175: {  	[hbm4b:s6+s2] =	stream.linear.scatter [tilespmem:s11], [sflag:$0x3], $0x5000, $0x38;
	[tilespmem:$0xE000] =	vst v63  }
0x176: {  	_ =	swait.ge [sflag:s10], $0x5000  }
0x177: {  	[sflag:s10] =	ssyncset.done $0x0  }
0x178: {  	[sflag:s10] =	ssyncadd.s32 $0xFFFFB000  }
0x179: {  	_ =	sfence.sel $0x180000  }
0x17a: {  	[bflag:$0x0] =	sbarrier.arrive $0xFFFF  }
0x17b: {  	_ =	strace $0x90000047  }
0x17c: {  	s0 =	stileid.u32;
	[bflag:$0x2] =	sbarrier.arrive $0xFFFF  }
0x17d: {  	p0 =	sne.s32 s0, $0x0;
	s0 =	rddreg [dreg:$0x1]  }
0x17e: {  	s0 =	sadd.s32 @!p0 $0x100000, s0  }
0x17f: {  	[sflag:s0] =	ssyncadd.tile.s32 @!p0 $0x1;
	_ =	shalt  }
.Lfunc_end2:
_tile_overlayer_lowered:
.L_overlay_start_2:
0x180: {  	(tag) =	ssettag $0x2  }
0x181: {  	s0 =	rddreg [dreg:$0x0];
	s2 =	stileid.u32  }
0x182: {  	s1 =	rddreg [dreg:$0x1];
	p0 =	sne.s32 s2, $0x0  }
0x183: {  	s3 =	rddreg [dreg:$0x2];
	[bflag:$0x3] =	sbarrier.arrive $0xFFFF;
	s2 =	simm.s32 @!p0 $0x1C03  }
0x184: {  	[timem:s3], [sflag:s2] =	dma.local @!p0 [hbm:s0], s1  }
0x185: {  	s0 =	simm.s32 @!p0 $0x3  }
0x186: {  	_ =	swait.ge @!p0 [sflag:s0], s1  }
0x187: {  	s1 =	ssub.s32 @!p0 $0x0, s1;
	[sflag:s0] =	ssyncset.done @!p0 $0x0  }
0x188: {  	[sflag:s0] =	ssyncadd.s32 @!p0 s1  }
0x189: {  	[bflag:$0x3] =	sbarrier.arrive $0xFFFF  }
0x18a: {  	_ =	shalt  }

</sc_bundles>
